<compile_context>
chip_gen: v7x
topology: tpu7x:2x2x1
jax: 0.10.2.dev20260603
libtpu: 0.0.44.dev20260713+nightly
codegen_flags: <defaults>
</compile_context>

<pallas_src>
import jax
import jax.numpy as jnp
from jax import lax
from jax.experimental import pallas as pl
from jax.experimental.pallas import tpu as pltpu
from jax.experimental.pallas import tpu_sc as plsc

VOCAB = 100000
DIM = 128
POS = 200
PAD = 0
MEM = 200
BATCH = 1024
WIDTH = 4

NC, NS, L = 2, 16, 16
NW = NC * NS
BPW = BATCH // NW
NCHUNK = 8
NT = 3 * NCHUNK
CROWS = MEM * WIDTH // NCHUNK
MPC = MEM // NCHUNK
MPAD = 224
PK_N0 = 0
PK_PZ = MPAD
PK_TOT = 2 * MPAD
PK_W = 2 * MPAD + 32

_PB = 128
_BB = 32


def _prep_body(sm_ref, pos_ref, n0_ref, pz_ref, tot_ref):
    sm = sm_ref[...]
    nonpad = sm[:, 0, :] != PAD
    npf = nonpad.astype(jnp.float32)
    ri = lax.broadcasted_iota(jnp.int32, (MPAD, MPAD), 0)
    ci = lax.broadcasted_iota(jnp.int32, (MPAD, MPAD), 1)
    tri = (ri <= ci).astype(jnp.float32)
    posf = jax.lax.dot_general(npf, tri, (((1,), (0,)), ((), ())),
                               preferred_element_type=jnp.float32)
    pos_ref[...] = jnp.where(nonpad, posf, 0.0).astype(jnp.int32)
    n0 = (sm == PAD).astype(jnp.float32).sum(axis=1)
    n0_ref[...] = n0
    pz_ref[...] = 1.0 - npf
    tot_ref[...] = jnp.broadcast_to(jnp.sum(n0, axis=1, keepdims=True),
                                    (sm.shape[0], 32))


def _prep(sm):
    grid = (BATCH // _PB,)
    out_sh = [
        jax.ShapeDtypeStruct((BATCH, MPAD), jnp.int32),
        jax.ShapeDtypeStruct((BATCH, MPAD), jnp.float32),
        jax.ShapeDtypeStruct((BATCH, MPAD), jnp.float32),
        jax.ShapeDtypeStruct((BATCH, 32), jnp.float32),
    ]
    ospec = pl.BlockSpec((_PB, MPAD), lambda i: (i, 0))
    return pl.pallas_call(
        _prep_body,
        grid=grid,
        in_specs=[pl.BlockSpec((_PB, WIDTH, MPAD), lambda i: (i, 0, 0))],
        out_specs=[ospec, ospec, ospec, pl.BlockSpec((_PB, 32), lambda i: (i, 0))],
        out_shape=out_sh,
    )(sm)


def _sc_pool_body(cflat, s3_hbm, fpack_hbm, mout,
                  sidx, fpackbuf, rowbuf, mbuf, crow,
                  gsem, osem):
    wid = lax.axis_index("s") * NC + lax.axis_index("c")

    for ki in range(3):
        pltpu.sync_copy(cflat.at[pl.ds((ki + 1) * VOCAB, 1)],
                        crow.at[pl.ds(ki, 1)])

    b0 = wid * BPW
    pltpu.sync_copy(s3_hbm.at[b0], sidx.at[0])
    pltpu.async_copy(cflat.at[sidx.at[0, 0]], rowbuf.at[0], gsem)

    def bstep(i, _):
        b = wid * BPW + i
        sb = i % 2
        @pl.when(i > 0)
        def _drain():
            pltpu.make_async_copy(mbuf.at[0], mout.at[0, b], osem).wait()
            pltpu.make_async_copy(mbuf.at[0], mout.at[0, b], osem).wait()

        pltpu.sync_copy(fpack_hbm.at[b], fpackbuf)
        anyv = fpackbuf[pl.ds(PK_TOT, L)][0] > 0.0

        def tstep(t, _):
            c = t % NCHUNK
            ki = t // NCHUNK
            tb = t % 2
            mb = mbuf.at[ki % 2]

            @pl.when(t < NT - 1)
            def _issue():
                pltpu.async_copy(cflat.at[sidx.at[sb, t + 1]],
                                 rowbuf.at[(t + 1) % 2], gsem)

            @pl.when(t == 2 * NCHUNK)
            def _wait_out0():
                pltpu.make_async_copy(mbuf.at[0], mout.at[0, b], osem).wait()

            pltpu.make_async_copy(cflat.at[sidx.at[sb, t]], rowbuf.at[tb],
                                  gsem).wait()

            @plsc.parallel_loop(0, MPC, unroll=25)
            def _mstep(ml):
                mg = c * MPC + ml
                r = 4 * ml
                rb = rowbuf.at[tb]
                for j in range(DIM // L):
                    sl = pl.ds(L * j, L)
                    acc = (rb[r, sl] + rb[r + 1, sl]) + (rb[r + 2, sl]
                                                         + rb[r + 3, sl])
                    mb[mg, sl] = acc

            @pl.when(c == NCHUNK - 1)
            def _finish():
                @pl.when(anyv)
                def _fx():
                    def fstep(ml, _):
                        n0f = fpackbuf[pl.ds(PK_N0 + ml, L)][0]

                        @pl.when(n0f > 0.0)
                        def _dofix():
                            n0v = jnp.broadcast_to(n0f, (L,))
                            for j in range(DIM // L):
                                sl = pl.ds(L * j, L)
                                mb[ml, sl] = mb[ml, sl] - n0v * crow[ki, sl]

                        return 0

                    lax.fori_loop(0, MEM, fstep, 0)

                pltpu.async_copy(mb, mout.at[ki, b], osem)

                @pl.when((ki == 2) & (i < BPW - 1))
                def _pre():
                    pltpu.sync_copy(s3_hbm.at[b + 1], sidx.at[1 - sb])
                    pltpu.async_copy(cflat.at[sidx.at[1 - sb, 0]],
                                     rowbuf.at[0], gsem)

            return 0

        lax.fori_loop(0, NT, tstep, 0)
        return 0

    lax.fori_loop(0, BPW, bstep, 0)
    pltpu.make_async_copy(mbuf.at[0], mout.at[0, 0], osem).wait()
    pltpu.make_async_copy(mbuf.at[0], mout.at[0, 0], osem).wait()


def _sc_pool(cflat, s3, fpack):
    mesh = plsc.VectorSubcoreMesh(core_axis_name="c", subcore_axis_name="s",
                                  num_cores=NC, num_subcores=NS)
    f = pl.kernel(
        _sc_pool_body,
        out_type=jax.ShapeDtypeStruct((3, BATCH, MEM, DIM), jnp.float32),
        mesh=mesh,
        scratch_types=[
            pltpu.VMEM((2, NT, CROWS), jnp.int32),
            pltpu.VMEM((PK_W,), jnp.float32),
            pltpu.VMEM((2, CROWS, DIM), jnp.float32),
            pltpu.VMEM((2, MEM, DIM), jnp.float32),
            pltpu.VMEM((3, DIM), jnp.float32),
            pltpu.SemaphoreType.DMA,
            pltpu.SemaphoreType.DMA,
        ],
    )
    return f(cflat, s3, fpack)


def _att_body(m1_ref, m2_ref, m3_ref, posx_ref, pt_ref, u_ref):
    pos = posx_ref[...][:, :MEM]
    pos3 = pos[:, :, None]
    iota3 = lax.broadcasted_iota(jnp.int32, (_BB, MEM, MPAD), 2)
    oh = ((pos3 == iota3) & (pos3 > 0)).astype(jnp.float32)
    pt = pt_ref[...]
    pt_hi = pt.astype(jnp.bfloat16).astype(jnp.float32)
    pt_lo = pt - pt_hi
    dn = (((2,), (0,)), ((), ()))
    ep = (jax.lax.dot_general(oh, pt_hi, dn,
                              preferred_element_type=jnp.float32)
          + jax.lax.dot_general(oh, pt_lo, dn,
                                preferred_element_type=jnp.float32))
    m1 = m1_ref[0] + ep
    m2 = m2_ref[0] + ep
    m3 = m3_ref[0] + ep
    u1 = jnp.mean(m1, axis=1)
    l1 = jnp.sum(m1 * u1[:, None, :], axis=2)
    p1 = jax.nn.softmax(l1, axis=1)
    u2 = u1 + jnp.sum(m2 * p1[:, :, None], axis=1)
    l2 = jnp.sum(m2 * u2[:, None, :], axis=2)
    p2 = jax.nn.softmax(l2, axis=1)
    u_ref[...] = u2 + jnp.sum(m3 * p2[:, :, None], axis=1)


def _attention(m, posx, ptp):
    grid = (BATCH // _BB,)

    def spec(k):
        return pl.BlockSpec((1, _BB, MEM, DIM), lambda i, k=k: (k, i, 0, 0))

    return pl.pallas_call(
        _att_body,
        grid=grid,
        in_specs=[
            spec(0), spec(1), spec(2),
            pl.BlockSpec((_BB, MPAD), lambda i: (i, 0)),
            pl.BlockSpec((MPAD, DIM), lambda i: (0, 0)),
        ],
        out_specs=pl.BlockSpec((_BB, DIM), lambda i: (i, 0)),
        out_shape=jax.ShapeDtypeStruct((BATCH, DIM), jnp.float32),
    )(m, m, m, posx, ptp)


def kernel(C, pos_table, story):
    cflat = C.reshape(4 * VOCAB, DIM)
    s2 = jnp.transpose(story, (1, 0, 2)).reshape(BATCH, MEM * WIDTH)
    offs = (jnp.arange(1, 4, dtype=jnp.int32) * VOCAB)[None, :, None]
    s3 = (s2[:, None, :] + offs).reshape(BATCH, NT, CROWS)
    sm = jnp.pad(jnp.transpose(story, (1, 2, 0)),
                 ((0, 0), (0, 0), (0, MPAD - MEM)), constant_values=1)
    posx, n0, pz, tot = _prep(sm)
    fpack = jnp.concatenate([n0, pz, tot], axis=1)
    ptp = jnp.pad(pos_table, ((0, MPAD - (POS + 1)), (0, 0)))
    m = _sc_pool(cflat, s3, fpack)
    return _attention(m, posx, ptp)

# --- scband reference (transcript-rebuilt; emitter-appended) ---
"""Pipeline reference for scband-mem2-seq-65747359367944 (READ-ONLY COPY).

The authoritative reference and input builder live on the scoring server;
editing this copy changes nothing except your own understanding.
"""

import jax, jax.numpy as jnp
import numpy as np

VOCAB = 100000
DIM = 128
HOPS = 3
POS = 200
PAD = 0
MEM = 200
BATCH = 1024
WIDTH = 4


def setup_inputs(seed: int = 0) -> dict:
    key = jax.random.key(seed)
    k1, k2, k3 = jax.random.split(key, 3)
    story = jax.random.randint(k1, (MEM, BATCH, WIDTH), 0, VOCAB, dtype=jnp.int32)
    C = 0.1 * jax.random.normal(k2, (HOPS + 1, VOCAB, DIM), dtype=jnp.float32)
    pos_table = jax.random.normal(k3, (POS + 1, DIM), dtype=jnp.float32)
    return {"C": C, "pos_table": pos_table, "story": story}


def _forward(C, pos_table, story):
    # padding_idx rows are zero (nn.Embedding padding_idx semantics)
    C = C.at[:, PAD, :].set(0.0)
    pos_table = pos_table.at[PAD].set(0.0)
    s = jnp.transpose(story, (1, 0, 2))  # [B, M, W]
    B = s.shape[0]
    padding_mask = s[:, :, 0] == PAD
    positions = jnp.cumsum((~padding_mask).astype(jnp.int32), axis=-1)
    positions = jnp.where(padding_mask, PAD, positions)
    embed_pos = pos_table[positions]  # [B, M, DIM]
    u = jnp.zeros((B, DIM), dtype=jnp.float32)
    for hop in range(HOPS):
        embed_A = jnp.take(C[hop], s.reshape(B, -1), axis=0).reshape(s.shape + (DIM,))
        m_A = jnp.sum(embed_A, axis=2) + embed_pos  # [B, M, DIM]
        prob = jax.nn.softmax(jnp.sum(m_A * u[:, None, :], axis=2), axis=1)  # [B, M]
        embed_Cm = jnp.take(C[hop + 1], s.reshape(B, -1), axis=0).reshape(s.shape + (DIM,))
        m_C = jnp.sum(embed_Cm, axis=2) + embed_pos
        o_k = jnp.sum(m_C * prob[:, :, None], axis=1)  # [B, DIM]
        u = u + o_k
    return u


def reference(C, pos_table, story):
    return _forward(C, pos_table, story)

if __name__ == "__main__":
    import jax
    _d = setup_inputs()
    print(jax.jit(kernel)(*tuple(_d.values())))

</pallas_src>

<mosaic_0001>
#map = affine_map<(d0, d1) -> (0, 0)>
#map1 = affine_map<(d0, d1) -> (0, 0, 0)>
#map2 = affine_map<(d0, d1) -> (0, 0, 0, 0)>
module attributes {stable_mosaic.version = 14 : i64} {
  func.func @_sc_pool_body(%arg0: i32, %arg1: i32, %arg2: memref<400000x128xf32, #tpu.memory_space<hbm>>, %arg3: memref<1024x24x100xi32, #tpu.memory_space<hbm>>, %arg4: memref<1024x480xf32, #tpu.memory_space<hbm>>, %arg5: memref<3x1024x200x128xf32, #tpu.memory_space<hbm>>, %arg6: memref<2x24x100xi32, #tpu.memory_space<vmem>>, %arg7: memref<480xf32, #tpu.memory_space<vmem>>, %arg8: memref<2x100x128xf32, #tpu.memory_space<vmem>>, %arg9: memref<2x200x128xf32, #tpu.memory_space<vmem>>, %arg10: memref<3x128xf32, #tpu.memory_space<vmem>>, %arg11: memref<!tpu.dma_semaphore, #tpu.memory_space<semaphore_mem>>, %arg12: memref<!tpu.dma_semaphore, #tpu.memory_space<semaphore_mem>>) attributes {dimension_semantics = [#tpu.dimension_semantics<core_parallel>, #tpu.dimension_semantics<subcore_parallel>], iteration_bounds = array<i64: 2, 16>, scalar_prefetch = 0 : i64, scratch_operands = 7 : i64, tpu.core_type = #tpu.core_type<sc_vector_subcore>, window_params = [{transform_indices = #map}, {transform_indices = #map1}, {transform_indices = #map}, {transform_indices = #map2}]} {
    %mul3A = arith.constant 2 : i32
    %mul3A_0 = arith.muli %arg1, %mul3A : i32
    %add3A = arith.addi %mul3A_0, %arg0 : i32
    "tpu.region"() ({
      %run_scoped3A_58 = tpu.sem_alloc : memref<!tpu.dma_semaphore, #tpu.memory_space<semaphore_mem>>
      %dma_start3A_59 = arith.constant 0 : i32
      %dma_start3A_60 = arith.constant 0 : i32
      %dma_start3A_61 = tpu.memref_slice %arg10[%dma_start3A_59, %dma_start3A_60] : memref<3x128xf32, #tpu.memory_space<vmem>> -> memref<1x128xf32, #tpu.memory_space<vmem>>
      %dma_start3A_62 = arith.constant 100000 : i32
      %dma_start3A_63 = arith.constant 0 : i32
      %dma_start3A_64 = tpu.memref_slice %arg2[%dma_start3A_62, %dma_start3A_63] : memref<400000x128xf32, #tpu.memory_space<hbm>> -> memref<1x128xf32, #tpu.memory_space<hbm>>
      %dma_start3A_65 = arith.constant 0 : i32
      %dma_start3A_66 = arith.constant 0 : i32
      %dma_start3A_67 = tpu.memref_slice %arg10[%dma_start3A_65, %dma_start3A_66] : memref<3x128xf32, #tpu.memory_space<vmem>> -> memref<1x128xf32, #tpu.memory_space<vmem>>
      %dma_start3A_68 = arith.constant 100000 : i32
      %dma_start3A_69 = arith.constant 0 : i32
      %dma_start3A_70 = tpu.memref_slice %arg2[%dma_start3A_68, %dma_start3A_69] : memref<400000x128xf32, #tpu.memory_space<hbm>> -> memref<1x128xf32, #tpu.memory_space<hbm>>
      tpu.enqueue_dma source(%dma_start3A_70 : memref<1x128xf32, #tpu.memory_space<hbm>>) target(%dma_start3A_67 : memref<1x128xf32, #tpu.memory_space<vmem>>) target_semaphore(%run_scoped3A_58 : memref<!tpu.dma_semaphore, #tpu.memory_space<semaphore_mem>>)
      %dma_wait3A_71 = arith.constant 0 : i32
      %dma_wait3A_72 = arith.constant 0 : i32
      %dma_wait3A_73 = tpu.memref_slice %arg10[%dma_wait3A_71, %dma_wait3A_72] : memref<3x128xf32, #tpu.memory_space<vmem>> -> memref<1x128xf32, #tpu.memory_space<vmem>>
      %dma_wait3A_74 = arith.constant 100000 : i32
      %dma_wait3A_75 = arith.constant 0 : i32
      %dma_wait3A_76 = tpu.memref_slice %arg2[%dma_wait3A_74, %dma_wait3A_75] : memref<400000x128xf32, #tpu.memory_space<hbm>> -> memref<1x128xf32, #tpu.memory_space<hbm>>
      %dma_wait3A_77 = arith.constant 0 : i32
      %dma_wait3A_78 = arith.constant 0 : i32
      %dma_wait3A_79 = tpu.memref_slice %arg10[%dma_wait3A_77, %dma_wait3A_78] : memref<3x128xf32, #tpu.memory_space<vmem>> -> memref<1x128xf32, #tpu.memory_space<vmem>>
      %dma_wait3A_80 = arith.constant 100000 : i32
      %dma_wait3A_81 = arith.constant 0 : i32
      %dma_wait3A_82 = tpu.memref_slice %arg2[%dma_wait3A_80, %dma_wait3A_81] : memref<400000x128xf32, #tpu.memory_space<hbm>> -> memref<1x128xf32, #tpu.memory_space<hbm>>
      tpu.wait_dma2 semaphore(%run_scoped3A_58 : memref<!tpu.dma_semaphore, #tpu.memory_space<semaphore_mem>>) src(%dma_wait3A_82 : memref<1x128xf32, #tpu.memory_space<hbm>>) dst(%dma_wait3A_79 : memref<1x128xf32, #tpu.memory_space<vmem>>)
      tpu.yield
    }) : () -> ()
    "tpu.region"() ({
      %run_scoped3A_58 = tpu.sem_alloc : memref<!tpu.dma_semaphore, #tpu.memory_space<semaphore_mem>>
      %dma_start3A_59 = arith.constant 1 : i32
      %dma_start3A_60 = arith.constant 0 : i32
      %dma_start3A_61 = tpu.memref_slice %arg10[%dma_start3A_59, %dma_start3A_60] : memref<3x128xf32, #tpu.memory_space<vmem>> -> memref<1x128xf32, #tpu.memory_space<vmem>>
      %dma_start3A_62 = arith.constant 200000 : i32
      %dma_start3A_63 = arith.constant 0 : i32
      %dma_start3A_64 = tpu.memref_slice %arg2[%dma_start3A_62, %dma_start3A_63] : memref<400000x128xf32, #tpu.memory_space<hbm>> -> memref<1x128xf32, #tpu.memory_space<hbm>>
      %dma_start3A_65 = arith.constant 1 : i32
      %dma_start3A_66 = arith.constant 0 : i32
      %dma_start3A_67 = tpu.memref_slice %arg10[%dma_start3A_65, %dma_start3A_66] : memref<3x128xf32, #tpu.memory_space<vmem>> -> memref<1x128xf32, #tpu.memory_space<vmem>>
      %dma_start3A_68 = arith.constant 200000 : i32
      %dma_start3A_69 = arith.constant 0 : i32
      %dma_start3A_70 = tpu.memref_slice %arg2[%dma_start3A_68, %dma_start3A_69] : memref<400000x128xf32, #tpu.memory_space<hbm>> -> memref<1x128xf32, #tpu.memory_space<hbm>>
      tpu.enqueue_dma source(%dma_start3A_70 : memref<1x128xf32, #tpu.memory_space<hbm>>) target(%dma_start3A_67 : memref<1x128xf32, #tpu.memory_space<vmem>>) target_semaphore(%run_scoped3A_58 : memref<!tpu.dma_semaphore, #tpu.memory_space<semaphore_mem>>)
      %dma_wait3A_71 = arith.constant 1 : i32
      %dma_wait3A_72 = arith.constant 0 : i32
      %dma_wait3A_73 = tpu.memref_slice %arg10[%dma_wait3A_71, %dma_wait3A_72] : memref<3x128xf32, #tpu.memory_space<vmem>> -> memref<1x128xf32, #tpu.memory_space<vmem>>
      %dma_wait3A_74 = arith.constant 200000 : i32
      %dma_wait3A_75 = arith.constant 0 : i32
      %dma_wait3A_76 = tpu.memref_slice %arg2[%dma_wait3A_74, %dma_wait3A_75] : memref<400000x128xf32, #tpu.memory_space<hbm>> -> memref<1x128xf32, #tpu.memory_space<hbm>>
      %dma_wait3A_77 = arith.constant 1 : i32
      %dma_wait3A_78 = arith.constant 0 : i32
      %dma_wait3A_79 = tpu.memref_slice %arg10[%dma_wait3A_77, %dma_wait3A_78] : memref<3x128xf32, #tpu.memory_space<vmem>> -> memref<1x128xf32, #tpu.memory_space<vmem>>
      %dma_wait3A_80 = arith.constant 200000 : i32
      %dma_wait3A_81 = arith.constant 0 : i32
      %dma_wait3A_82 = tpu.memref_slice %arg2[%dma_wait3A_80, %dma_wait3A_81] : memref<400000x128xf32, #tpu.memory_space<hbm>> -> memref<1x128xf32, #tpu.memory_space<hbm>>
      tpu.wait_dma2 semaphore(%run_scoped3A_58 : memref<!tpu.dma_semaphore, #tpu.memory_space<semaphore_mem>>) src(%dma_wait3A_82 : memref<1x128xf32, #tpu.memory_space<hbm>>) dst(%dma_wait3A_79 : memref<1x128xf32, #tpu.memory_space<vmem>>)
      tpu.yield
    }) : () -> ()
    "tpu.region"() ({
      %run_scoped3A_58 = tpu.sem_alloc : memref<!tpu.dma_semaphore, #tpu.memory_space<semaphore_mem>>
      %dma_start3A_59 = arith.constant 2 : i32
      %dma_start3A_60 = arith.constant 0 : i32
      %dma_start3A_61 = tpu.memref_slice %arg10[%dma_start3A_59, %dma_start3A_60] : memref<3x128xf32, #tpu.memory_space<vmem>> -> memref<1x128xf32, #tpu.memory_space<vmem>>
      %dma_start3A_62 = arith.constant 300000 : i32
      %dma_start3A_63 = arith.constant 0 : i32
      %dma_start3A_64 = tpu.memref_slice %arg2[%dma_start3A_62, %dma_start3A_63] : memref<400000x128xf32, #tpu.memory_space<hbm>> -> memref<1x128xf32, #tpu.memory_space<hbm>>
      %dma_start3A_65 = arith.constant 2 : i32
      %dma_start3A_66 = arith.constant 0 : i32
      %dma_start3A_67 = tpu.memref_slice %arg10[%dma_start3A_65, %dma_start3A_66] : memref<3x128xf32, #tpu.memory_space<vmem>> -> memref<1x128xf32, #tpu.memory_space<vmem>>
      %dma_start3A_68 = arith.constant 300000 : i32
      %dma_start3A_69 = arith.constant 0 : i32
      %dma_start3A_70 = tpu.memref_slice %arg2[%dma_start3A_68, %dma_start3A_69] : memref<400000x128xf32, #tpu.memory_space<hbm>> -> memref<1x128xf32, #tpu.memory_space<hbm>>
      tpu.enqueue_dma source(%dma_start3A_70 : memref<1x128xf32, #tpu.memory_space<hbm>>) target(%dma_start3A_67 : memref<1x128xf32, #tpu.memory_space<vmem>>) target_semaphore(%run_scoped3A_58 : memref<!tpu.dma_semaphore, #tpu.memory_space<semaphore_mem>>)
      %dma_wait3A_71 = arith.constant 2 : i32
      %dma_wait3A_72 = arith.constant 0 : i32
      %dma_wait3A_73 = tpu.memref_slice %arg10[%dma_wait3A_71, %dma_wait3A_72] : memref<3x128xf32, #tpu.memory_space<vmem>> -> memref<1x128xf32, #tpu.memory_space<vmem>>
      %dma_wait3A_74 = arith.constant 300000 : i32
      %dma_wait3A_75 = arith.constant 0 : i32
      %dma_wait3A_76 = tpu.memref_slice %arg2[%dma_wait3A_74, %dma_wait3A_75] : memref<400000x128xf32, #tpu.memory_space<hbm>> -> memref<1x128xf32, #tpu.memory_space<hbm>>
      %dma_wait3A_77 = arith.constant 2 : i32
      %dma_wait3A_78 = arith.constant 0 : i32
      %dma_wait3A_79 = tpu.memref_slice %arg10[%dma_wait3A_77, %dma_wait3A_78] : memref<3x128xf32, #tpu.memory_space<vmem>> -> memref<1x128xf32, #tpu.memory_space<vmem>>
      %dma_wait3A_80 = arith.constant 300000 : i32
      %dma_wait3A_81 = arith.constant 0 : i32
      %dma_wait3A_82 = tpu.memref_slice %arg2[%dma_wait3A_80, %dma_wait3A_81] : memref<400000x128xf32, #tpu.memory_space<hbm>> -> memref<1x128xf32, #tpu.memory_space<hbm>>
      tpu.wait_dma2 semaphore(%run_scoped3A_58 : memref<!tpu.dma_semaphore, #tpu.memory_space<semaphore_mem>>) src(%dma_wait3A_82 : memref<1x128xf32, #tpu.memory_space<hbm>>) dst(%dma_wait3A_79 : memref<1x128xf32, #tpu.memory_space<vmem>>)
      tpu.yield
    }) : () -> ()
    %mul3A_1 = arith.constant 32 : i32
    %mul3A_2 = arith.muli %add3A, %mul3A_1 : i32
    %run_scoped3A = arith.constant 0 : i32
    "tpu.region"() ({
      %run_scoped3A_58 = tpu.sem_alloc : memref<!tpu.dma_semaphore, #tpu.memory_space<semaphore_mem>>
      %dma_start3A_59 = arith.constant 0 : i32
      %dma_start3A_60 = arith.constant 0 : i32
      %dma_start3A_61 = tpu.memref_slice %arg6[%run_scoped3A, %dma_start3A_59, %dma_start3A_60] : memref<2x24x100xi32, #tpu.memory_space<vmem>> -> memref<1x24x100xi32, #tpu.memory_space<vmem>>
      %dma_start3A_62 = tpu.memref_squeeze %dma_start3A_61 : memref<1x24x100xi32, #tpu.memory_space<vmem>> -> memref<24x100xi32, #tpu.memory_space<vmem>>
      %dma_start3A_63 = arith.constant 0 : i32
      %dma_start3A_64 = arith.constant 0 : i32
      %dma_start3A_65 = tpu.memref_slice %arg3[%mul3A_2, %dma_start3A_63, %dma_start3A_64] : memref<1024x24x100xi32, #tpu.memory_space<hbm>> -> memref<1x24x100xi32, #tpu.memory_space<hbm>>
      %dma_start3A_66 = tpu.memref_squeeze %dma_start3A_65 : memref<1x24x100xi32, #tpu.memory_space<hbm>> -> memref<24x100xi32, #tpu.memory_space<hbm>>
      %dma_start3A_67 = arith.constant 0 : i32
      %dma_start3A_68 = arith.constant 0 : i32
      %dma_start3A_69 = tpu.memref_slice %arg6[%run_scoped3A, %dma_start3A_67, %dma_start3A_68] : memref<2x24x100xi32, #tpu.memory_space<vmem>> -> memref<1x24x100xi32, #tpu.memory_space<vmem>>
      %dma_start3A_70 = tpu.memref_squeeze %dma_start3A_69 : memref<1x24x100xi32, #tpu.memory_space<vmem>> -> memref<24x100xi32, #tpu.memory_space<vmem>>
      %dma_start3A_71 = arith.constant 0 : i32
      %dma_start3A_72 = arith.constant 0 : i32
      %dma_start3A_73 = tpu.memref_slice %arg3[%mul3A_2, %dma_start3A_71, %dma_start3A_72] : memref<1024x24x100xi32, #tpu.memory_space<hbm>> -> memref<1x24x100xi32, #tpu.memory_space<hbm>>
      %dma_start3A_74 = tpu.memref_squeeze %dma_start3A_73 : memref<1x24x100xi32, #tpu.memory_space<hbm>> -> memref<24x100xi32, #tpu.memory_space<hbm>>
      tpu.enqueue_dma source(%dma_start3A_74 : memref<24x100xi32, #tpu.memory_space<hbm>>) target(%dma_start3A_70 : memref<24x100xi32, #tpu.memory_space<vmem>>) target_semaphore(%run_scoped3A_58 : memref<!tpu.dma_semaphore, #tpu.memory_space<semaphore_mem>>)
      %dma_wait3A_75 = arith.constant 0 : i32
      %dma_wait3A_76 = arith.constant 0 : i32
      %dma_wait3A_77 = tpu.memref_slice %arg6[%run_scoped3A, %dma_wait3A_75, %dma_wait3A_76] : memref<2x24x100xi32, #tpu.memory_space<vmem>> -> memref<1x24x100xi32, #tpu.memory_space<vmem>>
      %dma_wait3A_78 = tpu.memref_squeeze %dma_wait3A_77 : memref<1x24x100xi32, #tpu.memory_space<vmem>> -> memref<24x100xi32, #tpu.memory_space<vmem>>
      %dma_wait3A_79 = arith.constant 0 : i32
      %dma_wait3A_80 = arith.constant 0 : i32
      %dma_wait3A_81 = tpu.memref_slice %arg3[%mul3A_2, %dma_wait3A_79, %dma_wait3A_80] : memref<1024x24x100xi32, #tpu.memory_space<hbm>> -> memref<1x24x100xi32, #tpu.memory_space<hbm>>
      %dma_wait3A_82 = tpu.memref_squeeze %dma_wait3A_81 : memref<1x24x100xi32, #tpu.memory_space<hbm>> -> memref<24x100xi32, #tpu.memory_space<hbm>>
      %dma_wait3A_83 = arith.constant 0 : i32
      %dma_wait3A_84 = arith.constant 0 : i32
      %dma_wait3A_85 = tpu.memref_slice %arg6[%run_scoped3A, %dma_wait3A_83, %dma_wait3A_84] : memref<2x24x100xi32, #tpu.memory_space<vmem>> -> memref<1x24x100xi32, #tpu.memory_space<vmem>>
      %dma_wait3A_86 = tpu.memref_squeeze %dma_wait3A_85 : memref<1x24x100xi32, #tpu.memory_space<vmem>> -> memref<24x100xi32, #tpu.memory_space<vmem>>
      %dma_wait3A_87 = arith.constant 0 : i32
      %dma_wait3A_88 = arith.constant 0 : i32
      %dma_wait3A_89 = tpu.memref_slice %arg3[%mul3A_2, %dma_wait3A_87, %dma_wait3A_88] : memref<1024x24x100xi32, #tpu.memory_space<hbm>> -> memref<1x24x100xi32, #tpu.memory_space<hbm>>
      %dma_wait3A_90 = tpu.memref_squeeze %dma_wait3A_89 : memref<1x24x100xi32, #tpu.memory_space<hbm>> -> memref<24x100xi32, #tpu.memory_space<hbm>>
      tpu.wait_dma2 semaphore(%run_scoped3A_58 : memref<!tpu.dma_semaphore, #tpu.memory_space<semaphore_mem>>) src(%dma_wait3A_90 : memref<24x100xi32, #tpu.memory_space<hbm>>) dst(%dma_wait3A_86 : memref<24x100xi32, #tpu.memory_space<vmem>>)
      tpu.yield
    }) : () -> ()
    %dma_start3A = arith.constant 0 : i32
    %dma_start3A_3 = arith.constant 0 : i32
    %dma_start3A_4 = arith.constant 0 : i32
    %dma_start3A_5 = arith.constant 0 : i32
    %dma_start3A_6 = arith.constant 0 : i32
    %dma_start3A_7 = tpu.memref_slice %arg8[%dma_start3A_4, %dma_start3A_5, %dma_start3A_6] : memref<2x100x128xf32, #tpu.memory_space<vmem>> -> memref<1x100x128xf32, #tpu.memory_space<vmem>>
    %dma_start3A_8 = tpu.memref_squeeze %dma_start3A_7 : memref<1x100x128xf32, #tpu.memory_space<vmem>> -> memref<100x128xf32, #tpu.memory_space<vmem>>
    %dma_start3A_9 = arith.constant 0 : i32
    %dma_start3A_10 = tpu.memref_slice %arg6[%dma_start3A, %dma_start3A_3, %dma_start3A_9] : memref<2x24x100xi32, #tpu.memory_space<vmem>> -> memref<1x1x100xi32, #tpu.memory_space<vmem>>
    %dma_start3A_11 = tpu.memref_squeeze %dma_start3A_10 : memref<1x1x100xi32, #tpu.memory_space<vmem>> -> memref<100xi32, #tpu.memory_space<vmem>>
    %dma_start3A_12 = arith.constant 0 : i32
    %dma_start3A_13 = arith.constant 0 : i32
    %dma_start3A_14 = tpu.memref_slice %arg2[%dma_start3A_12, %dma_start3A_13] : memref<400000x128xf32, #tpu.memory_space<hbm>> -> memref<400000x128xf32, #tpu.memory_space<hbm>>
    tpu.enqueue_indirect_dma source(%dma_start3A_14 : memref<400000x128xf32, #tpu.memory_space<hbm>>) target(%dma_start3A_8 : memref<100x128xf32, #tpu.memory_space<vmem>>) offsets(%dma_start3A_11 : memref<100xi32, #tpu.memory_space<vmem>>) semaphore(%arg11 : memref<!tpu.dma_semaphore, #tpu.memory_space<semaphore_mem>>)
    %scan3A = arith.constant 0 : i32
    %scan3A_15 = arith.constant 0 : i32
    %scan3A_16 = arith.constant 32 : i32
    %scan3A_17 = arith.addi %scan3A_15, %scan3A_16 : i32
    %scan3A_18 = arith.constant 1 : i32
    %scan3A_19 = scf.for %scan3A_58 = %scan3A_15 to %scan3A_17 step %scan3A_18 iter_args(%scan3A_59 = %scan3A) -> (i32)  : i32 {
      %mul3A_60 = arith.constant 32 : i32
      %mul3A_61 = arith.muli %add3A, %mul3A_60 : i32
      %add3A_62 = arith.addi %mul3A_61, %scan3A_58 : i32
      %jit3A = arith.constant 2 : i32
      %eq3A = arith.constant 0 : i32
      %eq3A_63 = arith.cmpi eq, %jit3A, %eq3A : i32
      %jit3A_64 = arith.constant 1 : i32
      %select_n3A = arith.select %eq3A_63, %jit3A_64, %jit3A : i32
      %rem3A = arith.remsi %scan3A_58, %select_n3A : i32
      %ne3A = arith.constant 0 : i32
      %ne3A_65 = arith.cmpi ne, %rem3A, %ne3A : i32
      %lt3A = arith.constant 0 : i32
      %lt3A_66 = arith.cmpi slt, %rem3A, %lt3A : i32
      %lt3A_67 = arith.constant 0 : i32
      %lt3A_68 = arith.cmpi slt, %select_n3A, %lt3A_67 : i32
      %ne3A_69 = arith.xori %lt3A_66, %lt3A_68 : i1
      %and3A = arith.andi %ne3A_69, %ne3A_65 : i1
      %add3A_70 = arith.addi %rem3A, %select_n3A : i32
      %select_n3A_71 = arith.select %and3A, %add3A_70, %rem3A : i32
      %gt3A = arith.constant 0 : i32
      %gt3A_72 = arith.cmpi sgt, %scan3A_58, %gt3A : i32
      %convert_element_type3A = arith.extui %gt3A_72 : i1 to i32
      %cond3A = arith.constant 0 : i32
      %cond3A_73 = arith.cmpi ne, %convert_element_type3A, %cond3A : i32
      scf.if %cond3A_73 {
        %dma_wait3A_86 = arith.constant 0 : i32
        %dma_wait3A_87 = arith.constant 0 : i32
        %dma_wait3A_88 = arith.constant 0 : i32
        %dma_wait3A_89 = arith.constant 0 : i32
        %dma_wait3A_90 = tpu.memref_slice %arg9[%dma_wait3A_86, %dma_wait3A_88, %dma_wait3A_89] : memref<2x200x128xf32, #tpu.memory_space<vmem>> -> memref<1x200x128xf32, #tpu.memory_space<vmem>>
        %dma_wait3A_91 = tpu.memref_squeeze %dma_wait3A_90 : memref<1x200x128xf32, #tpu.memory_space<vmem>> -> memref<200x128xf32, #tpu.memory_space<vmem>>
        %dma_wait3A_92 = arith.constant 0 : i32
        %dma_wait3A_93 = arith.constant 0 : i32
        %dma_wait3A_94 = tpu.memref_slice %arg5[%dma_wait3A_87, %add3A_62, %dma_wait3A_92, %dma_wait3A_93] : memref<3x1024x200x128xf32, #tpu.memory_space<hbm>> -> memref<1x1x200x128xf32, #tpu.memory_space<hbm>>
        %dma_wait3A_95 = tpu.memref_squeeze %dma_wait3A_94 : memref<1x1x200x128xf32, #tpu.memory_space<hbm>> -> memref<200x128xf32, #tpu.memory_space<hbm>>
        %dma_wait3A_96 = arith.constant 0 : i32
        %dma_wait3A_97 = arith.constant 0 : i32
        %dma_wait3A_98 = tpu.memref_slice %arg5[%dma_wait3A_87, %add3A_62, %dma_wait3A_96, %dma_wait3A_97] : memref<3x1024x200x128xf32, #tpu.memory_space<hbm>> -> memref<1x1x200x128xf32, #tpu.memory_space<hbm>>
        %dma_wait3A_99 = tpu.memref_squeeze %dma_wait3A_98 : memref<1x1x200x128xf32, #tpu.memory_space<hbm>> -> memref<200x128xf32, #tpu.memory_space<hbm>>
        %dma_wait3A_100 = arith.constant 0 : i32
        %dma_wait3A_101 = arith.constant 0 : i32
        %dma_wait3A_102 = tpu.memref_slice %arg9[%dma_wait3A_86, %dma_wait3A_100, %dma_wait3A_101] : memref<2x200x128xf32, #tpu.memory_space<vmem>> -> memref<1x200x128xf32, #tpu.memory_space<vmem>>
        %dma_wait3A_103 = tpu.memref_squeeze %dma_wait3A_102 : memref<1x200x128xf32, #tpu.memory_space<vmem>> -> memref<200x128xf32, #tpu.memory_space<vmem>>
        tpu.wait_dma2 semaphore(%arg12 : memref<!tpu.dma_semaphore, #tpu.memory_space<semaphore_mem>>) src(%dma_wait3A_103 : memref<200x128xf32, #tpu.memory_space<vmem>>) dst(%dma_wait3A_99 : memref<200x128xf32, #tpu.memory_space<hbm>>)
        %dma_wait3A_104 = arith.constant 0 : i32
        %dma_wait3A_105 = arith.constant 0 : i32
        %dma_wait3A_106 = arith.constant 0 : i32
        %dma_wait3A_107 = arith.constant 0 : i32
        %dma_wait3A_108 = tpu.memref_slice %arg9[%dma_wait3A_104, %dma_wait3A_106, %dma_wait3A_107] : memref<2x200x128xf32, #tpu.memory_space<vmem>> -> memref<1x200x128xf32, #tpu.memory_space<vmem>>
        %dma_wait3A_109 = tpu.memref_squeeze %dma_wait3A_108 : memref<1x200x128xf32, #tpu.memory_space<vmem>> -> memref<200x128xf32, #tpu.memory_space<vmem>>
        %dma_wait3A_110 = arith.constant 0 : i32
        %dma_wait3A_111 = arith.constant 0 : i32
        %dma_wait3A_112 = tpu.memref_slice %arg5[%dma_wait3A_105, %add3A_62, %dma_wait3A_110, %dma_wait3A_111] : memref<3x1024x200x128xf32, #tpu.memory_space<hbm>> -> memref<1x1x200x128xf32, #tpu.memory_space<hbm>>
        %dma_wait3A_113 = tpu.memref_squeeze %dma_wait3A_112 : memref<1x1x200x128xf32, #tpu.memory_space<hbm>> -> memref<200x128xf32, #tpu.memory_space<hbm>>
        %dma_wait3A_114 = arith.constant 0 : i32
        %dma_wait3A_115 = arith.constant 0 : i32
        %dma_wait3A_116 = tpu.memref_slice %arg5[%dma_wait3A_105, %add3A_62, %dma_wait3A_114, %dma_wait3A_115] : memref<3x1024x200x128xf32, #tpu.memory_space<hbm>> -> memref<1x1x200x128xf32, #tpu.memory_space<hbm>>
        %dma_wait3A_117 = tpu.memref_squeeze %dma_wait3A_116 : memref<1x1x200x128xf32, #tpu.memory_space<hbm>> -> memref<200x128xf32, #tpu.memory_space<hbm>>
        %dma_wait3A_118 = arith.constant 0 : i32
        %dma_wait3A_119 = arith.constant 0 : i32
        %dma_wait3A_120 = tpu.memref_slice %arg9[%dma_wait3A_104, %dma_wait3A_118, %dma_wait3A_119] : memref<2x200x128xf32, #tpu.memory_space<vmem>> -> memref<1x200x128xf32, #tpu.memory_space<vmem>>
        %dma_wait3A_121 = tpu.memref_squeeze %dma_wait3A_120 : memref<1x200x128xf32, #tpu.memory_space<vmem>> -> memref<200x128xf32, #tpu.memory_space<vmem>>
        tpu.wait_dma2 semaphore(%arg12 : memref<!tpu.dma_semaphore, #tpu.memory_space<semaphore_mem>>) src(%dma_wait3A_121 : memref<200x128xf32, #tpu.memory_space<vmem>>) dst(%dma_wait3A_117 : memref<200x128xf32, #tpu.memory_space<hbm>>)
      } else {
      }
      "tpu.region"() ({
        %run_scoped3A_86 = tpu.sem_alloc : memref<!tpu.dma_semaphore, #tpu.memory_space<semaphore_mem>>
        %dma_start3A_87 = arith.constant 0 : i32
        %dma_start3A_88 = tpu.memref_slice %arg4[%add3A_62, %dma_start3A_87] : memref<1024x480xf32, #tpu.memory_space<hbm>> -> memref<1x480xf32, #tpu.memory_space<hbm>>
        %dma_start3A_89 = tpu.memref_squeeze %dma_start3A_88 : memref<1x480xf32, #tpu.memory_space<hbm>> -> memref<480xf32, #tpu.memory_space<hbm>>
        %dma_start3A_90 = arith.constant 0 : i32
        %dma_start3A_91 = tpu.memref_slice %arg4[%add3A_62, %dma_start3A_90] : memref<1024x480xf32, #tpu.memory_space<hbm>> -> memref<1x480xf32, #tpu.memory_space<hbm>>
        %dma_start3A_92 = tpu.memref_squeeze %dma_start3A_91 : memref<1x480xf32, #tpu.memory_space<hbm>> -> memref<480xf32, #tpu.memory_space<hbm>>
        tpu.enqueue_dma source(%dma_start3A_92 : memref<480xf32, #tpu.memory_space<hbm>>) target(%arg7 : memref<480xf32, #tpu.memory_space<vmem>>) target_semaphore(%run_scoped3A_86 : memref<!tpu.dma_semaphore, #tpu.memory_space<semaphore_mem>>)
        %dma_wait3A_93 = arith.constant 0 : i32
        %dma_wait3A_94 = tpu.memref_slice %arg4[%add3A_62, %dma_wait3A_93] : memref<1024x480xf32, #tpu.memory_space<hbm>> -> memref<1x480xf32, #tpu.memory_space<hbm>>
        %dma_wait3A_95 = tpu.memref_squeeze %dma_wait3A_94 : memref<1x480xf32, #tpu.memory_space<hbm>> -> memref<480xf32, #tpu.memory_space<hbm>>
        %dma_wait3A_96 = arith.constant 0 : i32
        %dma_wait3A_97 = tpu.memref_slice %arg4[%add3A_62, %dma_wait3A_96] : memref<1024x480xf32, #tpu.memory_space<hbm>> -> memref<1x480xf32, #tpu.memory_space<hbm>>
        %dma_wait3A_98 = tpu.memref_squeeze %dma_wait3A_97 : memref<1x480xf32, #tpu.memory_space<hbm>> -> memref<480xf32, #tpu.memory_space<hbm>>
        tpu.wait_dma2 semaphore(%run_scoped3A_86 : memref<!tpu.dma_semaphore, #tpu.memory_space<semaphore_mem>>) src(%dma_wait3A_98 : memref<480xf32, #tpu.memory_space<hbm>>) dst(%arg7 : memref<480xf32, #tpu.memory_space<vmem>>)
        tpu.yield
      }) : () -> ()
      %get3A = arith.constant 448 : index
      %get3A_74 = tpu.vector_load %arg7[%get3A] {strides = array<i32>} : memref<480xf32, #tpu.memory_space<vmem>>, vector<16xf32>,
      %get3A_75 = vector.shape_cast %get3A_74 : vector<16xf32> to vector<16xf32>
      %slice3A = vector.extract_strided_slice %get3A_75 {offsets = [0], sizes = [1], strides = [1]} : vector<16xf32> to vector<1xf32>
      %squeeze3A = vector.extract %slice3A[0] : f32 from vector<1xf32>
      %gt3A_76 = arith.constant 0.000000e+00 : f32
      %gt3A_77 = arith.cmpf ogt, %squeeze3A, %gt3A_76 : f32
      %scan3A_78 = arith.constant 0 : i32
      %scan3A_79 = arith.constant 0 : i32
      %scan3A_80 = arith.constant 24 : i32
      %scan3A_81 = arith.addi %scan3A_79, %scan3A_80 : i32
      %scan3A_82 = arith.constant 1 : i32
      %scan3A_83 = scf.for %scan3A_86 = %scan3A_79 to %scan3A_81 step %scan3A_82 iter_args(%scan3A_87 = %scan3A_78) -> (i32)  : i32 {
        %jit3A_88 = arith.constant 8 : i32
        %eq3A_89 = arith.constant 0 : i32
        %eq3A_90 = arith.cmpi eq, %jit3A_88, %eq3A_89 : i32
        %jit3A_91 = arith.constant 1 : i32
        %select_n3A_92 = arith.select %eq3A_90, %jit3A_91, %jit3A_88 : i32
        %rem3A_93 = arith.remsi %scan3A_86, %select_n3A_92 : i32
        %ne3A_94 = arith.constant 0 : i32
        %ne3A_95 = arith.cmpi ne, %rem3A_93, %ne3A_94 : i32
        %lt3A_96 = arith.constant 0 : i32
        %lt3A_97 = arith.cmpi slt, %rem3A_93, %lt3A_96 : i32
        %lt3A_98 = arith.constant 0 : i32
        %lt3A_99 = arith.cmpi slt, %select_n3A_92, %lt3A_98 : i32
        %ne3A_100 = arith.xori %lt3A_97, %lt3A_99 : i1
        %and3A_101 = arith.andi %ne3A_100, %ne3A_95 : i1
        %add3A_102 = arith.addi %rem3A_93, %select_n3A_92 : i32
        %select_n3A_103 = arith.select %and3A_101, %add3A_102, %rem3A_93 : i32
        %jit3A_104 = arith.constant 8 : i32
        %div3A = arith.divsi %scan3A_86, %jit3A_104 : i32
        %sign3A = arith.constant 0 : i32
        %sign3A_105 = arith.cmpi sgt, %scan3A_86, %sign3A : i32
        %sign3A_106 = arith.extui %sign3A_105 : i1 to i32
        %sign3A_107 = arith.constant 0 : i32
        %sign3A_108 = arith.cmpi slt, %scan3A_86, %sign3A_107 : i32
        %sign3A_109 = arith.extui %sign3A_108 : i1 to i32
        %sign3A_110 = arith.subi %sign3A_106, %sign3A_109 : i32
        %sign3A_111 = arith.constant 0 : i32
        %sign3A_112 = arith.cmpi sgt, %jit3A_104, %sign3A_111 : i32
        %sign3A_113 = arith.extui %sign3A_112 : i1 to i32
        %sign3A_114 = arith.constant 0 : i32
        %sign3A_115 = arith.cmpi slt, %jit3A_104, %sign3A_114 : i32
        %sign3A_116 = arith.extui %sign3A_115 : i1 to i32
        %sign3A_117 = arith.subi %sign3A_113, %sign3A_116 : i32
        %ne3A_118 = arith.cmpi ne, %sign3A_110, %sign3A_117 : i32
        %rem3A_119 = arith.remsi %scan3A_86, %jit3A_104 : i32
        %ne3A_120 = arith.constant 0 : i32
        %ne3A_121 = arith.cmpi ne, %rem3A_119, %ne3A_120 : i32
        %and3A_122 = arith.andi %ne3A_118, %ne3A_121 : i1
        %sub3A = arith.constant 1 : i32
        %sub3A_123 = arith.subi %div3A, %sub3A : i32
        %select_n3A_124 = arith.select %and3A_122, %sub3A_123, %div3A : i32
        %jit3A_125 = arith.constant 2 : i32
        %eq3A_126 = arith.constant 0 : i32
        %eq3A_127 = arith.cmpi eq, %jit3A_125, %eq3A_126 : i32
        %jit3A_128 = arith.constant 1 : i32
        %select_n3A_129 = arith.select %eq3A_127, %jit3A_128, %jit3A_125 : i32
        %rem3A_130 = arith.remsi %scan3A_86, %select_n3A_129 : i32
        %ne3A_131 = arith.constant 0 : i32
        %ne3A_132 = arith.cmpi ne, %rem3A_130, %ne3A_131 : i32
        %lt3A_133 = arith.constant 0 : i32
        %lt3A_134 = arith.cmpi slt, %rem3A_130, %lt3A_133 : i32
        %lt3A_135 = arith.constant 0 : i32
        %lt3A_136 = arith.cmpi slt, %select_n3A_129, %lt3A_135 : i32
        %ne3A_137 = arith.xori %lt3A_134, %lt3A_136 : i1
        %and3A_138 = arith.andi %ne3A_137, %ne3A_132 : i1
        %add3A_139 = arith.addi %rem3A_130, %select_n3A_129 : i32
        %select_n3A_140 = arith.select %and3A_138, %add3A_139, %rem3A_130 : i32
        %jit3A_141 = arith.constant 2 : i32
        %eq3A_142 = arith.constant 0 : i32
        %eq3A_143 = arith.cmpi eq, %jit3A_141, %eq3A_142 : i32
        %jit3A_144 = arith.constant 1 : i32
        %select_n3A_145 = arith.select %eq3A_143, %jit3A_144, %jit3A_141 : i32
        %rem3A_146 = arith.remsi %select_n3A_124, %select_n3A_145 : i32
        %ne3A_147 = arith.constant 0 : i32
        %ne3A_148 = arith.cmpi ne, %rem3A_146, %ne3A_147 : i32
        %lt3A_149 = arith.constant 0 : i32
        %lt3A_150 = arith.cmpi slt, %rem3A_146, %lt3A_149 : i32
        %lt3A_151 = arith.constant 0 : i32
        %lt3A_152 = arith.cmpi slt, %select_n3A_145, %lt3A_151 : i32
        %ne3A_153 = arith.xori %lt3A_150, %lt3A_152 : i1
        %and3A_154 = arith.andi %ne3A_153, %ne3A_148 : i1
        %add3A_155 = arith.addi %rem3A_146, %select_n3A_145 : i32
        %select_n3A_156 = arith.select %and3A_154, %add3A_155, %rem3A_146 : i32
        %lt3A_157 = arith.constant 23 : i32
        %lt3A_158 = arith.cmpi slt, %scan3A_86, %lt3A_157 : i32
        %convert_element_type3A_159 = arith.extui %lt3A_158 : i1 to i32
        %cond3A_160 = arith.constant 0 : i32
        %cond3A_161 = arith.cmpi ne, %convert_element_type3A_159, %cond3A_160 : i32
        scf.if %cond3A_161 {
          %add3A_185 = arith.constant 1 : i32
          %add3A_186 = arith.addi %scan3A_86, %add3A_185 : i32
          %add3A_187 = arith.constant 1 : i32
          %add3A_188 = arith.addi %scan3A_86, %add3A_187 : i32
          %jit3A_189 = arith.constant 2 : i32
          %eq3A_190 = arith.constant 0 : i32
          %eq3A_191 = arith.cmpi eq, %jit3A_189, %eq3A_190 : i32
          %jit3A_192 = arith.constant 1 : i32
          %select_n3A_193 = arith.select %eq3A_191, %jit3A_192, %jit3A_189 : i32
          %rem3A_194 = arith.remsi %add3A_188, %select_n3A_193 : i32
          %ne3A_195 = arith.constant 0 : i32
          %ne3A_196 = arith.cmpi ne, %rem3A_194, %ne3A_195 : i32
          %lt3A_197 = arith.constant 0 : i32
          %lt3A_198 = arith.cmpi slt, %rem3A_194, %lt3A_197 : i32
          %lt3A_199 = arith.constant 0 : i32
          %lt3A_200 = arith.cmpi slt, %select_n3A_193, %lt3A_199 : i32
          %ne3A_201 = arith.xori %lt3A_198, %lt3A_200 : i1
          %and3A_202 = arith.andi %ne3A_201, %ne3A_196 : i1
          %add3A_203 = arith.addi %rem3A_194, %select_n3A_193 : i32
          %select_n3A_204 = arith.select %and3A_202, %add3A_203, %rem3A_194 : i32
          %dma_start3A_205 = arith.constant 0 : i32
          %dma_start3A_206 = arith.constant 0 : i32
          %dma_start3A_207 = tpu.memref_slice %arg8[%select_n3A_204, %dma_start3A_205, %dma_start3A_206] : memref<2x100x128xf32, #tpu.memory_space<vmem>> -> memref<1x100x128xf32, #tpu.memory_space<vmem>>
          %dma_start3A_208 = tpu.memref_squeeze %dma_start3A_207 : memref<1x100x128xf32, #tpu.memory_space<vmem>> -> memref<100x128xf32, #tpu.memory_space<vmem>>
          %dma_start3A_209 = arith.constant 0 : i32
          %dma_start3A_210 = tpu.memref_slice %arg6[%select_n3A_71, %add3A_186, %dma_start3A_209] : memref<2x24x100xi32, #tpu.memory_space<vmem>> -> memref<1x1x100xi32, #tpu.memory_space<vmem>>
          %dma_start3A_211 = tpu.memref_squeeze %dma_start3A_210 : memref<1x1x100xi32, #tpu.memory_space<vmem>> -> memref<100xi32, #tpu.memory_space<vmem>>
          %dma_start3A_212 = arith.constant 0 : i32
          %dma_start3A_213 = arith.constant 0 : i32
          %dma_start3A_214 = tpu.memref_slice %arg2[%dma_start3A_212, %dma_start3A_213] : memref<400000x128xf32, #tpu.memory_space<hbm>> -> memref<400000x128xf32, #tpu.memory_space<hbm>>
          tpu.enqueue_indirect_dma source(%dma_start3A_214 : memref<400000x128xf32, #tpu.memory_space<hbm>>) target(%dma_start3A_208 : memref<100x128xf32, #tpu.memory_space<vmem>>) offsets(%dma_start3A_211 : memref<100xi32, #tpu.memory_space<vmem>>) semaphore(%arg11 : memref<!tpu.dma_semaphore, #tpu.memory_space<semaphore_mem>>)
        } else {
        }
        %eq3A_162 = arith.constant 16 : i32
        %eq3A_163 = arith.cmpi eq, %scan3A_86, %eq3A_162 : i32
        %convert_element_type3A_164 = arith.extui %eq3A_163 : i1 to i32
        %cond3A_165 = arith.constant 0 : i32
        %cond3A_166 = arith.cmpi ne, %convert_element_type3A_164, %cond3A_165 : i32
        scf.if %cond3A_166 {
          %dma_wait3A_185 = arith.constant 0 : i32
          %dma_wait3A_186 = arith.constant 0 : i32
          %dma_wait3A_187 = arith.constant 0 : i32
          %dma_wait3A_188 = arith.constant 0 : i32
          %dma_wait3A_189 = tpu.memref_slice %arg9[%dma_wait3A_185, %dma_wait3A_187, %dma_wait3A_188] : memref<2x200x128xf32, #tpu.memory_space<vmem>> -> memref<1x200x128xf32, #tpu.memory_space<vmem>>
          %dma_wait3A_190 = tpu.memref_squeeze %dma_wait3A_189 : memref<1x200x128xf32, #tpu.memory_space<vmem>> -> memref<200x128xf32, #tpu.memory_space<vmem>>
          %dma_wait3A_191 = arith.constant 0 : i32
          %dma_wait3A_192 = arith.constant 0 : i32
          %dma_wait3A_193 = tpu.memref_slice %arg5[%dma_wait3A_186, %add3A_62, %dma_wait3A_191, %dma_wait3A_192] : memref<3x1024x200x128xf32, #tpu.memory_space<hbm>> -> memref<1x1x200x128xf32, #tpu.memory_space<hbm>>
          %dma_wait3A_194 = tpu.memref_squeeze %dma_wait3A_193 : memref<1x1x200x128xf32, #tpu.memory_space<hbm>> -> memref<200x128xf32, #tpu.memory_space<hbm>>
          %dma_wait3A_195 = arith.constant 0 : i32
          %dma_wait3A_196 = arith.constant 0 : i32
          %dma_wait3A_197 = tpu.memref_slice %arg5[%dma_wait3A_186, %add3A_62, %dma_wait3A_195, %dma_wait3A_196] : memref<3x1024x200x128xf32, #tpu.memory_space<hbm>> -> memref<1x1x200x128xf32, #tpu.memory_space<hbm>>
          %dma_wait3A_198 = tpu.memref_squeeze %dma_wait3A_197 : memref<1x1x200x128xf32, #tpu.memory_space<hbm>> -> memref<200x128xf32, #tpu.memory_space<hbm>>
          %dma_wait3A_199 = arith.constant 0 : i32
          %dma_wait3A_200 = arith.constant 0 : i32
          %dma_wait3A_201 = tpu.memref_slice %arg9[%dma_wait3A_185, %dma_wait3A_199, %dma_wait3A_200] : memref<2x200x128xf32, #tpu.memory_space<vmem>> -> memref<1x200x128xf32, #tpu.memory_space<vmem>>
          %dma_wait3A_202 = tpu.memref_squeeze %dma_wait3A_201 : memref<1x200x128xf32, #tpu.memory_space<vmem>> -> memref<200x128xf32, #tpu.memory_space<vmem>>
          tpu.wait_dma2 semaphore(%arg12 : memref<!tpu.dma_semaphore, #tpu.memory_space<semaphore_mem>>) src(%dma_wait3A_202 : memref<200x128xf32, #tpu.memory_space<vmem>>) dst(%dma_wait3A_198 : memref<200x128xf32, #tpu.memory_space<hbm>>)
        } else {
        }
        %dma_wait3A_167 = arith.constant 0 : i32
        %dma_wait3A_168 = arith.constant 0 : i32
        %dma_wait3A_169 = tpu.memref_slice %arg8[%select_n3A_140, %dma_wait3A_167, %dma_wait3A_168] : memref<2x100x128xf32, #tpu.memory_space<vmem>> -> memref<1x100x128xf32, #tpu.memory_space<vmem>>
        %dma_wait3A_170 = tpu.memref_squeeze %dma_wait3A_169 : memref<1x100x128xf32, #tpu.memory_space<vmem>> -> memref<100x128xf32, #tpu.memory_space<vmem>>
        %dma_wait3A_171 = arith.constant 0 : i32
        %dma_wait3A_172 = tpu.memref_slice %arg6[%select_n3A_71, %scan3A_86, %dma_wait3A_171] : memref<2x24x100xi32, #tpu.memory_space<vmem>> -> memref<1x1x100xi32, #tpu.memory_space<vmem>>
        %dma_wait3A_173 = tpu.memref_squeeze %dma_wait3A_172 : memref<1x1x100xi32, #tpu.memory_space<vmem>> -> memref<100xi32, #tpu.memory_space<vmem>>
        %dma_wait3A_174 = arith.constant 0 : i32
        %dma_wait3A_175 = arith.constant 0 : i32
        %dma_wait3A_176 = tpu.memref_slice %arg2[%dma_wait3A_174, %dma_wait3A_175] : memref<400000x128xf32, #tpu.memory_space<hbm>> -> memref<400000x128xf32, #tpu.memory_space<hbm>>
        tpu.wait_indirect_dma semaphore(%arg11 : memref<!tpu.dma_semaphore, #tpu.memory_space<semaphore_mem>>) src(%dma_wait3A_176 : memref<400000x128xf32, #tpu.memory_space<hbm>>) dst(%dma_wait3A_170 : memref<100x128xf32, #tpu.memory_space<vmem>>)
        %parallel_loop3A = arith.constant 0 : i32
        %parallel_loop3A_177 = arith.constant 25 : i32
        %parallel_loop3A_178 = arith.constant 1 : i32
        scf.for %parallel_loop3A_185 = %parallel_loop3A to %parallel_loop3A_177 step %parallel_loop3A_178  : i32 {
          %parallel_loop3A_186 = arith.constant 25 : i32
          %parallel_loop3A_187 = arith.muli %select_n3A_103, %parallel_loop3A_186 : i32
          %parallel_loop3A_188 = arith.addi %parallel_loop3A_187, %parallel_loop3A_185 : i32
          %parallel_loop3A_189 = arith.constant 4 : i32
          %parallel_loop3A_190 = arith.muli %parallel_loop3A_189, %parallel_loop3A_185 : i32
          %parallel_loop3A_191 = arith.constant 0 : i32
          %parallel_loop3A_192 = arith.constant 0 : i32
          %parallel_loop3A_193 = tpu.memref_slice %arg8[%select_n3A_140, %parallel_loop3A_191, %parallel_loop3A_192] : memref<2x100x128xf32, #tpu.memory_space<vmem>> -> memref<1x100x128xf32, #tpu.memory_space<vmem>>
          %parallel_loop3A_194 = tpu.memref_squeeze %parallel_loop3A_193 : memref<1x100x128xf32, #tpu.memory_space<vmem>> -> memref<100x128xf32, #tpu.memory_space<vmem>>
          %parallel_loop3A_195 = arith.index_cast %parallel_loop3A_190 : i32 to index
          %parallel_loop3A_196 = arith.constant 0 : index
          %parallel_loop3A_197 = tpu.vector_load %parallel_loop3A_194[%parallel_loop3A_195, %parallel_loop3A_196] {strides = array<i32>} : memref<100x128xf32, #tpu.memory_space<vmem>>, vector<1x16xf32>,
          %parallel_loop3A_198 = vector.shape_cast %parallel_loop3A_197 : vector<1x16xf32> to vector<16xf32>
          %parallel_loop3A_199 = arith.constant 1 : i32
          %parallel_loop3A_200 = arith.addi %parallel_loop3A_190, %parallel_loop3A_199 : i32
          %parallel_loop3A_201 = arith.constant 0 : i32
          %parallel_loop3A_202 = arith.constant 0 : i32
          %parallel_loop3A_203 = tpu.memref_slice %arg8[%select_n3A_140, %parallel_loop3A_201, %parallel_loop3A_202] : memref<2x100x128xf32, #tpu.memory_space<vmem>> -> memref<1x100x128xf32, #tpu.memory_space<vmem>>
          %parallel_loop3A_204 = tpu.memref_squeeze %parallel_loop3A_203 : memref<1x100x128xf32, #tpu.memory_space<vmem>> -> memref<100x128xf32, #tpu.memory_space<vmem>>
          %parallel_loop3A_205 = arith.index_cast %parallel_loop3A_200 : i32 to index
          %parallel_loop3A_206 = arith.constant 0 : index
          %parallel_loop3A_207 = tpu.vector_load %parallel_loop3A_204[%parallel_loop3A_205, %parallel_loop3A_206] {strides = array<i32>} : memref<100x128xf32, #tpu.memory_space<vmem>>, vector<1x16xf32>,
          %parallel_loop3A_208 = vector.shape_cast %parallel_loop3A_207 : vector<1x16xf32> to vector<16xf32>
          %parallel_loop3A_209 = arith.addf %parallel_loop3A_198, %parallel_loop3A_208 : vector<16xf32>
          %parallel_loop3A_210 = arith.constant 2 : i32
          %parallel_loop3A_211 = arith.addi %parallel_loop3A_190, %parallel_loop3A_210 : i32
          %parallel_loop3A_212 = arith.constant 0 : i32
          %parallel_loop3A_213 = arith.constant 0 : i32
          %parallel_loop3A_214 = tpu.memref_slice %arg8[%select_n3A_140, %parallel_loop3A_212, %parallel_loop3A_213] : memref<2x100x128xf32, #tpu.memory_space<vmem>> -> memref<1x100x128xf32, #tpu.memory_space<vmem>>
          %parallel_loop3A_215 = tpu.memref_squeeze %parallel_loop3A_214 : memref<1x100x128xf32, #tpu.memory_space<vmem>> -> memref<100x128xf32, #tpu.memory_space<vmem>>
          %parallel_loop3A_216 = arith.index_cast %parallel_loop3A_211 : i32 to index
          %parallel_loop3A_217 = arith.constant 0 : index
          %parallel_loop3A_218 = tpu.vector_load %parallel_loop3A_215[%parallel_loop3A_216, %parallel_loop3A_217] {strides = array<i32>} : memref<100x128xf32, #tpu.memory_space<vmem>>, vector<1x16xf32>,
          %parallel_loop3A_219 = vector.shape_cast %parallel_loop3A_218 : vector<1x16xf32> to vector<16xf32>
          %parallel_loop3A_220 = arith.constant 3 : i32
          %parallel_loop3A_221 = arith.addi %parallel_loop3A_190, %parallel_loop3A_220 : i32
          %parallel_loop3A_222 = arith.constant 0 : i32
          %parallel_loop3A_223 = arith.constant 0 : i32
          %parallel_loop3A_224 = tpu.memref_slice %arg8[%select_n3A_140, %parallel_loop3A_222, %parallel_loop3A_223] : memref<2x100x128xf32, #tpu.memory_space<vmem>> -> memref<1x100x128xf32, #tpu.memory_space<vmem>>
          %parallel_loop3A_225 = tpu.memref_squeeze %parallel_loop3A_224 : memref<1x100x128xf32, #tpu.memory_space<vmem>> -> memref<100x128xf32, #tpu.memory_space<vmem>>
          %parallel_loop3A_226 = arith.index_cast %parallel_loop3A_221 : i32 to index
          %parallel_loop3A_227 = arith.constant 0 : index
          %parallel_loop3A_228 = tpu.vector_load %parallel_loop3A_225[%parallel_loop3A_226, %parallel_loop3A_227] {strides = array<i32>} : memref<100x128xf32, #tpu.memory_space<vmem>>, vector<1x16xf32>,
          %parallel_loop3A_229 = vector.shape_cast %parallel_loop3A_228 : vector<1x16xf32> to vector<16xf32>
          %parallel_loop3A_230 = arith.addf %parallel_loop3A_219, %parallel_loop3A_229 : vector<16xf32>
          %parallel_loop3A_231 = arith.addf %parallel_loop3A_209, %parallel_loop3A_230 : vector<16xf32>
          %parallel_loop3A_232 = arith.constant 0 : i32
          %parallel_loop3A_233 = arith.constant 0 : i32
          %parallel_loop3A_234 = tpu.memref_slice %arg9[%select_n3A_156, %parallel_loop3A_232, %parallel_loop3A_233] : memref<2x200x128xf32, #tpu.memory_space<vmem>> -> memref<1x200x128xf32, #tpu.memory_space<vmem>>
          %parallel_loop3A_235 = tpu.memref_squeeze %parallel_loop3A_234 : memref<1x200x128xf32, #tpu.memory_space<vmem>> -> memref<200x128xf32, #tpu.memory_space<vmem>>
          %parallel_loop3A_236 = arith.index_cast %parallel_loop3A_188 : i32 to index
          %parallel_loop3A_237 = arith.constant 0 : index
          %parallel_loop3A_238 = tpu.vector_load %parallel_loop3A_235[%parallel_loop3A_236, %parallel_loop3A_237] {strides = array<i32>} : memref<200x128xf32, #tpu.memory_space<vmem>>, vector<1x16xf32>,
          %parallel_loop3A_239 = vector.shape_cast %parallel_loop3A_238 : vector<1x16xf32> to vector<16xf32>
          %parallel_loop3A_240 = vector.shape_cast %parallel_loop3A_231 : vector<16xf32> to vector<1x16xf32>
          tpu.vector_store %parallel_loop3A_235[%parallel_loop3A_236, %parallel_loop3A_237], %parallel_loop3A_240 {strides = array<i32>} : memref<200x128xf32, #tpu.memory_space<vmem>>, vector<1x16xf32>,
          %parallel_loop3A_241 = arith.constant 0 : i32
          %parallel_loop3A_242 = arith.constant 0 : i32
          %parallel_loop3A_243 = tpu.memref_slice %arg8[%select_n3A_140, %parallel_loop3A_241, %parallel_loop3A_242] : memref<2x100x128xf32, #tpu.memory_space<vmem>> -> memref<1x100x128xf32, #tpu.memory_space<vmem>>
          %parallel_loop3A_244 = tpu.memref_squeeze %parallel_loop3A_243 : memref<1x100x128xf32, #tpu.memory_space<vmem>> -> memref<100x128xf32, #tpu.memory_space<vmem>>
          %parallel_loop3A_245 = arith.index_cast %parallel_loop3A_190 : i32 to index
          %parallel_loop3A_246 = arith.constant 16 : index
          %parallel_loop3A_247 = tpu.vector_load %parallel_loop3A_244[%parallel_loop3A_245, %parallel_loop3A_246] {strides = array<i32>} : memref<100x128xf32, #tpu.memory_space<vmem>>, vector<1x16xf32>,
          %parallel_loop3A_248 = vector.shape_cast %parallel_loop3A_247 : vector<1x16xf32> to vector<16xf32>
          %parallel_loop3A_249 = arith.constant 1 : i32
          %parallel_loop3A_250 = arith.addi %parallel_loop3A_190, %parallel_loop3A_249 : i32
          %parallel_loop3A_251 = arith.constant 0 : i32
          %parallel_loop3A_252 = arith.constant 0 : i32
          %parallel_loop3A_253 = tpu.memref_slice %arg8[%select_n3A_140, %parallel_loop3A_251, %parallel_loop3A_252] : memref<2x100x128xf32, #tpu.memory_space<vmem>> -> memref<1x100x128xf32, #tpu.memory_space<vmem>>
          %parallel_loop3A_254 = tpu.memref_squeeze %parallel_loop3A_253 : memref<1x100x128xf32, #tpu.memory_space<vmem>> -> memref<100x128xf32, #tpu.memory_space<vmem>>
          %parallel_loop3A_255 = arith.index_cast %parallel_loop3A_250 : i32 to index
          %parallel_loop3A_256 = arith.constant 16 : index
          %parallel_loop3A_257 = tpu.vector_load %parallel_loop3A_254[%parallel_loop3A_255, %parallel_loop3A_256] {strides = array<i32>} : memref<100x128xf32, #tpu.memory_space<vmem>>, vector<1x16xf32>,
          %parallel_loop3A_258 = vector.shape_cast %parallel_loop3A_257 : vector<1x16xf32> to vector<16xf32>
          %parallel_loop3A_259 = arith.addf %parallel_loop3A_248, %parallel_loop3A_258 : vector<16xf32>
          %parallel_loop3A_260 = arith.constant 2 : i32
          %parallel_loop3A_261 = arith.addi %parallel_loop3A_190, %parallel_loop3A_260 : i32
          %parallel_loop3A_262 = arith.constant 0 : i32
          %parallel_loop3A_263 = arith.constant 0 : i32
          %parallel_loop3A_264 = tpu.memref_slice %arg8[%select_n3A_140, %parallel_loop3A_262, %parallel_loop3A_263] : memref<2x100x128xf32, #tpu.memory_space<vmem>> -> memref<1x100x128xf32, #tpu.memory_space<vmem>>
          %parallel_loop3A_265 = tpu.memref_squeeze %parallel_loop3A_264 : memref<1x100x128xf32, #tpu.memory_space<vmem>> -> memref<100x128xf32, #tpu.memory_space<vmem>>
          %parallel_loop3A_266 = arith.index_cast %parallel_loop3A_261 : i32 to index
          %parallel_loop3A_267 = arith.constant 16 : index
          %parallel_loop3A_268 = tpu.vector_load %parallel_loop3A_265[%parallel_loop3A_266, %parallel_loop3A_267] {strides = array<i32>} : memref<100x128xf32, #tpu.memory_space<vmem>>, vector<1x16xf32>,
          %parallel_loop3A_269 = vector.shape_cast %parallel_loop3A_268 : vector<1x16xf32> to vector<16xf32>
          %parallel_loop3A_270 = arith.constant 3 : i32
          %parallel_loop3A_271 = arith.addi %parallel_loop3A_190, %parallel_loop3A_270 : i32
          %parallel_loop3A_272 = arith.constant 0 : i32
          %parallel_loop3A_273 = arith.constant 0 : i32
          %parallel_loop3A_274 = tpu.memref_slice %arg8[%select_n3A_140, %parallel_loop3A_272, %parallel_loop3A_273] : memref<2x100x128xf32, #tpu.memory_space<vmem>> -> memref<1x100x128xf32, #tpu.memory_space<vmem>>
          %parallel_loop3A_275 = tpu.memref_squeeze %parallel_loop3A_274 : memref<1x100x128xf32, #tpu.memory_space<vmem>> -> memref<100x128xf32, #tpu.memory_space<vmem>>
          %parallel_loop3A_276 = arith.index_cast %parallel_loop3A_271 : i32 to index
          %parallel_loop3A_277 = arith.constant 16 : index
          %parallel_loop3A_278 = tpu.vector_load %parallel_loop3A_275[%parallel_loop3A_276, %parallel_loop3A_277] {strides = array<i32>} : memref<100x128xf32, #tpu.memory_space<vmem>>, vector<1x16xf32>,
          %parallel_loop3A_279 = vector.shape_cast %parallel_loop3A_278 : vector<1x16xf32> to vector<16xf32>
          %parallel_loop3A_280 = arith.addf %parallel_loop3A_269, %parallel_loop3A_279 : vector<16xf32>
          %parallel_loop3A_281 = arith.addf %parallel_loop3A_259, %parallel_loop3A_280 : vector<16xf32>
          %parallel_loop3A_282 = arith.constant 0 : i32
          %parallel_loop3A_283 = arith.constant 0 : i32
          %parallel_loop3A_284 = tpu.memref_slice %arg9[%select_n3A_156, %parallel_loop3A_282, %parallel_loop3A_283] : memref<2x200x128xf32, #tpu.memory_space<vmem>> -> memref<1x200x128xf32, #tpu.memory_space<vmem>>
          %parallel_loop3A_285 = tpu.memref_squeeze %parallel_loop3A_284 : memref<1x200x128xf32, #tpu.memory_space<vmem>> -> memref<200x128xf32, #tpu.memory_space<vmem>>
          %parallel_loop3A_286 = arith.index_cast %parallel_loop3A_188 : i32 to index
          %parallel_loop3A_287 = arith.constant 16 : index
          %parallel_loop3A_288 = tpu.vector_load %parallel_loop3A_285[%parallel_loop3A_286, %parallel_loop3A_287] {strides = array<i32>} : memref<200x128xf32, #tpu.memory_space<vmem>>, vector<1x16xf32>,
          %parallel_loop3A_289 = vector.shape_cast %parallel_loop3A_288 : vector<1x16xf32> to vector<16xf32>
          %parallel_loop3A_290 = vector.shape_cast %parallel_loop3A_281 : vector<16xf32> to vector<1x16xf32>
          tpu.vector_store %parallel_loop3A_285[%parallel_loop3A_286, %parallel_loop3A_287], %parallel_loop3A_290 {strides = array<i32>} : memref<200x128xf32, #tpu.memory_space<vmem>>, vector<1x16xf32>,
          %parallel_loop3A_291 = arith.constant 0 : i32
          %parallel_loop3A_292 = arith.constant 0 : i32
          %parallel_loop3A_293 = tpu.memref_slice %arg8[%select_n3A_140, %parallel_loop3A_291, %parallel_loop3A_292] : memref<2x100x128xf32, #tpu.memory_space<vmem>> -> memref<1x100x128xf32, #tpu.memory_space<vmem>>
          %parallel_loop3A_294 = tpu.memref_squeeze %parallel_loop3A_293 : memref<1x100x128xf32, #tpu.memory_space<vmem>> -> memref<100x128xf32, #tpu.memory_space<vmem>>
          %parallel_loop3A_295 = arith.index_cast %parallel_loop3A_190 : i32 to index
          %parallel_loop3A_296 = arith.constant 32 : index
          %parallel_loop3A_297 = tpu.vector_load %parallel_loop3A_294[%parallel_loop3A_295, %parallel_loop3A_296] {strides = array<i32>} : memref<100x128xf32, #tpu.memory_space<vmem>>, vector<1x16xf32>,
          %parallel_loop3A_298 = vector.shape_cast %parallel_loop3A_297 : vector<1x16xf32> to vector<16xf32>
          %parallel_loop3A_299 = arith.constant 1 : i32
          %parallel_loop3A_300 = arith.addi %parallel_loop3A_190, %parallel_loop3A_299 : i32
          %parallel_loop3A_301 = arith.constant 0 : i32
          %parallel_loop3A_302 = arith.constant 0 : i32
          %parallel_loop3A_303 = tpu.memref_slice %arg8[%select_n3A_140, %parallel_loop3A_301, %parallel_loop3A_302] : memref<2x100x128xf32, #tpu.memory_space<vmem>> -> memref<1x100x128xf32, #tpu.memory_space<vmem>>
          %parallel_loop3A_304 = tpu.memref_squeeze %parallel_loop3A_303 : memref<1x100x128xf32, #tpu.memory_space<vmem>> -> memref<100x128xf32, #tpu.memory_space<vmem>>
          %parallel_loop3A_305 = arith.index_cast %parallel_loop3A_300 : i32 to index
          %parallel_loop3A_306 = arith.constant 32 : index
          %parallel_loop3A_307 = tpu.vector_load %parallel_loop3A_304[%parallel_loop3A_305, %parallel_loop3A_306] {strides = array<i32>} : memref<100x128xf32, #tpu.memory_space<vmem>>, vector<1x16xf32>,
          %parallel_loop3A_308 = vector.shape_cast %parallel_loop3A_307 : vector<1x16xf32> to vector<16xf32>
          %parallel_loop3A_309 = arith.addf %parallel_loop3A_298, %parallel_loop3A_308 : vector<16xf32>
          %parallel_loop3A_310 = arith.constant 2 : i32
          %parallel_loop3A_311 = arith.addi %parallel_loop3A_190, %parallel_loop3A_310 : i32
          %parallel_loop3A_312 = arith.constant 0 : i32
          %parallel_loop3A_313 = arith.constant 0 : i32
          %parallel_loop3A_314 = tpu.memref_slice %arg8[%select_n3A_140, %parallel_loop3A_312, %parallel_loop3A_313] : memref<2x100x128xf32, #tpu.memory_space<vmem>> -> memref<1x100x128xf32, #tpu.memory_space<vmem>>
          %parallel_loop3A_315 = tpu.memref_squeeze %parallel_loop3A_314 : memref<1x100x128xf32, #tpu.memory_space<vmem>> -> memref<100x128xf32, #tpu.memory_space<vmem>>
          %parallel_loop3A_316 = arith.index_cast %parallel_loop3A_311 : i32 to index
          %parallel_loop3A_317 = arith.constant 32 : index
          %parallel_loop3A_318 = tpu.vector_load %parallel_loop3A_315[%parallel_loop3A_316, %parallel_loop3A_317] {strides = array<i32>} : memref<100x128xf32, #tpu.memory_space<vmem>>, vector<1x16xf32>,
          %parallel_loop3A_319 = vector.shape_cast %parallel_loop3A_318 : vector<1x16xf32> to vector<16xf32>
          %parallel_loop3A_320 = arith.constant 3 : i32
          %parallel_loop3A_321 = arith.addi %parallel_loop3A_190, %parallel_loop3A_320 : i32
          %parallel_loop3A_322 = arith.constant 0 : i32
          %parallel_loop3A_323 = arith.constant 0 : i32
          %parallel_loop3A_324 = tpu.memref_slice %arg8[%select_n3A_140, %parallel_loop3A_322, %parallel_loop3A_323] : memref<2x100x128xf32, #tpu.memory_space<vmem>> -> memref<1x100x128xf32, #tpu.memory_space<vmem>>
          %parallel_loop3A_325 = tpu.memref_squeeze %parallel_loop3A_324 : memref<1x100x128xf32, #tpu.memory_space<vmem>> -> memref<100x128xf32, #tpu.memory_space<vmem>>
          %parallel_loop3A_326 = arith.index_cast %parallel_loop3A_321 : i32 to index
          %parallel_loop3A_327 = arith.constant 32 : index
          %parallel_loop3A_328 = tpu.vector_load %parallel_loop3A_325[%parallel_loop3A_326, %parallel_loop3A_327] {strides = array<i32>} : memref<100x128xf32, #tpu.memory_space<vmem>>, vector<1x16xf32>,
          %parallel_loop3A_329 = vector.shape_cast %parallel_loop3A_328 : vector<1x16xf32> to vector<16xf32>
          %parallel_loop3A_330 = arith.addf %parallel_loop3A_319, %parallel_loop3A_329 : vector<16xf32>
          %parallel_loop3A_331 = arith.addf %parallel_loop3A_309, %parallel_loop3A_330 : vector<16xf32>
          %parallel_loop3A_332 = arith.constant 0 : i32
          %parallel_loop3A_333 = arith.constant 0 : i32
          %parallel_loop3A_334 = tpu.memref_slice %arg9[%select_n3A_156, %parallel_loop3A_332, %parallel_loop3A_333] : memref<2x200x128xf32, #tpu.memory_space<vmem>> -> memref<1x200x128xf32, #tpu.memory_space<vmem>>
          %parallel_loop3A_335 = tpu.memref_squeeze %parallel_loop3A_334 : memref<1x200x128xf32, #tpu.memory_space<vmem>> -> memref<200x128xf32, #tpu.memory_space<vmem>>
          %parallel_loop3A_336 = arith.index_cast %parallel_loop3A_188 : i32 to index
          %parallel_loop3A_337 = arith.constant 32 : index
          %parallel_loop3A_338 = tpu.vector_load %parallel_loop3A_335[%parallel_loop3A_336, %parallel_loop3A_337] {strides = array<i32>} : memref<200x128xf32, #tpu.memory_space<vmem>>, vector<1x16xf32>,
          %parallel_loop3A_339 = vector.shape_cast %parallel_loop3A_338 : vector<1x16xf32> to vector<16xf32>
          %parallel_loop3A_340 = vector.shape_cast %parallel_loop3A_331 : vector<16xf32> to vector<1x16xf32>
          tpu.vector_store %parallel_loop3A_335[%parallel_loop3A_336, %parallel_loop3A_337], %parallel_loop3A_340 {strides = array<i32>} : memref<200x128xf32, #tpu.memory_space<vmem>>, vector<1x16xf32>,
          %parallel_loop3A_341 = arith.constant 0 : i32
          %parallel_loop3A_342 = arith.constant 0 : i32
          %parallel_loop3A_343 = tpu.memref_slice %arg8[%select_n3A_140, %parallel_loop3A_341, %parallel_loop3A_342] : memref<2x100x128xf32, #tpu.memory_space<vmem>> -> memref<1x100x128xf32, #tpu.memory_space<vmem>>
          %parallel_loop3A_344 = tpu.memref_squeeze %parallel_loop3A_343 : memref<1x100x128xf32, #tpu.memory_space<vmem>> -> memref<100x128xf32, #tpu.memory_space<vmem>>
          %parallel_loop3A_345 = arith.index_cast %parallel_loop3A_190 : i32 to index
          %parallel_loop3A_346 = arith.constant 48 : index
          %parallel_loop3A_347 = tpu.vector_load %parallel_loop3A_344[%parallel_loop3A_345, %parallel_loop3A_346] {strides = array<i32>} : memref<100x128xf32, #tpu.memory_space<vmem>>, vector<1x16xf32>,
          %parallel_loop3A_348 = vector.shape_cast %parallel_loop3A_347 : vector<1x16xf32> to vector<16xf32>
          %parallel_loop3A_349 = arith.constant 1 : i32
          %parallel_loop3A_350 = arith.addi %parallel_loop3A_190, %parallel_loop3A_349 : i32
          %parallel_loop3A_351 = arith.constant 0 : i32
          %parallel_loop3A_352 = arith.constant 0 : i32
          %parallel_loop3A_353 = tpu.memref_slice %arg8[%select_n3A_140, %parallel_loop3A_351, %parallel_loop3A_352] : memref<2x100x128xf32, #tpu.memory_space<vmem>> -> memref<1x100x128xf32, #tpu.memory_space<vmem>>
          %parallel_loop3A_354 = tpu.memref_squeeze %parallel_loop3A_353 : memref<1x100x128xf32, #tpu.memory_space<vmem>> -> memref<100x128xf32, #tpu.memory_space<vmem>>
          %parallel_loop3A_355 = arith.index_cast %parallel_loop3A_350 : i32 to index
          %parallel_loop3A_356 = arith.constant 48 : index
          %parallel_loop3A_357 = tpu.vector_load %parallel_loop3A_354[%parallel_loop3A_355, %parallel_loop3A_356] {strides = array<i32>} : memref<100x128xf32, #tpu.memory_space<vmem>>, vector<1x16xf32>,
          %parallel_loop3A_358 = vector.shape_cast %parallel_loop3A_357 : vector<1x16xf32> to vector<16xf32>
          %parallel_loop3A_359 = arith.addf %parallel_loop3A_348, %parallel_loop3A_358 : vector<16xf32>
          %parallel_loop3A_360 = arith.constant 2 : i32
          %parallel_loop3A_361 = arith.addi %parallel_loop3A_190, %parallel_loop3A_360 : i32
          %parallel_loop3A_362 = arith.constant 0 : i32
          %parallel_loop3A_363 = arith.constant 0 : i32
          %parallel_loop3A_364 = tpu.memref_slice %arg8[%select_n3A_140, %parallel_loop3A_362, %parallel_loop3A_363] : memref<2x100x128xf32, #tpu.memory_space<vmem>> -> memref<1x100x128xf32, #tpu.memory_space<vmem>>
          %parallel_loop3A_365 = tpu.memref_squeeze %parallel_loop3A_364 : memref<1x100x128xf32, #tpu.memory_space<vmem>> -> memref<100x128xf32, #tpu.memory_space<vmem>>
          %parallel_loop3A_366 = arith.index_cast %parallel_loop3A_361 : i32 to index
          %parallel_loop3A_367 = arith.constant 48 : index
          %parallel_loop3A_368 = tpu.vector_load %parallel_loop3A_365[%parallel_loop3A_366, %parallel_loop3A_367] {strides = array<i32>} : memref<100x128xf32, #tpu.memory_space<vmem>>, vector<1x16xf32>,
          %parallel_loop3A_369 = vector.shape_cast %parallel_loop3A_368 : vector<1x16xf32> to vector<16xf32>
          %parallel_loop3A_370 = arith.constant 3 : i32
          %parallel_loop3A_371 = arith.addi %parallel_loop3A_190, %parallel_loop3A_370 : i32
          %parallel_loop3A_372 = arith.constant 0 : i32
          %parallel_loop3A_373 = arith.constant 0 : i32
          %parallel_loop3A_374 = tpu.memref_slice %arg8[%select_n3A_140, %parallel_loop3A_372, %parallel_loop3A_373] : memref<2x100x128xf32, #tpu.memory_space<vmem>> -> memref<1x100x128xf32, #tpu.memory_space<vmem>>
          %parallel_loop3A_375 = tpu.memref_squeeze %parallel_loop3A_374 : memref<1x100x128xf32, #tpu.memory_space<vmem>> -> memref<100x128xf32, #tpu.memory_space<vmem>>
          %parallel_loop3A_376 = arith.index_cast %parallel_loop3A_371 : i32 to index
          %parallel_loop3A_377 = arith.constant 48 : index
          %parallel_loop3A_378 = tpu.vector_load %parallel_loop3A_375[%parallel_loop3A_376, %parallel_loop3A_377] {strides = array<i32>} : memref<100x128xf32, #tpu.memory_space<vmem>>, vector<1x16xf32>,
          %parallel_loop3A_379 = vector.shape_cast %parallel_loop3A_378 : vector<1x16xf32> to vector<16xf32>
          %parallel_loop3A_380 = arith.addf %parallel_loop3A_369, %parallel_loop3A_379 : vector<16xf32>
          %parallel_loop3A_381 = arith.addf %parallel_loop3A_359, %parallel_loop3A_380 : vector<16xf32>
          %parallel_loop3A_382 = arith.constant 0 : i32
          %parallel_loop3A_383 = arith.constant 0 : i32
          %parallel_loop3A_384 = tpu.memref_slice %arg9[%select_n3A_156, %parallel_loop3A_382, %parallel_loop3A_383] : memref<2x200x128xf32, #tpu.memory_space<vmem>> -> memref<1x200x128xf32, #tpu.memory_space<vmem>>
          %parallel_loop3A_385 = tpu.memref_squeeze %parallel_loop3A_384 : memref<1x200x128xf32, #tpu.memory_space<vmem>> -> memref<200x128xf32, #tpu.memory_space<vmem>>
          %parallel_loop3A_386 = arith.index_cast %parallel_loop3A_188 : i32 to index
          %parallel_loop3A_387 = arith.constant 48 : index
          %parallel_loop3A_388 = tpu.vector_load %parallel_loop3A_385[%parallel_loop3A_386, %parallel_loop3A_387] {strides = array<i32>} : memref<200x128xf32, #tpu.memory_space<vmem>>, vector<1x16xf32>,
          %parallel_loop3A_389 = vector.shape_cast %parallel_loop3A_388 : vector<1x16xf32> to vector<16xf32>
          %parallel_loop3A_390 = vector.shape_cast %parallel_loop3A_381 : vector<16xf32> to vector<1x16xf32>
          tpu.vector_store %parallel_loop3A_385[%parallel_loop3A_386, %parallel_loop3A_387], %parallel_loop3A_390 {strides = array<i32>} : memref<200x128xf32, #tpu.memory_space<vmem>>, vector<1x16xf32>,
          %parallel_loop3A_391 = arith.constant 0 : i32
          %parallel_loop3A_392 = arith.constant 0 : i32
          %parallel_loop3A_393 = tpu.memref_slice %arg8[%select_n3A_140, %parallel_loop3A_391, %parallel_loop3A_392] : memref<2x100x128xf32, #tpu.memory_space<vmem>> -> memref<1x100x128xf32, #tpu.memory_space<vmem>>
          %parallel_loop3A_394 = tpu.memref_squeeze %parallel_loop3A_393 : memref<1x100x128xf32, #tpu.memory_space<vmem>> -> memref<100x128xf32, #tpu.memory_space<vmem>>
          %parallel_loop3A_395 = arith.index_cast %parallel_loop3A_190 : i32 to index
          %parallel_loop3A_396 = arith.constant 64 : index
          %parallel_loop3A_397 = tpu.vector_load %parallel_loop3A_394[%parallel_loop3A_395, %parallel_loop3A_396] {strides = array<i32>} : memref<100x128xf32, #tpu.memory_space<vmem>>, vector<1x16xf32>,
          %parallel_loop3A_398 = vector.shape_cast %parallel_loop3A_397 : vector<1x16xf32> to vector<16xf32>
          %parallel_loop3A_399 = arith.constant 1 : i32
          %parallel_loop3A_400 = arith.addi %parallel_loop3A_190, %parallel_loop3A_399 : i32
          %parallel_loop3A_401 = arith.constant 0 : i32
          %parallel_loop3A_402 = arith.constant 0 : i32
          %parallel_loop3A_403 = tpu.memref_slice %arg8[%select_n3A_140, %parallel_loop3A_401, %parallel_loop3A_402] : memref<2x100x128xf32, #tpu.memory_space<vmem>> -> memref<1x100x128xf32, #tpu.memory_space<vmem>>
          %parallel_loop3A_404 = tpu.memref_squeeze %parallel_loop3A_403 : memref<1x100x128xf32, #tpu.memory_space<vmem>> -> memref<100x128xf32, #tpu.memory_space<vmem>>
          %parallel_loop3A_405 = arith.index_cast %parallel_loop3A_400 : i32 to index
          %parallel_loop3A_406 = arith.constant 64 : index
          %parallel_loop3A_407 = tpu.vector_load %parallel_loop3A_404[%parallel_loop3A_405, %parallel_loop3A_406] {strides = array<i32>} : memref<100x128xf32, #tpu.memory_space<vmem>>, vector<1x16xf32>,
          %parallel_loop3A_408 = vector.shape_cast %parallel_loop3A_407 : vector<1x16xf32> to vector<16xf32>
          %parallel_loop3A_409 = arith.addf %parallel_loop3A_398, %parallel_loop3A_408 : vector<16xf32>
          %parallel_loop3A_410 = arith.constant 2 : i32
          %parallel_loop3A_411 = arith.addi %parallel_loop3A_190, %parallel_loop3A_410 : i32
          %parallel_loop3A_412 = arith.constant 0 : i32
          %parallel_loop3A_413 = arith.constant 0 : i32
          %parallel_loop3A_414 = tpu.memref_slice %arg8[%select_n3A_140, %parallel_loop3A_412, %parallel_loop3A_413] : memref<2x100x128xf32, #tpu.memory_space<vmem>> -> memref<1x100x128xf32, #tpu.memory_space<vmem>>
          %parallel_loop3A_415 = tpu.memref_squeeze %parallel_loop3A_414 : memref<1x100x128xf32, #tpu.memory_space<vmem>> -> memref<100x128xf32, #tpu.memory_space<vmem>>
          %parallel_loop3A_416 = arith.index_cast %parallel_loop3A_411 : i32 to index
          %parallel_loop3A_417 = arith.constant 64 : index
          %parallel_loop3A_418 = tpu.vector_load %parallel_loop3A_415[%parallel_loop3A_416, %parallel_loop3A_417] {strides = array<i32>} : memref<100x128xf32, #tpu.memory_space<vmem>>, vector<1x16xf32>,
          %parallel_loop3A_419 = vector.shape_cast %parallel_loop3A_418 : vector<1x16xf32> to vector<16xf32>
          %parallel_loop3A_420 = arith.constant 3 : i32
          %parallel_loop3A_421 = arith.addi %parallel_loop3A_190, %parallel_loop3A_420 : i32
          %parallel_loop3A_422 = arith.constant 0 : i32
          %parallel_loop3A_423 = arith.constant 0 : i32
          %parallel_loop3A_424 = tpu.memref_slice %arg8[%select_n3A_140, %parallel_loop3A_422, %parallel_loop3A_423] : memref<2x100x128xf32, #tpu.memory_space<vmem>> -> memref<1x100x128xf32, #tpu.memory_space<vmem>>
          %parallel_loop3A_425 = tpu.memref_squeeze %parallel_loop3A_424 : memref<1x100x128xf32, #tpu.memory_space<vmem>> -> memref<100x128xf32, #tpu.memory_space<vmem>>
          %parallel_loop3A_426 = arith.index_cast %parallel_loop3A_421 : i32 to index
          %parallel_loop3A_427 = arith.constant 64 : index
          %parallel_loop3A_428 = tpu.vector_load %parallel_loop3A_425[%parallel_loop3A_426, %parallel_loop3A_427] {strides = array<i32>} : memref<100x128xf32, #tpu.memory_space<vmem>>, vector<1x16xf32>,
          %parallel_loop3A_429 = vector.shape_cast %parallel_loop3A_428 : vector<1x16xf32> to vector<16xf32>
          %parallel_loop3A_430 = arith.addf %parallel_loop3A_419, %parallel_loop3A_429 : vector<16xf32>
          %parallel_loop3A_431 = arith.addf %parallel_loop3A_409, %parallel_loop3A_430 : vector<16xf32>
          %parallel_loop3A_432 = arith.constant 0 : i32
          %parallel_loop3A_433 = arith.constant 0 : i32
          %parallel_loop3A_434 = tpu.memref_slice %arg9[%select_n3A_156, %parallel_loop3A_432, %parallel_loop3A_433] : memref<2x200x128xf32, #tpu.memory_space<vmem>> -> memref<1x200x128xf32, #tpu.memory_space<vmem>>
          %parallel_loop3A_435 = tpu.memref_squeeze %parallel_loop3A_434 : memref<1x200x128xf32, #tpu.memory_space<vmem>> -> memref<200x128xf32, #tpu.memory_space<vmem>>
          %parallel_loop3A_436 = arith.index_cast %parallel_loop3A_188 : i32 to index
          %parallel_loop3A_437 = arith.constant 64 : index
          %parallel_loop3A_438 = tpu.vector_load %parallel_loop3A_435[%parallel_loop3A_436, %parallel_loop3A_437] {strides = array<i32>} : memref<200x128xf32, #tpu.memory_space<vmem>>, vector<1x16xf32>,
          %parallel_loop3A_439 = vector.shape_cast %parallel_loop3A_438 : vector<1x16xf32> to vector<16xf32>
          %parallel_loop3A_440 = vector.shape_cast %parallel_loop3A_431 : vector<16xf32> to vector<1x16xf32>
          tpu.vector_store %parallel_loop3A_435[%parallel_loop3A_436, %parallel_loop3A_437], %parallel_loop3A_440 {strides = array<i32>} : memref<200x128xf32, #tpu.memory_space<vmem>>, vector<1x16xf32>,
          %parallel_loop3A_441 = arith.constant 0 : i32
          %parallel_loop3A_442 = arith.constant 0 : i32
          %parallel_loop3A_443 = tpu.memref_slice %arg8[%select_n3A_140, %parallel_loop3A_441, %parallel_loop3A_442] : memref<2x100x128xf32, #tpu.memory_space<vmem>> -> memref<1x100x128xf32, #tpu.memory_space<vmem>>
          %parallel_loop3A_444 = tpu.memref_squeeze %parallel_loop3A_443 : memref<1x100x128xf32, #tpu.memory_space<vmem>> -> memref<100x128xf32, #tpu.memory_space<vmem>>
          %parallel_loop3A_445 = arith.index_cast %parallel_loop3A_190 : i32 to index
          %parallel_loop3A_446 = arith.constant 80 : index
          %parallel_loop3A_447 = tpu.vector_load %parallel_loop3A_444[%parallel_loop3A_445, %parallel_loop3A_446] {strides = array<i32>} : memref<100x128xf32, #tpu.memory_space<vmem>>, vector<1x16xf32>,
          %parallel_loop3A_448 = vector.shape_cast %parallel_loop3A_447 : vector<1x16xf32> to vector<16xf32>
          %parallel_loop3A_449 = arith.constant 1 : i32
          %parallel_loop3A_450 = arith.addi %parallel_loop3A_190, %parallel_loop3A_449 : i32
          %parallel_loop3A_451 = arith.constant 0 : i32
          %parallel_loop3A_452 = arith.constant 0 : i32
          %parallel_loop3A_453 = tpu.memref_slice %arg8[%select_n3A_140, %parallel_loop3A_451, %parallel_loop3A_452] : memref<2x100x128xf32, #tpu.memory_space<vmem>> -> memref<1x100x128xf32, #tpu.memory_space<vmem>>
          %parallel_loop3A_454 = tpu.memref_squeeze %parallel_loop3A_453 : memref<1x100x128xf32, #tpu.memory_space<vmem>> -> memref<100x128xf32, #tpu.memory_space<vmem>>
          %parallel_loop3A_455 = arith.index_cast %parallel_loop3A_450 : i32 to index
          %parallel_loop3A_456 = arith.constant 80 : index
          %parallel_loop3A_457 = tpu.vector_load %parallel_loop3A_454[%parallel_loop3A_455, %parallel_loop3A_456] {strides = array<i32>} : memref<100x128xf32, #tpu.memory_space<vmem>>, vector<1x16xf32>,
          %parallel_loop3A_458 = vector.shape_cast %parallel_loop3A_457 : vector<1x16xf32> to vector<16xf32>
          %parallel_loop3A_459 = arith.addf %parallel_loop3A_448, %parallel_loop3A_458 : vector<16xf32>
          %parallel_loop3A_460 = arith.constant 2 : i32
          %parallel_loop3A_461 = arith.addi %parallel_loop3A_190, %parallel_loop3A_460 : i32
          %parallel_loop3A_462 = arith.constant 0 : i32
          %parallel_loop3A_463 = arith.constant 0 : i32
          %parallel_loop3A_464 = tpu.memref_slice %arg8[%select_n3A_140, %parallel_loop3A_462, %parallel_loop3A_463] : memref<2x100x128xf32, #tpu.memory_space<vmem>> -> memref<1x100x128xf32, #tpu.memory_space<vmem>>
          %parallel_loop3A_465 = tpu.memref_squeeze %parallel_loop3A_464 : memref<1x100x128xf32, #tpu.memory_space<vmem>> -> memref<100x128xf32, #tpu.memory_space<vmem>>
          %parallel_loop3A_466 = arith.index_cast %parallel_loop3A_461 : i32 to index
          %parallel_loop3A_467 = arith.constant 80 : index
          %parallel_loop3A_468 = tpu.vector_load %parallel_loop3A_465[%parallel_loop3A_466, %parallel_loop3A_467] {strides = array<i32>} : memref<100x128xf32, #tpu.memory_space<vmem>>, vector<1x16xf32>,
          %parallel_loop3A_469 = vector.shape_cast %parallel_loop3A_468 : vector<1x16xf32> to vector<16xf32>
          %parallel_loop3A_470 = arith.constant 3 : i32
          %parallel_loop3A_471 = arith.addi %parallel_loop3A_190, %parallel_loop3A_470 : i32
          %parallel_loop3A_472 = arith.constant 0 : i32
          %parallel_loop3A_473 = arith.constant 0 : i32
          %parallel_loop3A_474 = tpu.memref_slice %arg8[%select_n3A_140, %parallel_loop3A_472, %parallel_loop3A_473] : memref<2x100x128xf32, #tpu.memory_space<vmem>> -> memref<1x100x128xf32, #tpu.memory_space<vmem>>
          %parallel_loop3A_475 = tpu.memref_squeeze %parallel_loop3A_474 : memref<1x100x128xf32, #tpu.memory_space<vmem>> -> memref<100x128xf32, #tpu.memory_space<vmem>>
          %parallel_loop3A_476 = arith.index_cast %parallel_loop3A_471 : i32 to index
          %parallel_loop3A_477 = arith.constant 80 : index
          %parallel_loop3A_478 = tpu.vector_load %parallel_loop3A_475[%parallel_loop3A_476, %parallel_loop3A_477] {strides = array<i32>} : memref<100x128xf32, #tpu.memory_space<vmem>>, vector<1x16xf32>,
          %parallel_loop3A_479 = vector.shape_cast %parallel_loop3A_478 : vector<1x16xf32> to vector<16xf32>
          %parallel_loop3A_480 = arith.addf %parallel_loop3A_469, %parallel_loop3A_479 : vector<16xf32>
          %parallel_loop3A_481 = arith.addf %parallel_loop3A_459, %parallel_loop3A_480 : vector<16xf32>
          %parallel_loop3A_482 = arith.constant 0 : i32
          %parallel_loop3A_483 = arith.constant 0 : i32
          %parallel_loop3A_484 = tpu.memref_slice %arg9[%select_n3A_156, %parallel_loop3A_482, %parallel_loop3A_483] : memref<2x200x128xf32, #tpu.memory_space<vmem>> -> memref<1x200x128xf32, #tpu.memory_space<vmem>>
          %parallel_loop3A_485 = tpu.memref_squeeze %parallel_loop3A_484 : memref<1x200x128xf32, #tpu.memory_space<vmem>> -> memref<200x128xf32, #tpu.memory_space<vmem>>
          %parallel_loop3A_486 = arith.index_cast %parallel_loop3A_188 : i32 to index
          %parallel_loop3A_487 = arith.constant 80 : index
          %parallel_loop3A_488 = tpu.vector_load %parallel_loop3A_485[%parallel_loop3A_486, %parallel_loop3A_487] {strides = array<i32>} : memref<200x128xf32, #tpu.memory_space<vmem>>, vector<1x16xf32>,
          %parallel_loop3A_489 = vector.shape_cast %parallel_loop3A_488 : vector<1x16xf32> to vector<16xf32>
          %parallel_loop3A_490 = vector.shape_cast %parallel_loop3A_481 : vector<16xf32> to vector<1x16xf32>
          tpu.vector_store %parallel_loop3A_485[%parallel_loop3A_486, %parallel_loop3A_487], %parallel_loop3A_490 {strides = array<i32>} : memref<200x128xf32, #tpu.memory_space<vmem>>, vector<1x16xf32>,
          %parallel_loop3A_491 = arith.constant 0 : i32
          %parallel_loop3A_492 = arith.constant 0 : i32
          %parallel_loop3A_493 = tpu.memref_slice %arg8[%select_n3A_140, %parallel_loop3A_491, %parallel_loop3A_492] : memref<2x100x128xf32, #tpu.memory_space<vmem>> -> memref<1x100x128xf32, #tpu.memory_space<vmem>>
          %parallel_loop3A_494 = tpu.memref_squeeze %parallel_loop3A_493 : memref<1x100x128xf32, #tpu.memory_space<vmem>> -> memref<100x128xf32, #tpu.memory_space<vmem>>
          %parallel_loop3A_495 = arith.index_cast %parallel_loop3A_190 : i32 to index
          %parallel_loop3A_496 = arith.constant 96 : index
          %parallel_loop3A_497 = tpu.vector_load %parallel_loop3A_494[%parallel_loop3A_495, %parallel_loop3A_496] {strides = array<i32>} : memref<100x128xf32, #tpu.memory_space<vmem>>, vector<1x16xf32>,
          %parallel_loop3A_498 = vector.shape_cast %parallel_loop3A_497 : vector<1x16xf32> to vector<16xf32>
          %parallel_loop3A_499 = arith.constant 1 : i32
          %parallel_loop3A_500 = arith.addi %parallel_loop3A_190, %parallel_loop3A_499 : i32
          %parallel_loop3A_501 = arith.constant 0 : i32
          %parallel_loop3A_502 = arith.constant 0 : i32
          %parallel_loop3A_503 = tpu.memref_slice %arg8[%select_n3A_140, %parallel_loop3A_501, %parallel_loop3A_502] : memref<2x100x128xf32, #tpu.memory_space<vmem>> -> memref<1x100x128xf32, #tpu.memory_space<vmem>>
          %parallel_loop3A_504 = tpu.memref_squeeze %parallel_loop3A_503 : memref<1x100x128xf32, #tpu.memory_space<vmem>> -> memref<100x128xf32, #tpu.memory_space<vmem>>
          %parallel_loop3A_505 = arith.index_cast %parallel_loop3A_500 : i32 to index
          %parallel_loop3A_506 = arith.constant 96 : index
          %parallel_loop3A_507 = tpu.vector_load %parallel_loop3A_504[%parallel_loop3A_505, %parallel_loop3A_506] {strides = array<i32>} : memref<100x128xf32, #tpu.memory_space<vmem>>, vector<1x16xf32>,
          %parallel_loop3A_508 = vector.shape_cast %parallel_loop3A_507 : vector<1x16xf32> to vector<16xf32>
          %parallel_loop3A_509 = arith.addf %parallel_loop3A_498, %parallel_loop3A_508 : vector<16xf32>
          %parallel_loop3A_510 = arith.constant 2 : i32
          %parallel_loop3A_511 = arith.addi %parallel_loop3A_190, %parallel_loop3A_510 : i32
          %parallel_loop3A_512 = arith.constant 0 : i32
          %parallel_loop3A_513 = arith.constant 0 : i32
          %parallel_loop3A_514 = tpu.memref_slice %arg8[%select_n3A_140, %parallel_loop3A_512, %parallel_loop3A_513] : memref<2x100x128xf32, #tpu.memory_space<vmem>> -> memref<1x100x128xf32, #tpu.memory_space<vmem>>
          %parallel_loop3A_515 = tpu.memref_squeeze %parallel_loop3A_514 : memref<1x100x128xf32, #tpu.memory_space<vmem>> -> memref<100x128xf32, #tpu.memory_space<vmem>>
          %parallel_loop3A_516 = arith.index_cast %parallel_loop3A_511 : i32 to index
          %parallel_loop3A_517 = arith.constant 96 : index
          %parallel_loop3A_518 = tpu.vector_load %parallel_loop3A_515[%parallel_loop3A_516, %parallel_loop3A_517] {strides = array<i32>} : memref<100x128xf32, #tpu.memory_space<vmem>>, vector<1x16xf32>,
          %parallel_loop3A_519 = vector.shape_cast %parallel_loop3A_518 : vector<1x16xf32> to vector<16xf32>
          %parallel_loop3A_520 = arith.constant 3 : i32
          %parallel_loop3A_521 = arith.addi %parallel_loop3A_190, %parallel_loop3A_520 : i32
          %parallel_loop3A_522 = arith.constant 0 : i32
          %parallel_loop3A_523 = arith.constant 0 : i32
          %parallel_loop3A_524 = tpu.memref_slice %arg8[%select_n3A_140, %parallel_loop3A_522, %parallel_loop3A_523] : memref<2x100x128xf32, #tpu.memory_space<vmem>> -> memref<1x100x128xf32, #tpu.memory_space<vmem>>
          %parallel_loop3A_525 = tpu.memref_squeeze %parallel_loop3A_524 : memref<1x100x128xf32, #tpu.memory_space<vmem>> -> memref<100x128xf32, #tpu.memory_space<vmem>>
          %parallel_loop3A_526 = arith.index_cast %parallel_loop3A_521 : i32 to index
          %parallel_loop3A_527 = arith.constant 96 : index
          %parallel_loop3A_528 = tpu.vector_load %parallel_loop3A_525[%parallel_loop3A_526, %parallel_loop3A_527] {strides = array<i32>} : memref<100x128xf32, #tpu.memory_space<vmem>>, vector<1x16xf32>,
          %parallel_loop3A_529 = vector.shape_cast %parallel_loop3A_528 : vector<1x16xf32> to vector<16xf32>
          %parallel_loop3A_530 = arith.addf %parallel_loop3A_519, %parallel_loop3A_529 : vector<16xf32>
          %parallel_loop3A_531 = arith.addf %parallel_loop3A_509, %parallel_loop3A_530 : vector<16xf32>
          %parallel_loop3A_532 = arith.constant 0 : i32
          %parallel_loop3A_533 = arith.constant 0 : i32
          %parallel_loop3A_534 = tpu.memref_slice %arg9[%select_n3A_156, %parallel_loop3A_532, %parallel_loop3A_533] : memref<2x200x128xf32, #tpu.memory_space<vmem>> -> memref<1x200x128xf32, #tpu.memory_space<vmem>>
          %parallel_loop3A_535 = tpu.memref_squeeze %parallel_loop3A_534 : memref<1x200x128xf32, #tpu.memory_space<vmem>> -> memref<200x128xf32, #tpu.memory_space<vmem>>
          %parallel_loop3A_536 = arith.index_cast %parallel_loop3A_188 : i32 to index
          %parallel_loop3A_537 = arith.constant 96 : index
          %parallel_loop3A_538 = tpu.vector_load %parallel_loop3A_535[%parallel_loop3A_536, %parallel_loop3A_537] {strides = array<i32>} : memref<200x128xf32, #tpu.memory_space<vmem>>, vector<1x16xf32>,
          %parallel_loop3A_539 = vector.shape_cast %parallel_loop3A_538 : vector<1x16xf32> to vector<16xf32>
          %parallel_loop3A_540 = vector.shape_cast %parallel_loop3A_531 : vector<16xf32> to vector<1x16xf32>
          tpu.vector_store %parallel_loop3A_535[%parallel_loop3A_536, %parallel_loop3A_537], %parallel_loop3A_540 {strides = array<i32>} : memref<200x128xf32, #tpu.memory_space<vmem>>, vector<1x16xf32>,
          %parallel_loop3A_541 = arith.constant 0 : i32
          %parallel_loop3A_542 = arith.constant 0 : i32
          %parallel_loop3A_543 = tpu.memref_slice %arg8[%select_n3A_140, %parallel_loop3A_541, %parallel_loop3A_542] : memref<2x100x128xf32, #tpu.memory_space<vmem>> -> memref<1x100x128xf32, #tpu.memory_space<vmem>>
          %parallel_loop3A_544 = tpu.memref_squeeze %parallel_loop3A_543 : memref<1x100x128xf32, #tpu.memory_space<vmem>> -> memref<100x128xf32, #tpu.memory_space<vmem>>
          %parallel_loop3A_545 = arith.index_cast %parallel_loop3A_190 : i32 to index
          %parallel_loop3A_546 = arith.constant 112 : index
          %parallel_loop3A_547 = tpu.vector_load %parallel_loop3A_544[%parallel_loop3A_545, %parallel_loop3A_546] {strides = array<i32>} : memref<100x128xf32, #tpu.memory_space<vmem>>, vector<1x16xf32>,
          %parallel_loop3A_548 = vector.shape_cast %parallel_loop3A_547 : vector<1x16xf32> to vector<16xf32>
          %parallel_loop3A_549 = arith.constant 1 : i32
          %parallel_loop3A_550 = arith.addi %parallel_loop3A_190, %parallel_loop3A_549 : i32
          %parallel_loop3A_551 = arith.constant 0 : i32
          %parallel_loop3A_552 = arith.constant 0 : i32
          %parallel_loop3A_553 = tpu.memref_slice %arg8[%select_n3A_140, %parallel_loop3A_551, %parallel_loop3A_552] : memref<2x100x128xf32, #tpu.memory_space<vmem>> -> memref<1x100x128xf32, #tpu.memory_space<vmem>>
          %parallel_loop3A_554 = tpu.memref_squeeze %parallel_loop3A_553 : memref<1x100x128xf32, #tpu.memory_space<vmem>> -> memref<100x128xf32, #tpu.memory_space<vmem>>
          %parallel_loop3A_555 = arith.index_cast %parallel_loop3A_550 : i32 to index
          %parallel_loop3A_556 = arith.constant 112 : index
          %parallel_loop3A_557 = tpu.vector_load %parallel_loop3A_554[%parallel_loop3A_555, %parallel_loop3A_556] {strides = array<i32>} : memref<100x128xf32, #tpu.memory_space<vmem>>, vector<1x16xf32>,
          %parallel_loop3A_558 = vector.shape_cast %parallel_loop3A_557 : vector<1x16xf32> to vector<16xf32>
          %parallel_loop3A_559 = arith.addf %parallel_loop3A_548, %parallel_loop3A_558 : vector<16xf32>
          %parallel_loop3A_560 = arith.constant 2 : i32
          %parallel_loop3A_561 = arith.addi %parallel_loop3A_190, %parallel_loop3A_560 : i32
          %parallel_loop3A_562 = arith.constant 0 : i32
          %parallel_loop3A_563 = arith.constant 0 : i32
          %parallel_loop3A_564 = tpu.memref_slice %arg8[%select_n3A_140, %parallel_loop3A_562, %parallel_loop3A_563] : memref<2x100x128xf32, #tpu.memory_space<vmem>> -> memref<1x100x128xf32, #tpu.memory_space<vmem>>
          %parallel_loop3A_565 = tpu.memref_squeeze %parallel_loop3A_564 : memref<1x100x128xf32, #tpu.memory_space<vmem>> -> memref<100x128xf32, #tpu.memory_space<vmem>>
          %parallel_loop3A_566 = arith.index_cast %parallel_loop3A_561 : i32 to index
          %parallel_loop3A_567 = arith.constant 112 : index
          %parallel_loop3A_568 = tpu.vector_load %parallel_loop3A_565[%parallel_loop3A_566, %parallel_loop3A_567] {strides = array<i32>} : memref<100x128xf32, #tpu.memory_space<vmem>>, vector<1x16xf32>,
          %parallel_loop3A_569 = vector.shape_cast %parallel_loop3A_568 : vector<1x16xf32> to vector<16xf32>
          %parallel_loop3A_570 = arith.constant 3 : i32
          %parallel_loop3A_571 = arith.addi %parallel_loop3A_190, %parallel_loop3A_570 : i32
          %parallel_loop3A_572 = arith.constant 0 : i32
          %parallel_loop3A_573 = arith.constant 0 : i32
          %parallel_loop3A_574 = tpu.memref_slice %arg8[%select_n3A_140, %parallel_loop3A_572, %parallel_loop3A_573] : memref<2x100x128xf32, #tpu.memory_space<vmem>> -> memref<1x100x128xf32, #tpu.memory_space<vmem>>
          %parallel_loop3A_575 = tpu.memref_squeeze %parallel_loop3A_574 : memref<1x100x128xf32, #tpu.memory_space<vmem>> -> memref<100x128xf32, #tpu.memory_space<vmem>>
          %parallel_loop3A_576 = arith.index_cast %parallel_loop3A_571 : i32 to index
          %parallel_loop3A_577 = arith.constant 112 : index
          %parallel_loop3A_578 = tpu.vector_load %parallel_loop3A_575[%parallel_loop3A_576, %parallel_loop3A_577] {strides = array<i32>} : memref<100x128xf32, #tpu.memory_space<vmem>>, vector<1x16xf32>,
          %parallel_loop3A_579 = vector.shape_cast %parallel_loop3A_578 : vector<1x16xf32> to vector<16xf32>
          %parallel_loop3A_580 = arith.addf %parallel_loop3A_569, %parallel_loop3A_579 : vector<16xf32>
          %parallel_loop3A_581 = arith.addf %parallel_loop3A_559, %parallel_loop3A_580 : vector<16xf32>
          %parallel_loop3A_582 = arith.constant 0 : i32
          %parallel_loop3A_583 = arith.constant 0 : i32
          %parallel_loop3A_584 = tpu.memref_slice %arg9[%select_n3A_156, %parallel_loop3A_582, %parallel_loop3A_583] : memref<2x200x128xf32, #tpu.memory_space<vmem>> -> memref<1x200x128xf32, #tpu.memory_space<vmem>>
          %parallel_loop3A_585 = tpu.memref_squeeze %parallel_loop3A_584 : memref<1x200x128xf32, #tpu.memory_space<vmem>> -> memref<200x128xf32, #tpu.memory_space<vmem>>
          %parallel_loop3A_586 = arith.index_cast %parallel_loop3A_188 : i32 to index
          %parallel_loop3A_587 = arith.constant 112 : index
          %parallel_loop3A_588 = tpu.vector_load %parallel_loop3A_585[%parallel_loop3A_586, %parallel_loop3A_587] {strides = array<i32>} : memref<200x128xf32, #tpu.memory_space<vmem>>, vector<1x16xf32>,
          %parallel_loop3A_589 = vector.shape_cast %parallel_loop3A_588 : vector<1x16xf32> to vector<16xf32>
          %parallel_loop3A_590 = vector.shape_cast %parallel_loop3A_581 : vector<16xf32> to vector<1x16xf32>
          tpu.vector_store %parallel_loop3A_585[%parallel_loop3A_586, %parallel_loop3A_587], %parallel_loop3A_590 {strides = array<i32>} : memref<200x128xf32, #tpu.memory_space<vmem>>, vector<1x16xf32>,
        } {sc.loop_unroll_factor = 25 : i64, sc.parallel_access}
        %eq3A_179 = arith.constant 7 : i32
        %eq3A_180 = arith.cmpi eq, %select_n3A_103, %eq3A_179 : i32
        %convert_element_type3A_181 = arith.extui %eq3A_180 : i1 to i32
        %cond3A_182 = arith.constant 0 : i32
        %cond3A_183 = arith.cmpi ne, %convert_element_type3A_181, %cond3A_182 : i32
        scf.if %cond3A_183 {
          %convert_element_type3A_185 = arith.extui %gt3A_77 : i1 to i32
          %cond3A_186 = arith.constant 0 : i32
          %cond3A_187 = arith.cmpi ne, %convert_element_type3A_185, %cond3A_186 : i32
          scf.if %cond3A_187 {
            %scan3A_212 = arith.constant 0 : i32
            %scan3A_213 = arith.constant 0 : i32
            %scan3A_214 = arith.constant 200 : i32
            %scan3A_215 = arith.addi %scan3A_213, %scan3A_214 : i32
            %scan3A_216 = arith.constant 1 : i32
            %scan3A_217 = scf.for %scan3A_219 = %scan3A_213 to %scan3A_215 step %scan3A_216 iter_args(%scan3A_220 = %scan3A_212) -> (i32)  : i32 {
              %add3A_221 = arith.constant 0 : i32
              %add3A_222 = arith.addi %add3A_221, %scan3A_219 : i32
              %get3A_223 = arith.index_cast %add3A_222 : i32 to index
              %get3A_224 = tpu.vector_load %arg7[%get3A_223] {strides = array<i32>} : memref<480xf32, #tpu.memory_space<vmem>>, vector<16xf32>,
              %get3A_225 = vector.shape_cast %get3A_224 : vector<16xf32> to vector<16xf32>
              %slice3A_226 = vector.extract_strided_slice %get3A_225 {offsets = [0], sizes = [1], strides = [1]} : vector<16xf32> to vector<1xf32>
              %squeeze3A_227 = vector.extract %slice3A_226[0] : f32 from vector<1xf32>
              %gt3A_228 = arith.constant 0.000000e+00 : f32
              %gt3A_229 = arith.cmpf ogt, %squeeze3A_227, %gt3A_228 : f32
              %convert_element_type3A_230 = arith.extui %gt3A_229 : i1 to i32
              %cond3A_231 = arith.constant 0 : i32
              %cond3A_232 = arith.cmpi ne, %convert_element_type3A_230, %cond3A_231 : i32
              scf.if %cond3A_232 {
                %broadcast_in_dim3A = vector.broadcast %squeeze3A_227 : f32 to vector<16xf32>
                %get3A_234 = arith.constant 0 : i32
                %get3A_235 = arith.constant 0 : i32
                %get3A_236 = tpu.memref_slice %arg9[%select_n3A_156, %get3A_234, %get3A_235] : memref<2x200x128xf32, #tpu.memory_space<vmem>> -> memref<1x200x128xf32, #tpu.memory_space<vmem>>
                %get3A_237 = tpu.memref_squeeze %get3A_236 : memref<1x200x128xf32, #tpu.memory_space<vmem>> -> memref<200x128xf32, #tpu.memory_space<vmem>>
                %get3A_238 = arith.index_cast %scan3A_219 : i32 to index
                %get3A_239 = arith.constant 0 : index
                %get3A_240 = tpu.vector_load %get3A_237[%get3A_238, %get3A_239] {strides = array<i32>} : memref<200x128xf32, #tpu.memory_space<vmem>>, vector<1x16xf32>,
                %get3A_241 = vector.shape_cast %get3A_240 : vector<1x16xf32> to vector<16xf32>
                %get3A_242 = arith.index_cast %select_n3A_124 : i32 to index
                %get3A_243 = arith.constant 0 : index
                %get3A_244 = tpu.vector_load %arg10[%get3A_242, %get3A_243] {strides = array<i32>} : memref<3x128xf32, #tpu.memory_space<vmem>>, vector<1x16xf32>,
                %get3A_245 = vector.shape_cast %get3A_244 : vector<1x16xf32> to vector<16xf32>
                %mul3A_246 = arith.mulf %broadcast_in_dim3A, %get3A_245 : vector<16xf32>
                %sub3A_247 = arith.subf %get3A_241, %mul3A_246 : vector<16xf32>
                %swap3A = arith.constant 0 : i32
                %swap3A_248 = arith.constant 0 : i32
                %swap3A_249 = tpu.memref_slice %arg9[%select_n3A_156, %swap3A, %swap3A_248] : memref<2x200x128xf32, #tpu.memory_space<vmem>> -> memref<1x200x128xf32, #tpu.memory_space<vmem>>
                %swap3A_250 = tpu.memref_squeeze %swap3A_249 : memref<1x200x128xf32, #tpu.memory_space<vmem>> -> memref<200x128xf32, #tpu.memory_space<vmem>>
                %swap3A_251 = arith.index_cast %scan3A_219 : i32 to index
                %swap3A_252 = arith.constant 0 : index
                %swap3A_253 = tpu.vector_load %swap3A_250[%swap3A_251, %swap3A_252] {strides = array<i32>} : memref<200x128xf32, #tpu.memory_space<vmem>>, vector<1x16xf32>,
                %swap3A_254 = vector.shape_cast %swap3A_253 : vector<1x16xf32> to vector<16xf32>
                %swap3A_255 = vector.shape_cast %sub3A_247 : vector<16xf32> to vector<1x16xf32>
                tpu.vector_store %swap3A_250[%swap3A_251, %swap3A_252], %swap3A_255 {strides = array<i32>} : memref<200x128xf32, #tpu.memory_space<vmem>>, vector<1x16xf32>,
                %get3A_256 = arith.constant 0 : i32
                %get3A_257 = arith.constant 0 : i32
                %get3A_258 = tpu.memref_slice %arg9[%select_n3A_156, %get3A_256, %get3A_257] : memref<2x200x128xf32, #tpu.memory_space<vmem>> -> memref<1x200x128xf32, #tpu.memory_space<vmem>>
                %get3A_259 = tpu.memref_squeeze %get3A_258 : memref<1x200x128xf32, #tpu.memory_space<vmem>> -> memref<200x128xf32, #tpu.memory_space<vmem>>
                %get3A_260 = arith.index_cast %scan3A_219 : i32 to index
                %get3A_261 = arith.constant 16 : index
                %get3A_262 = tpu.vector_load %get3A_259[%get3A_260, %get3A_261] {strides = array<i32>} : memref<200x128xf32, #tpu.memory_space<vmem>>, vector<1x16xf32>,
                %get3A_263 = vector.shape_cast %get3A_262 : vector<1x16xf32> to vector<16xf32>
                %get3A_264 = arith.index_cast %select_n3A_124 : i32 to index
                %get3A_265 = arith.constant 16 : index
                %get3A_266 = tpu.vector_load %arg10[%get3A_264, %get3A_265] {strides = array<i32>} : memref<3x128xf32, #tpu.memory_space<vmem>>, vector<1x16xf32>,
                %get3A_267 = vector.shape_cast %get3A_266 : vector<1x16xf32> to vector<16xf32>
                %mul3A_268 = arith.mulf %broadcast_in_dim3A, %get3A_267 : vector<16xf32>
                %sub3A_269 = arith.subf %get3A_263, %mul3A_268 : vector<16xf32>
                %swap3A_270 = arith.constant 0 : i32
                %swap3A_271 = arith.constant 0 : i32
                %swap3A_272 = tpu.memref_slice %arg9[%select_n3A_156, %swap3A_270, %swap3A_271] : memref<2x200x128xf32, #tpu.memory_space<vmem>> -> memref<1x200x128xf32, #tpu.memory_space<vmem>>
                %swap3A_273 = tpu.memref_squeeze %swap3A_272 : memref<1x200x128xf32, #tpu.memory_space<vmem>> -> memref<200x128xf32, #tpu.memory_space<vmem>>
                %swap3A_274 = arith.index_cast %scan3A_219 : i32 to index
                %swap3A_275 = arith.constant 16 : index
                %swap3A_276 = tpu.vector_load %swap3A_273[%swap3A_274, %swap3A_275] {strides = array<i32>} : memref<200x128xf32, #tpu.memory_space<vmem>>, vector<1x16xf32>,
                %swap3A_277 = vector.shape_cast %swap3A_276 : vector<1x16xf32> to vector<16xf32>
                %swap3A_278 = vector.shape_cast %sub3A_269 : vector<16xf32> to vector<1x16xf32>
                tpu.vector_store %swap3A_273[%swap3A_274, %swap3A_275], %swap3A_278 {strides = array<i32>} : memref<200x128xf32, #tpu.memory_space<vmem>>, vector<1x16xf32>,
                %get3A_279 = arith.constant 0 : i32
                %get3A_280 = arith.constant 0 : i32
                %get3A_281 = tpu.memref_slice %arg9[%select_n3A_156, %get3A_279, %get3A_280] : memref<2x200x128xf32, #tpu.memory_space<vmem>> -> memref<1x200x128xf32, #tpu.memory_space<vmem>>
                %get3A_282 = tpu.memref_squeeze %get3A_281 : memref<1x200x128xf32, #tpu.memory_space<vmem>> -> memref<200x128xf32, #tpu.memory_space<vmem>>
                %get3A_283 = arith.index_cast %scan3A_219 : i32 to index
                %get3A_284 = arith.constant 32 : index
                %get3A_285 = tpu.vector_load %get3A_282[%get3A_283, %get3A_284] {strides = array<i32>} : memref<200x128xf32, #tpu.memory_space<vmem>>, vector<1x16xf32>,
                %get3A_286 = vector.shape_cast %get3A_285 : vector<1x16xf32> to vector<16xf32>
                %get3A_287 = arith.index_cast %select_n3A_124 : i32 to index
                %get3A_288 = arith.constant 32 : index
                %get3A_289 = tpu.vector_load %arg10[%get3A_287, %get3A_288] {strides = array<i32>} : memref<3x128xf32, #tpu.memory_space<vmem>>, vector<1x16xf32>,
                %get3A_290 = vector.shape_cast %get3A_289 : vector<1x16xf32> to vector<16xf32>
                %mul3A_291 = arith.mulf %broadcast_in_dim3A, %get3A_290 : vector<16xf32>
                %sub3A_292 = arith.subf %get3A_286, %mul3A_291 : vector<16xf32>
                %swap3A_293 = arith.constant 0 : i32
                %swap3A_294 = arith.constant 0 : i32
                %swap3A_295 = tpu.memref_slice %arg9[%select_n3A_156, %swap3A_293, %swap3A_294] : memref<2x200x128xf32, #tpu.memory_space<vmem>> -> memref<1x200x128xf32, #tpu.memory_space<vmem>>
                %swap3A_296 = tpu.memref_squeeze %swap3A_295 : memref<1x200x128xf32, #tpu.memory_space<vmem>> -> memref<200x128xf32, #tpu.memory_space<vmem>>
                %swap3A_297 = arith.index_cast %scan3A_219 : i32 to index
                %swap3A_298 = arith.constant 32 : index
                %swap3A_299 = tpu.vector_load %swap3A_296[%swap3A_297, %swap3A_298] {strides = array<i32>} : memref<200x128xf32, #tpu.memory_space<vmem>>, vector<1x16xf32>,
                %swap3A_300 = vector.shape_cast %swap3A_299 : vector<1x16xf32> to vector<16xf32>
                %swap3A_301 = vector.shape_cast %sub3A_292 : vector<16xf32> to vector<1x16xf32>
                tpu.vector_store %swap3A_296[%swap3A_297, %swap3A_298], %swap3A_301 {strides = array<i32>} : memref<200x128xf32, #tpu.memory_space<vmem>>, vector<1x16xf32>,
                %get3A_302 = arith.constant 0 : i32
                %get3A_303 = arith.constant 0 : i32
                %get3A_304 = tpu.memref_slice %arg9[%select_n3A_156, %get3A_302, %get3A_303] : memref<2x200x128xf32, #tpu.memory_space<vmem>> -> memref<1x200x128xf32, #tpu.memory_space<vmem>>
                %get3A_305 = tpu.memref_squeeze %get3A_304 : memref<1x200x128xf32, #tpu.memory_space<vmem>> -> memref<200x128xf32, #tpu.memory_space<vmem>>
                %get3A_306 = arith.index_cast %scan3A_219 : i32 to index
                %get3A_307 = arith.constant 48 : index
                %get3A_308 = tpu.vector_load %get3A_305[%get3A_306, %get3A_307] {strides = array<i32>} : memref<200x128xf32, #tpu.memory_space<vmem>>, vector<1x16xf32>,
                %get3A_309 = vector.shape_cast %get3A_308 : vector<1x16xf32> to vector<16xf32>
                %get3A_310 = arith.index_cast %select_n3A_124 : i32 to index
                %get3A_311 = arith.constant 48 : index
                %get3A_312 = tpu.vector_load %arg10[%get3A_310, %get3A_311] {strides = array<i32>} : memref<3x128xf32, #tpu.memory_space<vmem>>, vector<1x16xf32>,
                %get3A_313 = vector.shape_cast %get3A_312 : vector<1x16xf32> to vector<16xf32>
                %mul3A_314 = arith.mulf %broadcast_in_dim3A, %get3A_313 : vector<16xf32>
                %sub3A_315 = arith.subf %get3A_309, %mul3A_314 : vector<16xf32>
                %swap3A_316 = arith.constant 0 : i32
                %swap3A_317 = arith.constant 0 : i32
                %swap3A_318 = tpu.memref_slice %arg9[%select_n3A_156, %swap3A_316, %swap3A_317] : memref<2x200x128xf32, #tpu.memory_space<vmem>> -> memref<1x200x128xf32, #tpu.memory_space<vmem>>
                %swap3A_319 = tpu.memref_squeeze %swap3A_318 : memref<1x200x128xf32, #tpu.memory_space<vmem>> -> memref<200x128xf32, #tpu.memory_space<vmem>>
                %swap3A_320 = arith.index_cast %scan3A_219 : i32 to index
                %swap3A_321 = arith.constant 48 : index
                %swap3A_322 = tpu.vector_load %swap3A_319[%swap3A_320, %swap3A_321] {strides = array<i32>} : memref<200x128xf32, #tpu.memory_space<vmem>>, vector<1x16xf32>,
                %swap3A_323 = vector.shape_cast %swap3A_322 : vector<1x16xf32> to vector<16xf32>
                %swap3A_324 = vector.shape_cast %sub3A_315 : vector<16xf32> to vector<1x16xf32>
                tpu.vector_store %swap3A_319[%swap3A_320, %swap3A_321], %swap3A_324 {strides = array<i32>} : memref<200x128xf32, #tpu.memory_space<vmem>>, vector<1x16xf32>,
                %get3A_325 = arith.constant 0 : i32
                %get3A_326 = arith.constant 0 : i32
                %get3A_327 = tpu.memref_slice %arg9[%select_n3A_156, %get3A_325, %get3A_326] : memref<2x200x128xf32, #tpu.memory_space<vmem>> -> memref<1x200x128xf32, #tpu.memory_space<vmem>>
                %get3A_328 = tpu.memref_squeeze %get3A_327 : memref<1x200x128xf32, #tpu.memory_space<vmem>> -> memref<200x128xf32, #tpu.memory_space<vmem>>
                %get3A_329 = arith.index_cast %scan3A_219 : i32 to index
                %get3A_330 = arith.constant 64 : index
                %get3A_331 = tpu.vector_load %get3A_328[%get3A_329, %get3A_330] {strides = array<i32>} : memref<200x128xf32, #tpu.memory_space<vmem>>, vector<1x16xf32>,
                %get3A_332 = vector.shape_cast %get3A_331 : vector<1x16xf32> to vector<16xf32>
                %get3A_333 = arith.index_cast %select_n3A_124 : i32 to index
                %get3A_334 = arith.constant 64 : index
                %get3A_335 = tpu.vector_load %arg10[%get3A_333, %get3A_334] {strides = array<i32>} : memref<3x128xf32, #tpu.memory_space<vmem>>, vector<1x16xf32>,
                %get3A_336 = vector.shape_cast %get3A_335 : vector<1x16xf32> to vector<16xf32>
                %mul3A_337 = arith.mulf %broadcast_in_dim3A, %get3A_336 : vector<16xf32>
                %sub3A_338 = arith.subf %get3A_332, %mul3A_337 : vector<16xf32>
                %swap3A_339 = arith.constant 0 : i32
                %swap3A_340 = arith.constant 0 : i32
                %swap3A_341 = tpu.memref_slice %arg9[%select_n3A_156, %swap3A_339, %swap3A_340] : memref<2x200x128xf32, #tpu.memory_space<vmem>> -> memref<1x200x128xf32, #tpu.memory_space<vmem>>
                %swap3A_342 = tpu.memref_squeeze %swap3A_341 : memref<1x200x128xf32, #tpu.memory_space<vmem>> -> memref<200x128xf32, #tpu.memory_space<vmem>>
                %swap3A_343 = arith.index_cast %scan3A_219 : i32 to index
                %swap3A_344 = arith.constant 64 : index
                %swap3A_345 = tpu.vector_load %swap3A_342[%swap3A_343, %swap3A_344] {strides = array<i32>} : memref<200x128xf32, #tpu.memory_space<vmem>>, vector<1x16xf32>,
                %swap3A_346 = vector.shape_cast %swap3A_345 : vector<1x16xf32> to vector<16xf32>
                %swap3A_347 = vector.shape_cast %sub3A_338 : vector<16xf32> to vector<1x16xf32>
                tpu.vector_store %swap3A_342[%swap3A_343, %swap3A_344], %swap3A_347 {strides = array<i32>} : memref<200x128xf32, #tpu.memory_space<vmem>>, vector<1x16xf32>,
                %get3A_348 = arith.constant 0 : i32
                %get3A_349 = arith.constant 0 : i32
                %get3A_350 = tpu.memref_slice %arg9[%select_n3A_156, %get3A_348, %get3A_349] : memref<2x200x128xf32, #tpu.memory_space<vmem>> -> memref<1x200x128xf32, #tpu.memory_space<vmem>>
                %get3A_351 = tpu.memref_squeeze %get3A_350 : memref<1x200x128xf32, #tpu.memory_space<vmem>> -> memref<200x128xf32, #tpu.memory_space<vmem>>
                %get3A_352 = arith.index_cast %scan3A_219 : i32 to index
                %get3A_353 = arith.constant 80 : index
                %get3A_354 = tpu.vector_load %get3A_351[%get3A_352, %get3A_353] {strides = array<i32>} : memref<200x128xf32, #tpu.memory_space<vmem>>, vector<1x16xf32>,
                %get3A_355 = vector.shape_cast %get3A_354 : vector<1x16xf32> to vector<16xf32>
                %get3A_356 = arith.index_cast %select_n3A_124 : i32 to index
                %get3A_357 = arith.constant 80 : index
                %get3A_358 = tpu.vector_load %arg10[%get3A_356, %get3A_357] {strides = array<i32>} : memref<3x128xf32, #tpu.memory_space<vmem>>, vector<1x16xf32>,
                %get3A_359 = vector.shape_cast %get3A_358 : vector<1x16xf32> to vector<16xf32>
                %mul3A_360 = arith.mulf %broadcast_in_dim3A, %get3A_359 : vector<16xf32>
                %sub3A_361 = arith.subf %get3A_355, %mul3A_360 : vector<16xf32>
                %swap3A_362 = arith.constant 0 : i32
                %swap3A_363 = arith.constant 0 : i32
                %swap3A_364 = tpu.memref_slice %arg9[%select_n3A_156, %swap3A_362, %swap3A_363] : memref<2x200x128xf32, #tpu.memory_space<vmem>> -> memref<1x200x128xf32, #tpu.memory_space<vmem>>
                %swap3A_365 = tpu.memref_squeeze %swap3A_364 : memref<1x200x128xf32, #tpu.memory_space<vmem>> -> memref<200x128xf32, #tpu.memory_space<vmem>>
                %swap3A_366 = arith.index_cast %scan3A_219 : i32 to index
                %swap3A_367 = arith.constant 80 : index
                %swap3A_368 = tpu.vector_load %swap3A_365[%swap3A_366, %swap3A_367] {strides = array<i32>} : memref<200x128xf32, #tpu.memory_space<vmem>>, vector<1x16xf32>,
                %swap3A_369 = vector.shape_cast %swap3A_368 : vector<1x16xf32> to vector<16xf32>
                %swap3A_370 = vector.shape_cast %sub3A_361 : vector<16xf32> to vector<1x16xf32>
                tpu.vector_store %swap3A_365[%swap3A_366, %swap3A_367], %swap3A_370 {strides = array<i32>} : memref<200x128xf32, #tpu.memory_space<vmem>>, vector<1x16xf32>,
                %get3A_371 = arith.constant 0 : i32
                %get3A_372 = arith.constant 0 : i32
                %get3A_373 = tpu.memref_slice %arg9[%select_n3A_156, %get3A_371, %get3A_372] : memref<2x200x128xf32, #tpu.memory_space<vmem>> -> memref<1x200x128xf32, #tpu.memory_space<vmem>>
                %get3A_374 = tpu.memref_squeeze %get3A_373 : memref<1x200x128xf32, #tpu.memory_space<vmem>> -> memref<200x128xf32, #tpu.memory_space<vmem>>
                %get3A_375 = arith.index_cast %scan3A_219 : i32 to index
                %get3A_376 = arith.constant 96 : index
                %get3A_377 = tpu.vector_load %get3A_374[%get3A_375, %get3A_376] {strides = array<i32>} : memref<200x128xf32, #tpu.memory_space<vmem>>, vector<1x16xf32>,
                %get3A_378 = vector.shape_cast %get3A_377 : vector<1x16xf32> to vector<16xf32>
                %get3A_379 = arith.index_cast %select_n3A_124 : i32 to index
                %get3A_380 = arith.constant 96 : index
                %get3A_381 = tpu.vector_load %arg10[%get3A_379, %get3A_380] {strides = array<i32>} : memref<3x128xf32, #tpu.memory_space<vmem>>, vector<1x16xf32>,
                %get3A_382 = vector.shape_cast %get3A_381 : vector<1x16xf32> to vector<16xf32>
                %mul3A_383 = arith.mulf %broadcast_in_dim3A, %get3A_382 : vector<16xf32>
                %sub3A_384 = arith.subf %get3A_378, %mul3A_383 : vector<16xf32>
                %swap3A_385 = arith.constant 0 : i32
                %swap3A_386 = arith.constant 0 : i32
                %swap3A_387 = tpu.memref_slice %arg9[%select_n3A_156, %swap3A_385, %swap3A_386] : memref<2x200x128xf32, #tpu.memory_space<vmem>> -> memref<1x200x128xf32, #tpu.memory_space<vmem>>
                %swap3A_388 = tpu.memref_squeeze %swap3A_387 : memref<1x200x128xf32, #tpu.memory_space<vmem>> -> memref<200x128xf32, #tpu.memory_space<vmem>>
                %swap3A_389 = arith.index_cast %scan3A_219 : i32 to index
                %swap3A_390 = arith.constant 96 : index
                %swap3A_391 = tpu.vector_load %swap3A_388[%swap3A_389, %swap3A_390] {strides = array<i32>} : memref<200x128xf32, #tpu.memory_space<vmem>>, vector<1x16xf32>,
                %swap3A_392 = vector.shape_cast %swap3A_391 : vector<1x16xf32> to vector<16xf32>
                %swap3A_393 = vector.shape_cast %sub3A_384 : vector<16xf32> to vector<1x16xf32>
                tpu.vector_store %swap3A_388[%swap3A_389, %swap3A_390], %swap3A_393 {strides = array<i32>} : memref<200x128xf32, #tpu.memory_space<vmem>>, vector<1x16xf32>,
                %get3A_394 = arith.constant 0 : i32
                %get3A_395 = arith.constant 0 : i32
                %get3A_396 = tpu.memref_slice %arg9[%select_n3A_156, %get3A_394, %get3A_395] : memref<2x200x128xf32, #tpu.memory_space<vmem>> -> memref<1x200x128xf32, #tpu.memory_space<vmem>>
                %get3A_397 = tpu.memref_squeeze %get3A_396 : memref<1x200x128xf32, #tpu.memory_space<vmem>> -> memref<200x128xf32, #tpu.memory_space<vmem>>
                %get3A_398 = arith.index_cast %scan3A_219 : i32 to index
                %get3A_399 = arith.constant 112 : index
                %get3A_400 = tpu.vector_load %get3A_397[%get3A_398, %get3A_399] {strides = array<i32>} : memref<200x128xf32, #tpu.memory_space<vmem>>, vector<1x16xf32>,
                %get3A_401 = vector.shape_cast %get3A_400 : vector<1x16xf32> to vector<16xf32>
                %get3A_402 = arith.index_cast %select_n3A_124 : i32 to index
                %get3A_403 = arith.constant 112 : index
                %get3A_404 = tpu.vector_load %arg10[%get3A_402, %get3A_403] {strides = array<i32>} : memref<3x128xf32, #tpu.memory_space<vmem>>, vector<1x16xf32>,
                %get3A_405 = vector.shape_cast %get3A_404 : vector<1x16xf32> to vector<16xf32>
                %mul3A_406 = arith.mulf %broadcast_in_dim3A, %get3A_405 : vector<16xf32>
                %sub3A_407 = arith.subf %get3A_401, %mul3A_406 : vector<16xf32>
                %swap3A_408 = arith.constant 0 : i32
                %swap3A_409 = arith.constant 0 : i32
                %swap3A_410 = tpu.memref_slice %arg9[%select_n3A_156, %swap3A_408, %swap3A_409] : memref<2x200x128xf32, #tpu.memory_space<vmem>> -> memref<1x200x128xf32, #tpu.memory_space<vmem>>
                %swap3A_411 = tpu.memref_squeeze %swap3A_410 : memref<1x200x128xf32, #tpu.memory_space<vmem>> -> memref<200x128xf32, #tpu.memory_space<vmem>>
                %swap3A_412 = arith.index_cast %scan3A_219 : i32 to index
                %swap3A_413 = arith.constant 112 : index
                %swap3A_414 = tpu.vector_load %swap3A_411[%swap3A_412, %swap3A_413] {strides = array<i32>} : memref<200x128xf32, #tpu.memory_space<vmem>>, vector<1x16xf32>,
                %swap3A_415 = vector.shape_cast %swap3A_414 : vector<1x16xf32> to vector<16xf32>
                %swap3A_416 = vector.shape_cast %sub3A_407 : vector<16xf32> to vector<1x16xf32>
                tpu.vector_store %swap3A_411[%swap3A_412, %swap3A_413], %swap3A_416 {strides = array<i32>} : memref<200x128xf32, #tpu.memory_space<vmem>>, vector<1x16xf32>,
              } else {
              }
              %scan3A_233 = arith.constant 0 : i32
              scf.yield %scan3A_233 : i32
            }
            %scan3A_218 = arith.constant 200 : i32
          } else {
          }
          %dma_start3A_188 = arith.constant 0 : i32
          %dma_start3A_189 = arith.constant 0 : i32
          %dma_start3A_190 = tpu.memref_slice %arg9[%select_n3A_156, %dma_start3A_188, %dma_start3A_189] : memref<2x200x128xf32, #tpu.memory_space<vmem>> -> memref<1x200x128xf32, #tpu.memory_space<vmem>>
          %dma_start3A_191 = tpu.memref_squeeze %dma_start3A_190 : memref<1x200x128xf32, #tpu.memory_space<vmem>> -> memref<200x128xf32, #tpu.memory_space<vmem>>
          %dma_start3A_192 = arith.constant 0 : i32
          %dma_start3A_193 = arith.constant 0 : i32
          %dma_start3A_194 = tpu.memref_slice %arg5[%select_n3A_124, %add3A_62, %dma_start3A_192, %dma_start3A_193] : memref<3x1024x200x128xf32, #tpu.memory_space<hbm>> -> memref<1x1x200x128xf32, #tpu.memory_space<hbm>>
          %dma_start3A_195 = tpu.memref_squeeze %dma_start3A_194 : memref<1x1x200x128xf32, #tpu.memory_space<hbm>> -> memref<200x128xf32, #tpu.memory_space<hbm>>
          %dma_start3A_196 = arith.constant 0 : i32
          %dma_start3A_197 = arith.constant 0 : i32
          %dma_start3A_198 = tpu.memref_slice %arg5[%select_n3A_124, %add3A_62, %dma_start3A_196, %dma_start3A_197] : memref<3x1024x200x128xf32, #tpu.memory_space<hbm>> -> memref<1x1x200x128xf32, #tpu.memory_space<hbm>>
          %dma_start3A_199 = tpu.memref_squeeze %dma_start3A_198 : memref<1x1x200x128xf32, #tpu.memory_space<hbm>> -> memref<200x128xf32, #tpu.memory_space<hbm>>
          %dma_start3A_200 = arith.constant 0 : i32
          %dma_start3A_201 = arith.constant 0 : i32
          %dma_start3A_202 = tpu.memref_slice %arg9[%select_n3A_156, %dma_start3A_200, %dma_start3A_201] : memref<2x200x128xf32, #tpu.memory_space<vmem>> -> memref<1x200x128xf32, #tpu.memory_space<vmem>>
          %dma_start3A_203 = tpu.memref_squeeze %dma_start3A_202 : memref<1x200x128xf32, #tpu.memory_space<vmem>> -> memref<200x128xf32, #tpu.memory_space<vmem>>
          tpu.enqueue_dma source(%dma_start3A_203 : memref<200x128xf32, #tpu.memory_space<vmem>>) target(%dma_start3A_199 : memref<200x128xf32, #tpu.memory_space<hbm>>) target_semaphore(%arg12 : memref<!tpu.dma_semaphore, #tpu.memory_space<semaphore_mem>>)
          %eq3A_204 = arith.constant 2 : i32
          %eq3A_205 = arith.cmpi eq, %select_n3A_124, %eq3A_204 : i32
          %lt3A_206 = arith.constant 31 : i32
          %lt3A_207 = arith.cmpi slt, %scan3A_58, %lt3A_206 : i32
          %and3A_208 = arith.andi %eq3A_205, %lt3A_207 : i1
          %convert_element_type3A_209 = arith.extui %and3A_208 : i1 to i32
          %cond3A_210 = arith.constant 0 : i32
          %cond3A_211 = arith.cmpi ne, %convert_element_type3A_209, %cond3A_210 : i32
          scf.if %cond3A_211 {
            %add3A_212 = arith.constant 1 : i32
            %add3A_213 = arith.addi %add3A_62, %add3A_212 : i32
            %sub3A_214 = arith.constant 1 : i32
            %sub3A_215 = arith.subi %sub3A_214, %select_n3A_71 : i32
            "tpu.region"() ({
              %run_scoped3A_230 = tpu.sem_alloc : memref<!tpu.dma_semaphore, #tpu.memory_space<semaphore_mem>>
              %dma_start3A_231 = arith.constant 0 : i32
              %dma_start3A_232 = arith.constant 0 : i32
              %dma_start3A_233 = tpu.memref_slice %arg6[%sub3A_215, %dma_start3A_231, %dma_start3A_232] : memref<2x24x100xi32, #tpu.memory_space<vmem>> -> memref<1x24x100xi32, #tpu.memory_space<vmem>>
              %dma_start3A_234 = tpu.memref_squeeze %dma_start3A_233 : memref<1x24x100xi32, #tpu.memory_space<vmem>> -> memref<24x100xi32, #tpu.memory_space<vmem>>
              %dma_start3A_235 = arith.constant 0 : i32
              %dma_start3A_236 = arith.constant 0 : i32
              %dma_start3A_237 = tpu.memref_slice %arg3[%add3A_213, %dma_start3A_235, %dma_start3A_236] : memref<1024x24x100xi32, #tpu.memory_space<hbm>> -> memref<1x24x100xi32, #tpu.memory_space<hbm>>
              %dma_start3A_238 = tpu.memref_squeeze %dma_start3A_237 : memref<1x24x100xi32, #tpu.memory_space<hbm>> -> memref<24x100xi32, #tpu.memory_space<hbm>>
              %dma_start3A_239 = arith.constant 0 : i32
              %dma_start3A_240 = arith.constant 0 : i32
              %dma_start3A_241 = tpu.memref_slice %arg6[%sub3A_215, %dma_start3A_239, %dma_start3A_240] : memref<2x24x100xi32, #tpu.memory_space<vmem>> -> memref<1x24x100xi32, #tpu.memory_space<vmem>>
              %dma_start3A_242 = tpu.memref_squeeze %dma_start3A_241 : memref<1x24x100xi32, #tpu.memory_space<vmem>> -> memref<24x100xi32, #tpu.memory_space<vmem>>
              %dma_start3A_243 = arith.constant 0 : i32
              %dma_start3A_244 = arith.constant 0 : i32
              %dma_start3A_245 = tpu.memref_slice %arg3[%add3A_213, %dma_start3A_243, %dma_start3A_244] : memref<1024x24x100xi32, #tpu.memory_space<hbm>> -> memref<1x24x100xi32, #tpu.memory_space<hbm>>
              %dma_start3A_246 = tpu.memref_squeeze %dma_start3A_245 : memref<1x24x100xi32, #tpu.memory_space<hbm>> -> memref<24x100xi32, #tpu.memory_space<hbm>>
              tpu.enqueue_dma source(%dma_start3A_246 : memref<24x100xi32, #tpu.memory_space<hbm>>) target(%dma_start3A_242 : memref<24x100xi32, #tpu.memory_space<vmem>>) target_semaphore(%run_scoped3A_230 : memref<!tpu.dma_semaphore, #tpu.memory_space<semaphore_mem>>)
              %dma_wait3A_247 = arith.constant 0 : i32
              %dma_wait3A_248 = arith.constant 0 : i32
              %dma_wait3A_249 = tpu.memref_slice %arg6[%sub3A_215, %dma_wait3A_247, %dma_wait3A_248] : memref<2x24x100xi32, #tpu.memory_space<vmem>> -> memref<1x24x100xi32, #tpu.memory_space<vmem>>
              %dma_wait3A_250 = tpu.memref_squeeze %dma_wait3A_249 : memref<1x24x100xi32, #tpu.memory_space<vmem>> -> memref<24x100xi32, #tpu.memory_space<vmem>>
              %dma_wait3A_251 = arith.constant 0 : i32
              %dma_wait3A_252 = arith.constant 0 : i32
              %dma_wait3A_253 = tpu.memref_slice %arg3[%add3A_213, %dma_wait3A_251, %dma_wait3A_252] : memref<1024x24x100xi32, #tpu.memory_space<hbm>> -> memref<1x24x100xi32, #tpu.memory_space<hbm>>
              %dma_wait3A_254 = tpu.memref_squeeze %dma_wait3A_253 : memref<1x24x100xi32, #tpu.memory_space<hbm>> -> memref<24x100xi32, #tpu.memory_space<hbm>>
              %dma_wait3A_255 = arith.constant 0 : i32
              %dma_wait3A_256 = arith.constant 0 : i32
              %dma_wait3A_257 = tpu.memref_slice %arg6[%sub3A_215, %dma_wait3A_255, %dma_wait3A_256] : memref<2x24x100xi32, #tpu.memory_space<vmem>> -> memref<1x24x100xi32, #tpu.memory_space<vmem>>
              %dma_wait3A_258 = tpu.memref_squeeze %dma_wait3A_257 : memref<1x24x100xi32, #tpu.memory_space<vmem>> -> memref<24x100xi32, #tpu.memory_space<vmem>>
              %dma_wait3A_259 = arith.constant 0 : i32
              %dma_wait3A_260 = arith.constant 0 : i32
              %dma_wait3A_261 = tpu.memref_slice %arg3[%add3A_213, %dma_wait3A_259, %dma_wait3A_260] : memref<1024x24x100xi32, #tpu.memory_space<hbm>> -> memref<1x24x100xi32, #tpu.memory_space<hbm>>
              %dma_wait3A_262 = tpu.memref_squeeze %dma_wait3A_261 : memref<1x24x100xi32, #tpu.memory_space<hbm>> -> memref<24x100xi32, #tpu.memory_space<hbm>>
              tpu.wait_dma2 semaphore(%run_scoped3A_230 : memref<!tpu.dma_semaphore, #tpu.memory_space<semaphore_mem>>) src(%dma_wait3A_262 : memref<24x100xi32, #tpu.memory_space<hbm>>) dst(%dma_wait3A_258 : memref<24x100xi32, #tpu.memory_space<vmem>>)
              tpu.yield
            }) : () -> ()
            %sub3A_216 = arith.constant 1 : i32
            %sub3A_217 = arith.subi %sub3A_216, %select_n3A_71 : i32
            %dma_start3A_218 = arith.constant 0 : i32
            %dma_start3A_219 = arith.constant 0 : i32
            %dma_start3A_220 = arith.constant 0 : i32
            %dma_start3A_221 = arith.constant 0 : i32
            %dma_start3A_222 = tpu.memref_slice %arg8[%dma_start3A_219, %dma_start3A_220, %dma_start3A_221] : memref<2x100x128xf32, #tpu.memory_space<vmem>> -> memref<1x100x128xf32, #tpu.memory_space<vmem>>
            %dma_start3A_223 = tpu.memref_squeeze %dma_start3A_222 : memref<1x100x128xf32, #tpu.memory_space<vmem>> -> memref<100x128xf32, #tpu.memory_space<vmem>>
            %dma_start3A_224 = arith.constant 0 : i32
            %dma_start3A_225 = tpu.memref_slice %arg6[%sub3A_217, %dma_start3A_218, %dma_start3A_224] : memref<2x24x100xi32, #tpu.memory_space<vmem>> -> memref<1x1x100xi32, #tpu.memory_space<vmem>>
            %dma_start3A_226 = tpu.memref_squeeze %dma_start3A_225 : memref<1x1x100xi32, #tpu.memory_space<vmem>> -> memref<100xi32, #tpu.memory_space<vmem>>
            %dma_start3A_227 = arith.constant 0 : i32
            %dma_start3A_228 = arith.constant 0 : i32
            %dma_start3A_229 = tpu.memref_slice %arg2[%dma_start3A_227, %dma_start3A_228] : memref<400000x128xf32, #tpu.memory_space<hbm>> -> memref<400000x128xf32, #tpu.memory_space<hbm>>
            tpu.enqueue_indirect_dma source(%dma_start3A_229 : memref<400000x128xf32, #tpu.memory_space<hbm>>) target(%dma_start3A_223 : memref<100x128xf32, #tpu.memory_space<vmem>>) offsets(%dma_start3A_226 : memref<100xi32, #tpu.memory_space<vmem>>) semaphore(%arg11 : memref<!tpu.dma_semaphore, #tpu.memory_space<semaphore_mem>>)
          } else {
          }
        } else {
        }
        %scan3A_184 = arith.constant 0 : i32
        scf.yield %scan3A_184 : i32
      }
      %scan3A_84 = arith.constant 24 : i32
      %scan3A_85 = arith.constant 0 : i32
      scf.yield %scan3A_85 : i32
    }
    %scan3A_20 = arith.constant 32 : i32
    %dma_wait3A = arith.constant 0 : i32
    %dma_wait3A_21 = arith.constant 0 : i32
    %dma_wait3A_22 = arith.constant 0 : i32
    %dma_wait3A_23 = arith.constant 0 : i32
    %dma_wait3A_24 = arith.constant 0 : i32
    %dma_wait3A_25 = tpu.memref_slice %arg9[%dma_wait3A, %dma_wait3A_23, %dma_wait3A_24] : memref<2x200x128xf32, #tpu.memory_space<vmem>> -> memref<1x200x128xf32, #tpu.memory_space<vmem>>
    %dma_wait3A_26 = tpu.memref_squeeze %dma_wait3A_25 : memref<1x200x128xf32, #tpu.memory_space<vmem>> -> memref<200x128xf32, #tpu.memory_space<vmem>>
    %dma_wait3A_27 = arith.constant 0 : i32
    %dma_wait3A_28 = arith.constant 0 : i32
    %dma_wait3A_29 = tpu.memref_slice %arg5[%dma_wait3A_21, %dma_wait3A_22, %dma_wait3A_27, %dma_wait3A_28] : memref<3x1024x200x128xf32, #tpu.memory_space<hbm>> -> memref<1x1x200x128xf32, #tpu.memory_space<hbm>>
    %dma_wait3A_30 = tpu.memref_squeeze %dma_wait3A_29 : memref<1x1x200x128xf32, #tpu.memory_space<hbm>> -> memref<200x128xf32, #tpu.memory_space<hbm>>
    %dma_wait3A_31 = arith.constant 0 : i32
    %dma_wait3A_32 = arith.constant 0 : i32
    %dma_wait3A_33 = tpu.memref_slice %arg5[%dma_wait3A_21, %dma_wait3A_22, %dma_wait3A_31, %dma_wait3A_32] : memref<3x1024x200x128xf32, #tpu.memory_space<hbm>> -> memref<1x1x200x128xf32, #tpu.memory_space<hbm>>
    %dma_wait3A_34 = tpu.memref_squeeze %dma_wait3A_33 : memref<1x1x200x128xf32, #tpu.memory_space<hbm>> -> memref<200x128xf32, #tpu.memory_space<hbm>>
    %dma_wait3A_35 = arith.constant 0 : i32
    %dma_wait3A_36 = arith.constant 0 : i32
    %dma_wait3A_37 = tpu.memref_slice %arg9[%dma_wait3A, %dma_wait3A_35, %dma_wait3A_36] : memref<2x200x128xf32, #tpu.memory_space<vmem>> -> memref<1x200x128xf32, #tpu.memory_space<vmem>>
    %dma_wait3A_38 = tpu.memref_squeeze %dma_wait3A_37 : memref<1x200x128xf32, #tpu.memory_space<vmem>> -> memref<200x128xf32, #tpu.memory_space<vmem>>
    tpu.wait_dma2 semaphore(%arg12 : memref<!tpu.dma_semaphore, #tpu.memory_space<semaphore_mem>>) src(%dma_wait3A_38 : memref<200x128xf32, #tpu.memory_space<vmem>>) dst(%dma_wait3A_34 : memref<200x128xf32, #tpu.memory_space<hbm>>)
    %dma_wait3A_39 = arith.constant 0 : i32
    %dma_wait3A_40 = arith.constant 0 : i32
    %dma_wait3A_41 = arith.constant 0 : i32
    %dma_wait3A_42 = arith.constant 0 : i32
    %dma_wait3A_43 = arith.constant 0 : i32
    %dma_wait3A_44 = tpu.memref_slice %arg9[%dma_wait3A_39, %dma_wait3A_42, %dma_wait3A_43] : memref<2x200x128xf32, #tpu.memory_space<vmem>> -> memref<1x200x128xf32, #tpu.memory_space<vmem>>
    %dma_wait3A_45 = tpu.memref_squeeze %dma_wait3A_44 : memref<1x200x128xf32, #tpu.memory_space<vmem>> -> memref<200x128xf32, #tpu.memory_space<vmem>>
    %dma_wait3A_46 = arith.constant 0 : i32
    %dma_wait3A_47 = arith.constant 0 : i32
    %dma_wait3A_48 = tpu.memref_slice %arg5[%dma_wait3A_40, %dma_wait3A_41, %dma_wait3A_46, %dma_wait3A_47] : memref<3x1024x200x128xf32, #tpu.memory_space<hbm>> -> memref<1x1x200x128xf32, #tpu.memory_space<hbm>>
    %dma_wait3A_49 = tpu.memref_squeeze %dma_wait3A_48 : memref<1x1x200x128xf32, #tpu.memory_space<hbm>> -> memref<200x128xf32, #tpu.memory_space<hbm>>
    %dma_wait3A_50 = arith.constant 0 : i32
    %dma_wait3A_51 = arith.constant 0 : i32
    %dma_wait3A_52 = tpu.memref_slice %arg5[%dma_wait3A_40, %dma_wait3A_41, %dma_wait3A_50, %dma_wait3A_51] : memref<3x1024x200x128xf32, #tpu.memory_space<hbm>> -> memref<1x1x200x128xf32, #tpu.memory_space<hbm>>
    %dma_wait3A_53 = tpu.memref_squeeze %dma_wait3A_52 : memref<1x1x200x128xf32, #tpu.memory_space<hbm>> -> memref<200x128xf32, #tpu.memory_space<hbm>>
    %dma_wait3A_54 = arith.constant 0 : i32
    %dma_wait3A_55 = arith.constant 0 : i32
    %dma_wait3A_56 = tpu.memref_slice %arg9[%dma_wait3A_39, %dma_wait3A_54, %dma_wait3A_55] : memref<2x200x128xf32, #tpu.memory_space<vmem>> -> memref<1x200x128xf32, #tpu.memory_space<vmem>>
    %dma_wait3A_57 = tpu.memref_squeeze %dma_wait3A_56 : memref<1x200x128xf32, #tpu.memory_space<vmem>> -> memref<200x128xf32, #tpu.memory_space<vmem>>
    tpu.wait_dma2 semaphore(%arg12 : memref<!tpu.dma_semaphore, #tpu.memory_space<semaphore_mem>>) src(%dma_wait3A_57 : memref<200x128xf32, #tpu.memory_space<vmem>>) dst(%dma_wait3A_53 : memref<200x128xf32, #tpu.memory_space<hbm>>)
    return
  }
}

module attributes {stable_mosaic.version = 14 : i64} {
  func.func @_prep_body(%arg0: i32, %arg1: memref<128x4x224xi32, #tpu.memory_space<vmem>>, %arg2: memref<128x224xi32, #tpu.memory_space<vmem>>, %arg3: memref<128x224xf32, #tpu.memory_space<vmem>>, %arg4: memref<128x224xf32, #tpu.memory_space<vmem>>, %arg5: memref<128x32xf32, #tpu.memory_space<vmem>>) attributes {dimension_semantics = [#tpu.dimension_semantics<arbitrary>], iteration_bounds = array<i64: 8>, scalar_prefetch = 0 : i64, scratch_operands = 0 : i64, tpu.core_type = #tpu.core_type<tc>, window_params = [{transform_indices = @transform_0, window_bounds = array<i64: 128, 4, 224>}, {transform_indices = @transform_1, window_bounds = array<i64: 128, 224>}, {transform_indices = @transform_2, window_bounds = array<i64: 128, 224>}, {transform_indices = @transform_3, window_bounds = array<i64: 128, 224>}, {transform_indices = @transform_4, window_bounds = array<i64: 128, 32>}]} {
    %get3A = arith.constant 0 : index
    %get3A_0 = arith.constant 0 : index
    %get3A_1 = arith.constant 0 : index
    %get3A_2 = vector.load %arg1[%get3A, %get3A_0, %get3A_1] : memref<128x4x224xi32, #tpu.memory_space<vmem>>, vector<128x4x224xi32>
    %slice3A = vector.extract_strided_slice %get3A_2 {offsets = [0, 0, 0], sizes = [128, 1, 224], strides = [1, 1, 1]} : vector<128x4x224xi32> to vector<128x1x224xi32>
    %squeeze3A = vector.shape_cast %slice3A : vector<128x1x224xi32> to vector<128x224xi32>
    %ne3A = arith.constant 0 : i32
    %ne3A_3 = vector.broadcast %ne3A : i32 to vector<128x224xi32>
    %ne3A_4 = arith.cmpi ne, %squeeze3A, %ne3A_3 : vector<128x224xi32>
    %convert_element_type3A = arith.extui %ne3A_4 : vector<128x224xi1> to vector<128x224xi32>
    %convert_element_type3A_5 = arith.sitofp %convert_element_type3A : vector<128x224xi32> to vector<128x224xf32>
    %iota3A = tpu.iota {dimensions = array<i32: 0>} : vector<224x224xi32>
    %iota3A_6 = tpu.iota {dimensions = array<i32: 1>} : vector<224x224xi32>
    %le3A = arith.cmpi sle, %iota3A, %iota3A_6 : vector<224x224xi32>
    %convert_element_type3A_7 = arith.extui %le3A : vector<224x224xi1> to vector<224x224xi32>
    %convert_element_type3A_8 = arith.sitofp %convert_element_type3A_7 : vector<224x224xi32> to vector<224x224xf32>
    %dot_general3A = arith.constant dense<0.000000e+00> : vector<128x224xf32>
    %dot_general3A_9 = tpu.matmul %convert_element_type3A_5, %convert_element_type3A_8, %dot_general3A {dimension_numbers = #tpu.dot_dimension_numbers<[1], [0], [0], [1], [0, 0, 1, 1], [], []>, transpose_lhs_hint = false} : vector<128x224xf32>, vector<224x224xf32>, vector<128x224xf32> -> vector<128x224xf32>
    %jit3A = arith.constant 0.000000e+00 : f32
    %broadcast_in_dim3A = vector.broadcast %jit3A : f32 to vector<128x224xf32>
    %select_n3A = arith.select %ne3A_4, %dot_general3A_9, %broadcast_in_dim3A : vector<128x224xi1>, vector<128x224xf32>
    %convert_element_type3A_10 = arith.fptosi %select_n3A : vector<128x224xf32> to vector<128x224xi32>
    %swap3A = arith.constant 0 : index
    %swap3A_11 = arith.constant 0 : index
    %swap3A_12 = vector.load %arg2[%swap3A, %swap3A_11] : memref<128x224xi32, #tpu.memory_space<vmem>>, vector<128x224xi32>
    tpu.vector_store %arg2[%swap3A, %swap3A_11], %convert_element_type3A_10 {strides = array<i32>} : memref<128x224xi32, #tpu.memory_space<vmem>>, vector<128x224xi32>,
    %eq3A = arith.constant 0 : i32
    %eq3A_13 = vector.broadcast %eq3A : i32 to vector<128x4x224xi32>
    %eq3A_14 = arith.cmpi eq, %get3A_2, %eq3A_13 : vector<128x4x224xi32>
    %convert_element_type3A_15 = arith.extui %eq3A_14 : vector<128x4x224xi1> to vector<128x4x224xi32>
    %convert_element_type3A_16 = arith.sitofp %convert_element_type3A_15 : vector<128x4x224xi32> to vector<128x4x224xf32>
    %reduce_sum3A = arith.constant dense<0.000000e+00> : vector<128x224xf32>
    %reduce_sum3A_17 = vector.multi_reduction <add>, %convert_element_type3A_16, %reduce_sum3A [1] : vector<128x4x224xf32> to vector<128x224xf32>
    %swap3A_18 = arith.constant 0 : index
    %swap3A_19 = arith.constant 0 : index
    %swap3A_20 = vector.load %arg3[%swap3A_18, %swap3A_19] : memref<128x224xf32, #tpu.memory_space<vmem>>, vector<128x224xf32>
    tpu.vector_store %arg3[%swap3A_18, %swap3A_19], %reduce_sum3A_17 {strides = array<i32>} : memref<128x224xf32, #tpu.memory_space<vmem>>, vector<128x224xf32>,
    %sub3A = arith.constant 1.000000e+00 : f32
    %sub3A_21 = vector.broadcast %sub3A : f32 to vector<128x224xf32>
    %sub3A_22 = arith.subf %sub3A_21, %convert_element_type3A_5 : vector<128x224xf32>
    %swap3A_23 = arith.constant 0 : index
    %swap3A_24 = arith.constant 0 : index
    %swap3A_25 = vector.load %arg4[%swap3A_23, %swap3A_24] : memref<128x224xf32, #tpu.memory_space<vmem>>, vector<128x224xf32>
    tpu.vector_store %arg4[%swap3A_23, %swap3A_24], %sub3A_22 {strides = array<i32>} : memref<128x224xf32, #tpu.memory_space<vmem>>, vector<128x224xf32>,
    %reduce_sum3A_26 = arith.constant dense<0.000000e+00> : vector<128xf32>
    %reduce_sum3A_27 = vector.multi_reduction <add>, %reduce_sum3A_17, %reduce_sum3A_26 [1] : vector<128x224xf32> to vector<128xf32>
    %broadcast_in_dim3A_28 = vector.shape_cast %reduce_sum3A_27 : vector<128xf32> to vector<128x1xf32>
    %broadcast_in_dim3A_29 = vector.shape_cast %broadcast_in_dim3A_28 : vector<128x1xf32> to vector<128x1xf32>
    %broadcast_in_dim3A_30 = vector.broadcast %broadcast_in_dim3A_29 : vector<128x1xf32> to vector<128x32xf32>
    %swap3A_31 = arith.constant 0 : index
    %swap3A_32 = arith.constant 0 : index
    %swap3A_33 = vector.load %arg5[%swap3A_31, %swap3A_32] : memref<128x32xf32, #tpu.memory_space<vmem>>, vector<128x32xf32>
    tpu.vector_store %arg5[%swap3A_31, %swap3A_32], %broadcast_in_dim3A_30 {strides = array<i32>} : memref<128x32xf32, #tpu.memory_space<vmem>>, vector<128x32xf32>,
    return
  }
  func.func @transform_0(%arg0: i32) -> (i32, i32, i32) {
    %c0_i32 = arith.constant 0 : i32
    %c0_i32_0 = arith.constant 0 : i32
    %c0_i32_1 = arith.constant 0 : i32
    return %arg0, %c0_i32, %c0_i32_0 : i32, i32, i32
  }
  func.func @transform_1(%arg0: i32) -> (i32, i32) {
    %c0_i32 = arith.constant 0 : i32
    %c0_i32_0 = arith.constant 0 : i32
    return %arg0, %c0_i32 : i32, i32
  }
  func.func @transform_2(%arg0: i32) -> (i32, i32) {
    %c0_i32 = arith.constant 0 : i32
    %c0_i32_0 = arith.constant 0 : i32
    return %arg0, %c0_i32 : i32, i32
  }
  func.func @transform_3(%arg0: i32) -> (i32, i32) {
    %c0_i32 = arith.constant 0 : i32
    %c0_i32_0 = arith.constant 0 : i32
    return %arg0, %c0_i32 : i32, i32
  }
  func.func @transform_4(%arg0: i32) -> (i32, i32) {
    %c0_i32 = arith.constant 0 : i32
    %c0_i32_0 = arith.constant 0 : i32
    return %arg0, %c0_i32 : i32, i32
  }
}

module attributes {stable_mosaic.version = 14 : i64} {
  func.func @_att_body(%arg0: i32, %arg1: memref<1x32x200x128xf32, #tpu.memory_space<vmem>>, %arg2: memref<1x32x200x128xf32, #tpu.memory_space<vmem>>, %arg3: memref<1x32x200x128xf32, #tpu.memory_space<vmem>>, %arg4: memref<32x224xi32, #tpu.memory_space<vmem>>, %arg5: memref<224x128xf32, #tpu.memory_space<vmem>>, %arg6: memref<32x128xf32, #tpu.memory_space<vmem>>) attributes {dimension_semantics = [#tpu.dimension_semantics<arbitrary>], iteration_bounds = array<i64: 32>, scalar_prefetch = 0 : i64, scratch_operands = 0 : i64, tpu.core_type = #tpu.core_type<tc>, window_params = [{transform_indices = @transform_0, window_bounds = array<i64: 1, 32, 200, 128>}, {transform_indices = @transform_1, window_bounds = array<i64: 1, 32, 200, 128>}, {transform_indices = @transform_2, window_bounds = array<i64: 1, 32, 200, 128>}, {transform_indices = @transform_3, window_bounds = array<i64: 32, 224>}, {pipeline_mode = #tpu.pipeline_mode<synchronous>, transform_indices = @transform_4, window_bounds = array<i64: 224, 128>}, {transform_indices = @transform_5, window_bounds = array<i64: 32, 128>}]} {
    %get3A = arith.constant 0 : index
    %get3A_0 = arith.constant 0 : index
    %get3A_1 = vector.load %arg4[%get3A, %get3A_0] : memref<32x224xi32, #tpu.memory_space<vmem>>, vector<32x224xi32>
    %slice3A = vector.extract_strided_slice %get3A_1 {offsets = [0, 0], sizes = [32, 200], strides = [1, 1]} : vector<32x224xi32> to vector<32x200xi32>
    %broadcast_in_dim3A = vector.shape_cast %slice3A : vector<32x200xi32> to vector<32x200x1xi32>
    %iota3A = tpu.iota {dimensions = array<i32: 2>} : vector<32x200x224xi32>
    %eq3A = vector.broadcast %broadcast_in_dim3A : vector<32x200x1xi32> to vector<32x200x224xi32>
    %eq3A_2 = arith.cmpi eq, %eq3A, %iota3A : vector<32x200x224xi32>
    %gt3A = arith.constant 0 : i32
    %gt3A_3 = vector.broadcast %gt3A : i32 to vector<32x200x1xi32>
    %gt3A_4 = arith.cmpi sgt, %broadcast_in_dim3A, %gt3A_3 : vector<32x200x1xi32>
    %and3A = vector.broadcast %gt3A_4 : vector<32x200x1xi1> to vector<32x200x224xi1>
    %and3A_5 = arith.andi %eq3A_2, %and3A : vector<32x200x224xi1>
    %convert_element_type3A = arith.extui %and3A_5 : vector<32x200x224xi1> to vector<32x200x224xi32>
    %convert_element_type3A_6 = arith.sitofp %convert_element_type3A : vector<32x200x224xi32> to vector<32x200x224xf32>
    %get3A_7 = arith.constant 0 : index
    %get3A_8 = arith.constant 0 : index
    %get3A_9 = vector.load %arg5[%get3A_7, %get3A_8] : memref<224x128xf32, #tpu.memory_space<vmem>>, vector<224x128xf32>
    %convert_element_type3A_10 = arith.truncf %get3A_9 : vector<224x128xf32> to vector<224x128xbf16>
    %convert_element_type3A_11 = arith.extf %convert_element_type3A_10 : vector<224x128xbf16> to vector<224x128xf32>
    %sub3A = arith.subf %get3A_9, %convert_element_type3A_11 : vector<224x128xf32>
    %dot_general3A = arith.constant dense<0.000000e+00> : vector<32x200x128xf32>
    %dot_general3A_12 = tpu.matmul %convert_element_type3A_6, %convert_element_type3A_11, %dot_general3A {dimension_numbers = #tpu.dot_dimension_numbers<[2], [0], [0, 1], [1], [0, 0, 0, 1, 1, 1], [], []>, transpose_lhs_hint = false} : vector<32x200x224xf32>, vector<224x128xf32>, vector<32x200x128xf32> -> vector<32x200x128xf32>
    %dot_general3A_13 = arith.constant dense<0.000000e+00> : vector<32x200x128xf32>
    %dot_general3A_14 = tpu.matmul %convert_element_type3A_6, %sub3A, %dot_general3A_13 {dimension_numbers = #tpu.dot_dimension_numbers<[2], [0], [0, 1], [1], [0, 0, 0, 1, 1, 1], [], []>, transpose_lhs_hint = false} : vector<32x200x224xf32>, vector<224x128xf32>, vector<32x200x128xf32> -> vector<32x200x128xf32>
    %add3A = arith.addf %dot_general3A_12, %dot_general3A_14 : vector<32x200x128xf32>
    %get3A_15 = arith.constant 0 : index
    %get3A_16 = arith.constant 0 : index
    %get3A_17 = arith.constant 0 : index
    %get3A_18 = arith.constant 0 : index
    %get3A_19 = vector.load %arg1[%get3A_15, %get3A_16, %get3A_17, %get3A_18] : memref<1x32x200x128xf32, #tpu.memory_space<vmem>>, vector<1x32x200x128xf32>
    %get3A_20 = vector.shape_cast %get3A_19 : vector<1x32x200x128xf32> to vector<32x200x128xf32>
    %add3A_21 = arith.addf %get3A_20, %add3A : vector<32x200x128xf32>
    %get3A_22 = arith.constant 0 : index
    %get3A_23 = arith.constant 0 : index
    %get3A_24 = arith.constant 0 : index
    %get3A_25 = arith.constant 0 : index
    %get3A_26 = vector.load %arg2[%get3A_22, %get3A_23, %get3A_24, %get3A_25] : memref<1x32x200x128xf32, #tpu.memory_space<vmem>>, vector<1x32x200x128xf32>
    %get3A_27 = vector.shape_cast %get3A_26 : vector<1x32x200x128xf32> to vector<32x200x128xf32>
    %add3A_28 = arith.addf %get3A_27, %add3A : vector<32x200x128xf32>
    %get3A_29 = arith.constant 0 : index
    %get3A_30 = arith.constant 0 : index
    %get3A_31 = arith.constant 0 : index
    %get3A_32 = arith.constant 0 : index
    %get3A_33 = vector.load %arg3[%get3A_29, %get3A_30, %get3A_31, %get3A_32] : memref<1x32x200x128xf32, #tpu.memory_space<vmem>>, vector<1x32x200x128xf32>
    %get3A_34 = vector.shape_cast %get3A_33 : vector<1x32x200x128xf32> to vector<32x200x128xf32>
    %add3A_35 = arith.addf %get3A_34, %add3A : vector<32x200x128xf32>
    %reduce_sum3A = arith.constant dense<0.000000e+00> : vector<32x128xf32>
    %reduce_sum3A_36 = vector.multi_reduction <add>, %add3A_21, %reduce_sum3A [1] : vector<32x200x128xf32> to vector<32x128xf32>
    %div3A = arith.constant 2.000000e+02 : f32
    %div3A_37 = vector.broadcast %div3A : f32 to vector<32x128xf32>
    %div3A_38 = arith.divf %reduce_sum3A_36, %div3A_37 : vector<32x128xf32>
    %broadcast_in_dim3A_39 = vector.shape_cast %div3A_38 : vector<32x128xf32> to vector<32x1x128xf32>
    %mul3A = vector.broadcast %broadcast_in_dim3A_39 : vector<32x1x128xf32> to vector<32x200x128xf32>
    %mul3A_40 = arith.mulf %add3A_21, %mul3A : vector<32x200x128xf32>
    %reduce_sum3A_41 = arith.constant dense<0.000000e+00> : vector<32x200xf32>
    %reduce_sum3A_42 = vector.multi_reduction <add>, %mul3A_40, %reduce_sum3A_41 [2] : vector<32x200x128xf32> to vector<32x200xf32>
    %reduce_max3A = arith.constant dense<0xFF800000> : vector<32xf32>
    %reduce_max3A_43 = vector.multi_reduction <maximumf>, %reduce_sum3A_42, %reduce_max3A [1] : vector<32x200xf32> to vector<32xf32>
    %max3A = arith.constant 0xFF800000 : f32
    %max3A_44 = vector.broadcast %max3A : f32 to vector<32xf32>
    %max3A_45 = arith.maximumf %max3A_44, %reduce_max3A_43 : vector<32xf32>
    %broadcast_in_dim3A_46 = vector.shape_cast %max3A_45 : vector<32xf32> to vector<32x1xf32>
    %sub3A_47 = vector.broadcast %broadcast_in_dim3A_46 : vector<32x1xf32> to vector<32x200xf32>
    %sub3A_48 = arith.subf %reduce_sum3A_42, %sub3A_47 : vector<32x200xf32>
    %exp3A = math.exp %sub3A_48 : vector<32x200xf32>
    %reduce_sum3A_49 = arith.constant dense<0.000000e+00> : vector<32xf32>
    %reduce_sum3A_50 = vector.multi_reduction <add>, %exp3A, %reduce_sum3A_49 [1] : vector<32x200xf32> to vector<32xf32>
    %broadcast_in_dim3A_51 = vector.shape_cast %reduce_sum3A_50 : vector<32xf32> to vector<32x1xf32>
    %div3A_52 = vector.broadcast %broadcast_in_dim3A_51 : vector<32x1xf32> to vector<32x200xf32>
    %div3A_53 = arith.divf %exp3A, %div3A_52 : vector<32x200xf32>
    %broadcast_in_dim3A_54 = vector.shape_cast %div3A_53 : vector<32x200xf32> to vector<32x200x1xf32>
    %mul3A_55 = vector.broadcast %broadcast_in_dim3A_54 : vector<32x200x1xf32> to vector<32x200x128xf32>
    %mul3A_56 = arith.mulf %add3A_28, %mul3A_55 : vector<32x200x128xf32>
    %reduce_sum3A_57 = arith.constant dense<0.000000e+00> : vector<32x128xf32>
    %reduce_sum3A_58 = vector.multi_reduction <add>, %mul3A_56, %reduce_sum3A_57 [1] : vector<32x200x128xf32> to vector<32x128xf32>
    %add3A_59 = arith.addf %div3A_38, %reduce_sum3A_58 : vector<32x128xf32>
    %broadcast_in_dim3A_60 = vector.shape_cast %add3A_59 : vector<32x128xf32> to vector<32x1x128xf32>
    %mul3A_61 = vector.broadcast %broadcast_in_dim3A_60 : vector<32x1x128xf32> to vector<32x200x128xf32>
    %mul3A_62 = arith.mulf %add3A_28, %mul3A_61 : vector<32x200x128xf32>
    %reduce_sum3A_63 = arith.constant dense<0.000000e+00> : vector<32x200xf32>
    %reduce_sum3A_64 = vector.multi_reduction <add>, %mul3A_62, %reduce_sum3A_63 [2] : vector<32x200x128xf32> to vector<32x200xf32>
    %reduce_max3A_65 = arith.constant dense<0xFF800000> : vector<32xf32>
    %reduce_max3A_66 = vector.multi_reduction <maximumf>, %reduce_sum3A_64, %reduce_max3A_65 [1] : vector<32x200xf32> to vector<32xf32>
    %max3A_67 = arith.constant 0xFF800000 : f32
    %max3A_68 = vector.broadcast %max3A_67 : f32 to vector<32xf32>
    %max3A_69 = arith.maximumf %max3A_68, %reduce_max3A_66 : vector<32xf32>
    %broadcast_in_dim3A_70 = vector.shape_cast %max3A_69 : vector<32xf32> to vector<32x1xf32>
    %sub3A_71 = vector.broadcast %broadcast_in_dim3A_70 : vector<32x1xf32> to vector<32x200xf32>
    %sub3A_72 = arith.subf %reduce_sum3A_64, %sub3A_71 : vector<32x200xf32>
    %exp3A_73 = math.exp %sub3A_72 : vector<32x200xf32>
    %reduce_sum3A_74 = arith.constant dense<0.000000e+00> : vector<32xf32>
    %reduce_sum3A_75 = vector.multi_reduction <add>, %exp3A_73, %reduce_sum3A_74 [1] : vector<32x200xf32> to vector<32xf32>
    %broadcast_in_dim3A_76 = vector.shape_cast %reduce_sum3A_75 : vector<32xf32> to vector<32x1xf32>
    %div3A_77 = vector.broadcast %broadcast_in_dim3A_76 : vector<32x1xf32> to vector<32x200xf32>
    %div3A_78 = arith.divf %exp3A_73, %div3A_77 : vector<32x200xf32>
    %broadcast_in_dim3A_79 = vector.shape_cast %div3A_78 : vector<32x200xf32> to vector<32x200x1xf32>
    %mul3A_80 = vector.broadcast %broadcast_in_dim3A_79 : vector<32x200x1xf32> to vector<32x200x128xf32>
    %mul3A_81 = arith.mulf %add3A_35, %mul3A_80 : vector<32x200x128xf32>
    %reduce_sum3A_82 = arith.constant dense<0.000000e+00> : vector<32x128xf32>
    %reduce_sum3A_83 = vector.multi_reduction <add>, %mul3A_81, %reduce_sum3A_82 [1] : vector<32x200x128xf32> to vector<32x128xf32>
    %add3A_84 = arith.addf %add3A_59, %reduce_sum3A_83 : vector<32x128xf32>
    %swap3A = arith.constant 0 : index
    %swap3A_85 = arith.constant 0 : index
    %swap3A_86 = vector.load %arg6[%swap3A, %swap3A_85] : memref<32x128xf32, #tpu.memory_space<vmem>>, vector<32x128xf32>
    tpu.vector_store %arg6[%swap3A, %swap3A_85], %add3A_84 {strides = array<i32>} : memref<32x128xf32, #tpu.memory_space<vmem>>, vector<32x128xf32>,
    return
  }
  func.func @transform_0(%arg0: i32) -> (i32, i32, i32, i32) {
    %c0_i32 = arith.constant 0 : i32
    %c0_i32_0 = arith.constant 0 : i32
    %c0_i32_1 = arith.constant 0 : i32
    %c0_i32_2 = arith.constant 0 : i32
    return %c0_i32, %arg0, %c0_i32_0, %c0_i32_1 : i32, i32, i32, i32
  }
  func.func @transform_1(%arg0: i32) -> (i32, i32, i32, i32) {
    %c1_i32 = arith.constant 1 : i32
    %c0_i32 = arith.constant 0 : i32
    %c0_i32_0 = arith.constant 0 : i32
    %c0_i32_1 = arith.constant 0 : i32
    return %c1_i32, %arg0, %c0_i32, %c0_i32_0 : i32, i32, i32, i32
  }
  func.func @transform_2(%arg0: i32) -> (i32, i32, i32, i32) {
    %c2_i32 = arith.constant 2 : i32
    %c0_i32 = arith.constant 0 : i32
    %c0_i32_0 = arith.constant 0 : i32
    %c0_i32_1 = arith.constant 0 : i32
    return %c2_i32, %arg0, %c0_i32, %c0_i32_0 : i32, i32, i32, i32
  }
  func.func @transform_3(%arg0: i32) -> (i32, i32) {
    %c0_i32 = arith.constant 0 : i32
    %c0_i32_0 = arith.constant 0 : i32
    return %arg0, %c0_i32 : i32, i32
  }
  func.func @transform_4(%arg0: i32) -> (i32, i32) {
    %c0_i32 = arith.constant 0 : i32
    %c0_i32_0 = arith.constant 0 : i32
    %c0_i32_1 = arith.constant 0 : i32
    return %c0_i32, %c0_i32_0 : i32, i32
  }
  func.func @transform_5(%arg0: i32) -> (i32, i32) {
    %c0_i32 = arith.constant 0 : i32
    %c0_i32_0 = arith.constant 0 : i32
    return %arg0, %c0_i32 : i32, i32
  }
}

</mosaic_0001>

<sc_bundles>
// kernel: kernel.5.cloned.1.call-start
scs
__scs_entry_jumppad:
0x0: {  	(pc) =	sbr.rel $0x88, $3  }
0x1: {  	(tag) =	ssettag $0x0;
	lr =	simm.s32 $0x1  }
0x2: {  	[smem:$0x3F9E] =	sst lr;
	_ =	strace $0xD0000000  }
0x3: {  	_ = 	snop  }
0x4: {  	_ = 	snop  }
0x5: {  	_ = 	snop  }
0x6: {  	_ = 	snop  }
0x7: {  	_ = 	snop  }
__scs_overlays_trampoline_lowered:
0x8: {  	[smem:$0x3FAD] =	sst s0  }
0x9: {  	[smem:$0x3FAE] =	sst s1  }
0xa: {  	[smem:$0x3FAF] =	sst s2  }
0xb: {  	[smem:$0x3FB0] =	sst s3  }
0xc: {  	[smem:$0x3FB1] =	sst s4  }
0xd: {  	[smem:$0x3FB2] =	sst s5  }
0xe: {  	[smem:$0x3FB3] =	sst s6  }
0xf: {  	[smem:$0x3FB4] =	sst s7  }
0x10: {  	[smem:$0x3FB5] =	sst s8  }
0x11: {  	[smem:$0x3FB6] =	sst s9;
	s0 =	simm.s32 @!p0 $0x0  }
0x12: {  	s1 =	sld [smem:$0x3F9C];
	s0 =	simm.s32 @p0 $0x1  }
0x13: {  	[smem:$0x3FB7] =	sst s0;
	s0 =	simm.s32 @!p1 $0x0  }
0x14: {  	s2 =	sld [smem:$0x3F9B];
	s0 =	simm.s32 @p1 $0x1  }
0x15: {  	[smem:$0x3FB8] =	sst s0;
	s0 =	simm.s32 @!p2 $0x0  }
0x16: {  	s3 =	sld [smem:$0x3FDB];
	s0 =	simm.s32 @p2 $0x1  }
0x17: {  	s4 =	simm.s32 $0x1BF5;
	[smem:$0x3FBA] =	sst s0  }
0x18: {  	s0 =	sld [smem:$0x3F9D];
	_ =	swait.ge [sflag:s4], $0x0  }
0x19: {  	s7 =	sld [smem:$0x3F9E]  }
0x1a: {  	s8 =	sadd.s32 $0xFFFFE003, lr  }
0x1b: {  	s9 =	sadd.s32 $0xFFFFFEF7, lr;
	s5 =	simm.s32 $0xFFFFFFFF;
	p2 =	slt.u32 s8, $0xFFFFF086  }
0x1c: {  	p1 =	slt.u32 s9, $0xF7A;
	s5 =	simm.s32 @!p2 $0x0  }
0x1d: {  	s5 =	simm.s32 @p1 $0x1;
	p0 =	seq.s32 s7, s2  }
0x1e: {  	s7 =	smul.u32 @!p0 $0xF7A, s2;
	p2 =	seq.s32 @!p0 s5, $0x0  }
0x1f: {  	s9 =	smul.u32 $0xF7A, s1;
	s8 =	simm.s32 @!p0 $0x1BF5;
	p2 =	por !p2, p0  }
0x20: {  	[sflag:s8] =	ssyncset.s32 @!p0 $0xFFFFF086;
	s6 =	sadd.s32 @!p0 s3, s7;
	s7 =	simm.s32 @!p0 $0x108  }
0x21: {  	s3 =	sadd.s32 s3, s9;
	s6 =	sadd.s32 @!p0 $0x88, s6;
	s7 =	simm.s32 @p2 $0x1082  }
0x22: {  	[simem:s7], [sflag:s8] =	dma.local @!p0 [hbm:s6], $0xF7A  }
0x23: {  	s9 =	sor.u32 $0xD0000000, s2;
	s6 =	simm.s32 $0x108;
	_ =	swait.ge @!p0 [sflag:s8], $0x0  }
0x24: {  	s3 =	sadd.s32 $0x88, s3;
	s6 =	simm.s32 @!p1 $0x1082;
	[sflag:s4] =	ssyncset.s32 $0xFFFFF086  }
0x25: {  	[simem:s6], [sflag:s4] =	dma.local [hbm:s3], $0xF7A  }
0x26: {  	[smem:$0x3F9E] =	sst s1;
	(tag) =	ssettag s2;
	_ =	strace s9  }
0x27: {  	s1 =	sld [smem:$0x3FAE]  }
0x28: {  	s2 =	sld [smem:$0x3FAF]  }
0x29: {  	s4 =	sld [smem:$0x3FB1]  }
0x2a: {  	p0 =	seq.s32 s5, $0x0;
	s5 =	sld [smem:$0x3FB2]  }
0x2b: {  	s6 =	sld [smem:$0x3FB3]  }
0x2c: {  	s7 =	sld [smem:$0x3FB4]  }
0x2d: {  	s3 =	simm.s32 $0x108;
	s8 =	sld [smem:$0x3FB5]  }
0x2e: {  	s3 =	simm.s32 @!p0 $0x1082;
	s9 =	sld [smem:$0x3FB6]  }
0x2f: {  	lr =	sadd.s32 s0, s3;
	s0 =	sld [smem:$0x3FAD]  }
0x30: {  	s3 =	sld [smem:$0x3FB0]  }
0x31: {  	[smem:$0x3FB9] =	sst s10  }
0x32: {  	s10 =	sld [smem:$0x3FB7];
	_ =	sdelay $0x3  }
0x33: {  	p0 =	seq.s32 s10, $0x1;
	s10 =	sld [smem:$0x3FB9];
	_ =	sdelay $0x3  }
0x34: {  	[smem:$0x3FB9] =	sst s10  }
0x35: {  	s10 =	sld [smem:$0x3FB8];
	_ =	sdelay $0x3  }
0x36: {  	p1 =	seq.s32 s10, $0x1;
	s10 =	sld [smem:$0x3FB9];
	_ =	sdelay $0x3  }
0x37: {  	[smem:$0x3FB9] =	sst s10  }
0x38: {  	s10 =	sld [smem:$0x3FBA]  }
0x39: {  	_ = 	snop;
	(pc) =	sbr.ind lr, $3  }
0x3a: {  	_ = 	snop  }
0x3b: {  	_ = 	snop  }
0x3c: {  	p2 =	seq.s32 s10, $0x1;
	s10 =	sld [smem:$0x3FB9]  }
0x3d: {  	_ =	shalt  }
0x3e: {  	_ =	shalt  }
0x3f: {  	_ =	shalt  }
0x40: {  	_ =	shalt  }
0x41: {  	_ =	shalt  }
0x42: {  	_ =	shalt  }
0x43: {  	_ =	shalt  }
0x44: {  	_ =	shalt  }
0x45: {  	_ =	shalt  }
0x46: {  	_ =	shalt  }
0x47: {  	_ =	shalt  }
0x48: {  	_ =	shalt  }
0x49: {  	_ =	shalt  }
0x4a: {  	_ =	shalt  }
0x4b: {  	_ =	shalt  }
0x4c: {  	_ =	shalt  }
0x4d: {  	_ =	shalt  }
0x4e: {  	_ =	shalt  }
0x4f: {  	_ =	shalt  }
0x50: {  	_ =	shalt  }
0x51: {  	_ =	shalt  }
0x52: {  	_ =	shalt  }
0x53: {  	_ =	shalt  }
0x54: {  	_ =	shalt  }
0x55: {  	_ =	shalt  }
0x56: {  	_ =	shalt  }
0x57: {  	_ =	shalt  }
0x58: {  	_ =	shalt  }
0x59: {  	_ =	shalt  }
0x5a: {  	_ =	shalt  }
0x5b: {  	_ =	shalt  }
0x5c: {  	_ =	shalt  }
0x5d: {  	_ =	shalt  }
0x5e: {  	_ =	shalt  }
0x5f: {  	_ =	shalt  }
0x60: {  	_ =	shalt  }
0x61: {  	_ =	shalt  }
0x62: {  	_ =	shalt  }
0x63: {  	_ =	shalt  }
0x64: {  	_ =	shalt  }
0x65: {  	_ =	shalt  }
0x66: {  	_ =	shalt  }
0x67: {  	_ =	shalt  }
0x68: {  	_ =	shalt  }
0x69: {  	_ =	shalt  }
0x6a: {  	_ =	shalt  }
0x6b: {  	_ =	shalt  }
0x6c: {  	_ =	shalt  }
0x6d: {  	_ =	shalt  }
0x6e: {  	_ =	shalt  }
0x6f: {  	_ =	shalt  }
0x70: {  	_ =	shalt  }
0x71: {  	_ =	shalt  }
0x72: {  	_ =	shalt  }
0x73: {  	_ =	shalt  }
0x74: {  	_ =	shalt  }
0x75: {  	_ =	shalt  }
0x76: {  	_ =	shalt  }
0x77: {  	_ =	shalt  }
0x78: {  	_ =	shalt  }
0x79: {  	_ =	shalt  }
0x7a: {  	_ =	shalt  }
0x7b: {  	_ =	shalt  }
0x7c: {  	_ =	shalt  }
0x7d: {  	_ =	shalt  }
0x7e: {  	_ =	shalt  }
0x7f: {  	_ =	shalt  }
0x80: {  	_ =	shalt  }
0x81: {  	_ =	shalt  }
0x82: {  	_ =	shalt  }
0x83: {  	_ =	shalt  }
0x84: {  	_ =	shalt  }
0x85: {  	_ =	shalt  }
0x86: {  	_ =	shalt  }
0x87: {  	_ =	shalt  }
.Lfunc_end0:
.L_simem_size_0:
called_computation_lowered:
.L_overlay_start_0:
0x88: {  	s2 =	sld [smem:$0x3FD9]  }
0x89: {  	s3 =	sld [smem:$0x3FFE];
	_ =	sdelay $0x1  }
0x8a: {  	s1 =	srdreg.scid  }
0x8b: {  	s0 =	sand.u32 $0x1, s1  }
0x8c: {  	s17 =	sshll.u32 s0, $0xA;
	s2 =	sadd.s32 s3, s2  }
0x8d: {  	s2 =	sadd.s32 s2, s17  }
0x8e: {  	[smem:$0x3FC5] =	sst s2  }
0x8f: {  	_ = 	snop  }
0x90: {  	s2 =	sld [smem:$0x3FC9];
	(tm) =	ssettm $0x1  }
0x91: {  	s18 =	sld [smem:$0x3FFB];
	_ =	sdelay $0x3  }
0x92: {  	_ =	strace s18  }
0x93: {  	s3 =	sld [smem:$0x3FFC];
	_ =	sdelay $0x3  }
0x94: {  	_ =	strace s3  }
0x95: {  	s3 =	sld [smem:$0x3FFD];
	_ =	sdelay $0x3  }
0x96: {  	_ =	strace s3  }
0x97: {  	_ =	strace $0x8FFFFFFF  }
0x98: {  	s19 =	sld [smem:$0x3FDB];
	_ =	sdelay $0x1  }
0x99: {  	s4 =	simm.s32 $_scs_section_size  }
0x9a: {  	s5 =	simm.s32 $_size__tile_overlayer_lowered;
	s6 =	simm.s32 $_tile_overlayer_lowered  }
0x9b: {  	s22 =	simm.s32 $0x1BFF;
	s21 =	sshll.u32 s6, $0x1;
	s3 =	sadd.s32 s4, s19  }
0x9c: {  	s7 =	simm.s32 $0x0;
	s20 =	sshll.u32 s5, $0x1;
	s5 =	sadd.s32 s21, s3  }
0x9d: {  	[timem:s7], [sflag:s22] =	dma.local [hbm:s5], s20  }
0x9e: {  	_ =	swait.ge [sflag:s22], s20  }
0x9f: {  	s4 =	ssub.s32 $0x0, s20;
	[sflag:s22] =	ssyncset.done $0x0  }
0xa0: {  	[sflag:s22] =	ssyncadd.s32 s4;
	_ =	sdelay $0x1  }
0xa1: {  	s23 =	simm.s32 $0x1B8B  }
0xa2: {  	_ =	swait.ge [sflag:s23], $0x1  }
0xa3: {  	[sflag:s23] =	ssyncset.done $0x0  }
0xa4: {  	s25 =	simm.s32 $0x1B8E;
	s24 =	sld [smem:$0x3FFE];
	[sflag:s23] =	ssyncadd.s32 $0xFFFFFFFF  }
0xa5: {  	s26 =	simm.s32 $execute0_lowered;
	[smem:$0x3FD2] =	sst s25  }
0xa6: {  	s5 =	sshll.u32 s26, $0x1;
	_ =	strace $0x80000046;
	[dreg:$0x1] =	wrdreg $0xFFFFFFFF  }
0xa7: {  	s28 =	simm.s32 $_size_execute0_lowered;
	s3 =	sadd.s32 s3, s5;
	[dreg:$0x0] =	wrdreg $0x0  }
0xa8: {  	s5 =	sshll.u32 s28, $0x1;
	[dreg:$0x2] =	wrdreg s3  }
0xa9: {  	[dreg:$0x3] =	wrdreg s5  }
0xaa: {  	[dreg:$0x4] =	wrdreg $0xC0  }
0xab: {  	_ =	task [dreg:s7], $0x5FFFF  }
0xac: {  	[dreg:$0x1] =	wrdreg $0xFFFFFFFF  }
0xad: {  	[dreg:$0x0] =	wrdreg $0x60  }
0xae: {  	[dreg:$0x2] =	wrdreg s2  }
0xaf: {  	[dreg:$0x3] =	wrdreg s24  }
0xb0: {  	[dreg:$0x4] =	wrdreg $0x9  }
0xb1: {  	_ =	task.clear_ibuf [dreg:s7], $0x5FFFF;
	_ =	strace $0x90000046  }
0xb2: {  	s29 =	simm.s32 $0x9;
	_ =	strace $0x80000048  }
0xb3: {  	_ =	swait.ge [sflag:s29], $0x1  }
0xb4: {  	[sflag:s29] =	ssyncadd.s32 $0xFFFFFFFF  }
0xb5: {  	_ =	strace $0x90000048  }
0xb6: {  	_ =	sfence  }
0xb7: {  	s30 =	sld [smem:$0x0];
	_ =	sdelay $0x2  }
0xb8: {  	s31 =	sshll.u32 s1, $0xD;
	s1 =	sshrl.u32 s1, $0x2  }
0xb9: {  	s3 =	sand.u32 $0x4000, s31;
	s1 =	sadd.s32 s1, s30  }
0xba: {  	s0 =	sor.u32 s3, s0;
	s1 =	sshll.u32 s1, $0x11  }
0xbb: {  	s0 =	sor.u32 s1, s0  }
0xbc: {  	s0 =	sadd.s32 $0x8F2B, s0  }
0xbd: {  	[sflag:s0] =	ssyncadd.remote.s32 $0x1  }
0xbe: {  	_ =	sfence.sel $0xFFFF  }
0xbf: {  	[dreg:$0x0] =	wrdreg $0xFFFFFFFF;
	(pc) =	sbr.abs _section_cstart, $3  }
0xc0: {  	[dreg:$0x1] =	wrdreg $0xFFFFFFFF  }
0xc1: {  	_ =	task.clear_ibuf [dreg:s7], $0x2FFFF;
	_ =	strace $0x9FFFFFFF  }
0xc2: {  	(tm) =	ssettm $0x7FFFFFFF  }
0xc3: {  	_ =	shalt  }
tec
execute0_lowered:
.L_overlay_start_1:
0x0: {  	(tag) =	ssettag $0x1  }
0x1: {  	s1 =	rddreg [dreg:$0x0]  }
0x2: {  	s0 =	rddreg [dreg:$0x1]  }
0x3: {  	s3 =	simm.s32 $0x0;
	s2 =	srdreg.scid;
	s5 =	stileid.u32  }
0x4: {  	s14 =	simm.s32 $0x3;
	s18 =	simm.s32 $0x1A00;
	s19 =	simm.s32 $0x80  }
0x5: {  	s20 =	simm.s32 $0x400;
	s21 =	simm.s32 $0x1800;
	s22 =	simm.s32 $0x1  }
0x6: {  	s23 =	simm.s32 $0x2;
	s24 =	simm.s32 $0x0;
	[smem:$0x7FF] =	sst s3  }
0x7: {  	s2 =	sand.u32 $0x1, s2;
	s4 =	sadd.s32 $0x8E00, s0;
	s6 =	sshll.u32 s5, $0x6  }
.Ltmp0:
0x8: {  	s5 =	sadd.s32 $0x68E00, s0;
	s7 =	sshll.u32 s2, $0x5;
	(pc) =	sbr.rel .LBB2_1-.Ltmp0, $4  }
0x9: {  	s8 =	sadd.s32 $0x186A00, s1;
	s2 =	ssub.s32 $0x2, s2;
	s6 =	sor.u32 s7, s6  }
0xa: {  	s9 =	sadd.s32 $0x30D400, s1;
	s31 =	sshrl.u32 s2, $0x1;
	s11 =	smul.u32 $0x180, s6  }
0xb: {  	s10 =	sadd.s32 $0x493E00, s1;
	s7 =	sadd.s32 $0x78E00, s0;
	s0 =	ssub.s32 s2, s31  }
0xc: {  	_ =	strace $0x80000047;
	s12 =	smax.u32 s0, $0x1;
	s11 =	sadd.s32 s4, s11  }
.LBB2_11:
0xd: {  	s24 =	sadd.s32 $0x1, s24  }
0xe: {  	_ =	swait.ge [sflag:s23], $0x6400;
	p0 =	sne.s32 s24, s12  }
.Ltmp1:
0xf: {  	[sflag:s23] =	ssyncset.done $0x0;
	(pc) =	sbr.rel @!p0 .LBB2_12-.Ltmp1, $4  }
0x10: {  	[sflag:s23] =	ssyncadd.s32 $0xFFFF9C00  }
0x11: {  	_ =	swait.ge [sflag:s23], $0x6400  }
0x12: {  	[sflag:s23] =	ssyncset.done $0x0  }
0x13: {  	[sflag:s23] =	ssyncadd.s32 $0xFFFF9C00  }
.LBB2_1:
0x14: {  	s0 =	simm.s32 $0x14A00  }
0x15: {  	[tilespmem:s0], [sflag:$0x3] =	stream.linear.gather [hbm4b:s8+s3], $0x80, $0x38;
	[tilespmem:$0x14C00] =	vst v63  }
0x16: {  	_ =	swait.ge [sflag:s14], $0x80  }
0x17: {  	[sflag:s14] =	ssyncset.done $0x0  }
0x18: {  	s29 =	simm.s32 $0x14A80;
	[sflag:s14] =	ssyncadd.s32 $0xFFFFFF80  }
0x19: {  	[tilespmem:s29], [sflag:$0x3] =	stream.linear.gather [hbm4b:s9+s3], $0x80, $0x38;
	[tilespmem:$0x14C00] =	vst v63  }
0x1a: {  	_ =	swait.ge [sflag:s14], $0x80  }
0x1b: {  	[sflag:s14] =	ssyncset.done $0x0  }
0x1c: {  	s30 =	simm.s32 $0x14B00;
	[sflag:s14] =	ssyncadd.s32 $0xFFFFFF80  }
0x1d: {  	[tilespmem:s30], [sflag:$0x3] =	stream.linear.gather [hbm4b:s10+s3], $0x80, $0x38;
	[tilespmem:$0x14C00] =	vst v63  }
0x1e: {  	_ =	swait.ge [sflag:s14], $0x80  }
0x1f: {  	[sflag:s14] =	ssyncset.done $0x0  }
0x20: {  	[sflag:s14] =	ssyncadd.s32 $0xFFFFFF80  }
0x21: {  	[tilespmem:s3], [sflag:$0x3] =	stream.linear.gather [hbm4b:s11+s3], $0xC00, $0x38;
	[tilespmem:$0x14C00] =	vst v63  }
.Ltmp2:
0x22: {  	_ = 	snop;
	(pc) =	sbr.rel .LBB2_2-.Ltmp2, $4  }
0x23: {  	_ =	swait.ge [sflag:s14], $0xC00  }
0x24: {  	[sflag:s14] =	ssyncset.done $0x0  }
0x25: {  	s31 =	simm.s32 $0x64;
	s25 =	simm.s32 $0x0;
	[sflag:s14] =	ssyncadd.s32 $0xFFFFF400  }
0x26: {  	[tilespmem:s18], [sflag:$0x1] =	stream.indirect.gather [hbm4b:s1+s31], $0x80, s3, s31, $0xb8;
	[tilespmem:$0x14C00] =	vst v63  }
.LBB2_10:
0x27: {  	s25 =	sadd.s32 $0x1, s25  }
0x28: {  	p0 =	sne.s32 s25, $0x20  }
.Ltmp3:
0x29: {  	_ = 	snop;
	(pc) =	sbr.rel @!p0 .LBB2_11-.Ltmp3, $1  }
0x2a: {  	_ =	sdelay $0x3  }
.LBB2_2:
0x2b: {  	p0 =	seq.s32 s25, $0x0  }
0x2c: {  	s0 =	simm.s32 @!p0 $0x2  }
0x2d: {  	_ =	swait.ge @!p0 [sflag:s0], $0x6400  }
0x2e: {  	[sflag:s0] =	ssyncset.done @!p0 $0x0  }
0x2f: {  	s2 =	sor.u32 s6, s25;
	s13 =	sshll.u32 s25, $0x4;
	[sflag:s0] =	ssyncadd.s32 @!p0 $0xFFFF9C00  }
0x30: {  	s15 =	sshll.u32 s2, $0x6;
	s13 =	sand.u32 $0x70, s13;
	_ =	swait.ge @!p0 [sflag:s0], $0x6400  }
0x31: {  	s15 =	sand.u32 $0xFE00, s15;
	s13 =	sadd.s32 s5, s13;
	[sflag:s0] =	ssyncset.done @!p0 $0x0  }
0x32: {  	s15 =	sadd.s32 s15, s13;
	[sflag:s0] =	ssyncadd.s32 @!p0 $0xFFFF9C00  }
0x33: {  	[tilespmem:s21], [sflag:$0x3] =	stream.strided.gather [hbm4b:s15+s19], $0x200, s20, s19, $0x38;
	[tilespmem:$0x14C00] =	vst v63  }
0x34: {  	_ =	swait.ge [sflag:s14], $0x200  }
0x35: {  	[sflag:s14] =	ssyncset.done $0x0  }
0x36: {  	[sflag:s14] =	ssyncadd.s32 $0xFFFFFE00  }
0x37: {  	v0 =	vld [tilespmem:$0x19C0];
	_ =	sdelay $0x4  }
0x38: {  	(v2sf) =	vpush v0, $0x0;
	_ =	sdelay $0x9  }
0x39: {  	s16 =	sand.u32 $0x1, s25;
	s17 =	smul.u32 $0xC00, s2  }
0x3a: {  	s26 =	smul.u32 $0x3000, s16  }
.Ltmp4:
0x3b: {  	_ = 	snop;
	(pc) =	sbr.rel .LBB2_3-.Ltmp4, $4  }
0x3c: {  	s31 =	simm.s32 $0x0;
	s28 =	smul.u32 $0x6400, s2;
	s0 =	sxor.u32 $0x1, s16  }
0x3d: {  	p1 =	seq.s32 s25, $0x1F;
	s13 =	sshrl.u32 s17, $0x3;
	s0 =	smul.u32 $0x3000, s0  }
0x3e: {  	s26 =	sshrl.u32 s26, $0x2;
	s13 =	sadd.s32 s4, s13;
	s16 =	spop (v2sf)  }
0x3f: {  	s30 =	sadd.s32 $0x180, s13;
	s29 =	sshrl.u32 s0, $0x2;
	p0 =	sgt.f32 s16, $0.0e+00  }
.LBB2_7:
0x40: {  	[tilespmem:s13+$0x30] =	vst @p2 v0  }
.LBB2_8:
0x41: {  	s13 =	smul.u32 $0x1900000, s0;
	_ =	sdelay $0x1  }
0x42: {  	s13 =	sadd.s32 s28, s13  }
0x43: {  	p2 =	sne.s32 @!p1 s0, $0x2;
	s13 =	sshrl.u32 s13, $0x3  }
0x44: {  	p2 =	por p2, p1;
	s13 =	sadd.s32 s7, s13  }
0x45: {  	[hbm4b:s13+s3] =	stream.linear.scatter [tilespmem:s2], [sflag:$0x2], $0x6400, $0x38;
	[tilespmem:$0x14C00] =	vst v63  }
0x46: {  	s0 =	simm.s32 @!p2 $0x0  }
0x47: {  	[tilespmem:s29], [sflag:$0x3] =	stream.linear.gather @!p2 [hbm4b:s30+s0], $0xC00, $0x38;
	[tilespmem:$0x14C00] =	vst v63  }
0x48: {  	s0 =	simm.s32 @!p2 $0x3  }
0x49: {  	_ =	swait.ge @!p2 [sflag:s0], $0xC00  }
0x4a: {  	[sflag:s0] =	ssyncset.done @!p2 $0x0  }
0x4b: {  	s2 =	simm.s32 @!p2 $0x1A00;
	[sflag:s0] =	ssyncadd.s32 @!p2 $0xFFFFF400;
	s0 =	simm.s32 @!p2 $0x64  }
0x4c: {  	[tilespmem:s2], [sflag:$0x1] =	stream.indirect.gather @!p2 [hbm4b:s1+s0], $0x80, s29, s0, $0xb8;
	[tilespmem:$0x14C00] =	vst v63  }
.LBB2_9:
0x4d: {  	s31 =	sadd.s32 $0x1, s31  }
0x4e: {  	p2 =	sne.s32 s31, $0x18  }
.Ltmp5:
0x4f: {  	_ = 	snop;
	(pc) =	sbr.rel @!p2 .LBB2_10-.Ltmp5, $1  }
0x50: {  	_ =	sdelay $0x3  }
.LBB2_3:
0x51: {  	p2 =	seq.s32 s31, $0x17  }
0x52: {  	s0 =	sadd.s32 @!p2 $0x1, s31  }
0x53: {  	s2 =	sand.u32 @!p2 $0x1, s0  }
0x54: {  	s13 =	simm.s32 @!p2 $0x64;
	s0 =	sshll.u32 @!p2 s0, $0x7;
	p3 =	seq.s32 @!p2 s2, $0x1  }
0x55: {  	s2 =	simm.s32 @!p2 $0x4E00;
	s0 =	sand.u32 @!p2 $0x3FFFFF80, s0;
	p3 =	por !p3, p2  }
0x56: {  	s0 =	sadd.s32 @!p2 s0, s26;
	s2 =	simm.s32 @p3 $0x1A00;
	p3 =	sne.s32 @!p2 s31, $0x10  }
0x57: {  	[tilespmem:s2], [sflag:$0x1] =	stream.indirect.gather @!p2 [hbm4b:s1+s13], $0x80, s0, s13, $0xb8;
	[tilespmem:$0x14C00] =	vst v63  }
0x58: {  	p2 =	por p3, p2  }
0x59: {  	s0 =	simm.s32 @!p2 $0x2  }
0x5a: {  	_ =	swait.ge @!p2 [sflag:s0], $0x6400  }
0x5b: {  	[sflag:s0] =	ssyncset.done @!p2 $0x0  }
0x5c: {  	[sflag:s0] =	ssyncadd.s32 @!p2 $0xFFFF9C00  }
0x5d: {  	s15 =	sand.u32 $0x1, s31;
	_ =	swait.ge [sflag:s22], $0x3200  }
0x5e: {  	s17 =	simm.s32 $0x3400;
	p2 =	seq.s32 s15, $0x1;
	[sflag:s22] =	ssyncset.done $0x0  }
0x5f: {  	s17 =	simm.s32 @!p2 $0x0;
	[sflag:s22] =	ssyncadd.s32 $0xFFFFCE00  }
0x60: {  	v0 =	vld [tilespmem:s17+$0x1A00]  }
0x61: {  	v1 =	vld [tilespmem:s17+$0x1A80]  }
0x62: {  	v2 =	vld [tilespmem:s17+$0x1B00]  }
0x63: {  	v3 =	vld [tilespmem:s17+$0x1B80];
	_ =	sdelay $0x2  }
0x64: {  	s0 =	sshrl.u32 s31, $0x3  }
0x65: {  	s15 =	sand.u32 $0x7, s31;
	s16 =	sand.u32 $0x1, s0  }
0x66: {  	s13 =	simm.s32 $0x6400;
	p2 =	seq.s32 s16, $0x1;
	s16 =	smul.u32 $0x3200, s15;
	v0 =	vadd.f32 v1, v0;
	v6 =	vadd.f32 v3, v2  }
0x67: {  	s13 =	simm.s32 @!p2 $0x0  }
0x68: {  	s2 =	sor.u32 $0x8200, s13;
	s16 =	sshrl.u32 s16, $0x2;
	v0 =	vadd.f32 v6, v0  }
0x69: {  	s16 =	sadd.s32 s16, s2  }
0x6a: {  	[tilespmem:s16+$0x0] =	vst v0  }
0x6b: {  	v0 =	vld [tilespmem:s17+$0x1A10]  }
0x6c: {  	v7 =	vld [tilespmem:s17+$0x1A90]  }
0x6d: {  	v8 =	vld [tilespmem:s17+$0x1B10]  }
0x6e: {  	v9 =	vld [tilespmem:s17+$0x1B90];
	_ =	sdelay $0x4  }
0x6f: {  	v0 =	vadd.f32 v7, v0;
	v10 =	vadd.f32 v9, v8;
	_ =	sdelay $0x1  }
0x70: {  	v0 =	vadd.f32 v10, v0;
	_ =	sdelay $0x1  }
0x71: {  	[tilespmem:s16+$0x10] =	vst v0  }
0x72: {  	v0 =	vld [tilespmem:s17+$0x1A20]  }
0x73: {  	v11 =	vld [tilespmem:s17+$0x1AA0]  }
0x74: {  	v12 =	vld [tilespmem:s17+$0x1B20]  }
0x75: {  	v13 =	vld [tilespmem:s17+$0x1BA0]  }
0x76: {  	v4 =	vld [tilespmem:s17+$0x1C00]  }
0x77: {  	v5 =	vld [tilespmem:s17+$0x1C80]  }
0x78: {  	v6 =	vld [tilespmem:s17+$0x1D00]  }
0x79: {  	v7 =	vld [tilespmem:s17+$0x1D80]  }
0x7a: {  	v0 =	vadd.f32 v11, v0;
	v14 =	vadd.f32 v13, v12;
	_ =	sdelay $0x1  }
0x7b: {  	v0 =	vadd.f32 v14, v0;
	_ =	sdelay $0x1  }
0x7c: {  	v15 =	vadd.f32 v5, v4;
	v16 =	vadd.f32 v7, v6;
	[tilespmem:s16+$0x20] =	vst v0  }
0x7d: {  	v17 =	vld [tilespmem:s17+$0x1A30]  }
0x7e: {  	v0 =	vadd.f32 v16, v15;
	v18 =	vld [tilespmem:s17+$0x1AB0]  }
0x7f: {  	v19 =	vld [tilespmem:s17+$0x1B30]  }
0x80: {  	v20 =	vld [tilespmem:s17+$0x1BB0];
	[tilespmem:s16+$0x80] =	vst v0  }
0x81: {  	v0 =	vld [tilespmem:s17+$0x1C10]  }
0x82: {  	v21 =	vld [tilespmem:s17+$0x1C90]  }
0x83: {  	v22 =	vld [tilespmem:s17+$0x1D10]  }
0x84: {  	v23 =	vld [tilespmem:s17+$0x1D90]  }
0x85: {  	v24 =	vld [tilespmem:s17+$0x1E00];
	v2 =	vadd.f32 v18, v17;
	v1 =	vadd.f32 v20, v19  }
0x86: {  	v25 =	vld [tilespmem:s17+$0x1E80]  }
0x87: {  	v26 =	vld [tilespmem:s17+$0x1F00];
	v1 =	vadd.f32 v1, v2  }
0x88: {  	v8 =	vld [tilespmem:s17+$0x1F80]  }
0x89: {  	v11 =	vld [tilespmem:s17+$0x2000];
	v0 =	vadd.f32 v21, v0;
	v27 =	vadd.f32 v23, v22;
	[tilespmem:s16+$0x30] =	vst v1  }
0x8a: {  	v28 =	vld [tilespmem:s17+$0x1A40]  }
0x8b: {  	v0 =	vadd.f32 v27, v0;
	v29 =	vld [tilespmem:s17+$0x1AC0]  }
0x8c: {  	v30 =	vld [tilespmem:s17+$0x1B40]  }
0x8d: {  	v32 =	vadd.f32 v25, v24;
	v2 =	vadd.f32 v8, v26;
	v31 =	vld [tilespmem:s17+$0x1BC0];
	[tilespmem:s16+$0x90] =	vst v0  }
0x8e: {  	v33 =	vld [tilespmem:s17+$0x1C20]  }
0x8f: {  	v0 =	vadd.f32 v2, v32;
	v34 =	vld [tilespmem:s17+$0x1CA0]  }
0x90: {  	v35 =	vld [tilespmem:s17+$0x1D20]  }
0x91: {  	v36 =	vld [tilespmem:s17+$0x1DA0];
	[tilespmem:s16+$0x100] =	vst v0  }
0x92: {  	v38 =	vld [tilespmem:s17+$0x1E10]  }
0x93: {  	v39 =	vld [tilespmem:s17+$0x1E90]  }
0x94: {  	v40 =	vld [tilespmem:s17+$0x1F10];
	v37 =	vadd.f32 v29, v28;
	v1 =	vadd.f32 v31, v30  }
0x95: {  	v41 =	vld [tilespmem:s17+$0x1F90]  }
0x96: {  	v30 =	vld [tilespmem:s17+$0x2080];
	v0 =	vadd.f32 v1, v37  }
0x97: {  	v31 =	vld [tilespmem:s17+$0x2100];
	v42 =	vadd.f32 v34, v33  }
0x98: {  	v2 =	vadd.f32 v36, v35;
	[tilespmem:s16+$0x40] =	vst v0;
	v47 =	vadd.f32 v39, v38;
	v39 =	vld [tilespmem:s17+$0x2200]  }
0x99: {  	v43 =	vld [tilespmem:s17+$0x1A50]  }
0x9a: {  	v0 =	vadd.f32 v2, v42;
	v44 =	vld [tilespmem:s17+$0x1AD0]  }
0x9b: {  	v45 =	vld [tilespmem:s17+$0x1B50]  }
0x9c: {  	v1 =	vadd.f32 v41, v40;
	v46 =	vld [tilespmem:s17+$0x1BD0];
	[tilespmem:s16+$0xA0] =	vst v0  }
0x9d: {  	v48 =	vld [tilespmem:s17+$0x1C30]  }
0x9e: {  	v0 =	vadd.f32 v1, v47;
	v49 =	vld [tilespmem:s17+$0x1CB0]  }
0x9f: {  	v50 =	vld [tilespmem:s17+$0x1D30]  }
0xa0: {  	v51 =	vld [tilespmem:s17+$0x1DB0];
	[tilespmem:s16+$0x110] =	vst v0  }
0xa1: {  	v53 =	vld [tilespmem:s17+$0x1E20];
	v52 =	vadd.f32 v44, v43;
	v2 =	vadd.f32 v46, v45  }
0xa2: {  	v54 =	vld [tilespmem:s17+$0x1EA0]  }
0xa3: {  	v55 =	vld [tilespmem:s17+$0x1F20];
	v0 =	vadd.f32 v2, v52  }
0xa4: {  	v56 =	vld [tilespmem:s17+$0x1FA0]  }
0xa5: {  	v40 =	vld [tilespmem:s17+$0x2280];
	v57 =	vadd.f32 v49, v48;
	v1 =	vadd.f32 v51, v50;
	[tilespmem:s16+$0x50] =	vst v0  }
0xa6: {  	v58 =	vld [tilespmem:s17+$0x1A60]  }
0xa7: {  	v0 =	vadd.f32 v1, v57;
	v59 =	vld [tilespmem:s17+$0x1AE0]  }
0xa8: {  	v60 =	vld [tilespmem:s17+$0x1B60]  }
0xa9: {  	v62 =	vadd.f32 v54, v53;
	v2 =	vadd.f32 v56, v55;
	v61 =	vld [tilespmem:s17+$0x1BE0];
	[tilespmem:s16+$0xB0] =	vst v0  }
0xaa: {  	v63 =	vld [tilespmem:s17+$0x1C40]  }
0xab: {  	v0 =	vadd.f32 v2, v62;
	v12 =	vld [tilespmem:s17+$0x1CC0]  }
0xac: {  	v13 =	vld [tilespmem:s17+$0x1D40]  }
0xad: {  	v14 =	vld [tilespmem:s17+$0x1DC0];
	[tilespmem:s16+$0x120] =	vst v0  }
0xae: {  	v9 =	vld [tilespmem:s17+$0x1E30]  }
0xaf: {  	v17 =	vld [tilespmem:s17+$0x1F30]  }
0xb0: {  	v18 =	vld [tilespmem:s17+$0x1FB0]  }
0xb1: {  	v16 =	vld [tilespmem:s17+$0x1EB0];
	v15 =	vadd.f32 v59, v58;
	v1 =	vadd.f32 v61, v60  }
0xb2: {  	v41 =	vld [tilespmem:s17+$0x2300];
	v19 =	vadd.f32 v12, v63;
	v2 =	vadd.f32 v14, v13  }
0xb3: {  	v0 =	vadd.f32 v1, v15;
	v12 =	vld [tilespmem:s17+$0x2180]  }
0xb4: {  	v15 =	vld [tilespmem:s17+$0x2380];
	v2 =	vadd.f32 v2, v19  }
0xb5: {  	[tilespmem:s16+$0x60] =	vst v0;
	v21 =	vadd.f32 v18, v17;
	v18 =	vld [tilespmem:s17+$0x2580]  }
0xb6: {  	v20 =	vadd.f32 v16, v9;
	v0 =	vld [tilespmem:s17+$0x1A70];
	[tilespmem:s16+$0xC0] =	vst v2  }
0xb7: {  	v22 =	vld [tilespmem:s17+$0x1C50]  }
0xb8: {  	v2 =	vadd.f32 v21, v20;
	v23 =	vld [tilespmem:s17+$0x1CD0]  }
0xb9: {  	v24 =	vld [tilespmem:s17+$0x1D50]  }
0xba: {  	v25 =	vld [tilespmem:s17+$0x1DD0];
	[tilespmem:s16+$0x130] =	vst v2  }
0xbb: {  	v4 =	vadd.f32 v30, v11;
	v5 =	vadd.f32 v12, v31;
	v26 =	vld [tilespmem:s17+$0x1E40]  }
0xbc: {  	v27 =	vld [tilespmem:s17+$0x1EC0]  }
0xbd: {  	v28 =	vld [tilespmem:s17+$0x1F40];
	v4 =	vadd.f32 v5, v4  }
0xbe: {  	v10 =	vld [tilespmem:s17+$0x1FC0]  }
0xbf: {  	v1 =	vld [tilespmem:s17+$0x1AF0];
	[tilespmem:s16+$0x180] =	vst v4;
	v29 =	vadd.f32 v23, v22;
	v3 =	vadd.f32 v25, v24  }
0xc0: {  	v4 =	vld [tilespmem:s17+$0x2010]  }
0xc1: {  	v38 =	vld [tilespmem:s17+$0x2090];
	v6 =	vadd.f32 v3, v29  }
0xc2: {  	v13 =	vld [tilespmem:s17+$0x2110]  }
0xc3: {  	v14 =	vld [tilespmem:s17+$0x2190];
	v7 =	vadd.f32 v27, v26;
	v32 =	vadd.f32 v10, v28;
	[tilespmem:s16+$0xD0] =	vst v6  }
0xc4: {  	v6 =	vld [tilespmem:s17+$0x1C60]  }
0xc5: {  	v7 =	vadd.f32 v32, v7;
	v33 =	vld [tilespmem:s17+$0x1CE0]  }
0xc6: {  	v34 =	vld [tilespmem:s17+$0x1D60]  }
0xc7: {  	v16 =	vld [tilespmem:s17+$0x1DE0];
	[tilespmem:s16+$0x140] =	vst v7  }
0xc8: {  	v7 =	vld [tilespmem:s17+$0x1E50]  }
0xc9: {  	v35 =	vld [tilespmem:s17+$0x1ED0]  }
0xca: {  	v4 =	vadd.f32 v38, v4;
	v42 =	vadd.f32 v14, v13;
	v36 =	vld [tilespmem:s17+$0x1F50]  }
0xcb: {  	v37 =	vld [tilespmem:s17+$0x1FD0]  }
0xcc: {  	v2 =	vld [tilespmem:s17+$0x1B70];
	v4 =	vadd.f32 v42, v4  }
0xcd: {  	v3 =	vld [tilespmem:s17+$0x1BF0]  }
0xce: {  	v27 =	vld [tilespmem:s17+$0x2400];
	[tilespmem:s16+$0x190] =	vst v4  }
0xcf: {  	v48 =	vld [tilespmem:s17+$0x2020];
	v6 =	vadd.f32 v33, v6;
	v51 =	vadd.f32 v16, v34  }
0xd0: {  	v49 =	vld [tilespmem:s17+$0x20A0];
	v7 =	vadd.f32 v35, v7;
	v5 =	vadd.f32 v37, v36  }
0xd1: {  	v47 =	vadd.f32 v40, v39;
	v50 =	vld [tilespmem:s17+$0x2120];
	v54 =	vadd.f32 v51, v6  }
0xd2: {  	v52 =	vld [tilespmem:s17+$0x21A0];
	v5 =	vadd.f32 v5, v7;
	v7 =	vadd.f32 v15, v41  }
0xd3: {  	v28 =	vld [tilespmem:s17+$0x2480]  }
0xd4: {  	v29 =	vld [tilespmem:s17+$0x2500];
	[tilespmem:s16+$0xE0] =	vst v54;
	v4 =	vadd.f32 v7, v47  }
0xd5: {  	v6 =	vld [tilespmem:s17+$0x1D70];
	[tilespmem:s16+$0x150] =	vst v5  }
0xd6: {  	v43 =	vld [tilespmem:s17+$0x1E60];
	[tilespmem:s16+$0x200] =	vst v4  }
0xd7: {  	v10 =	vadd.f32 v49, v48;
	v7 =	vadd.f32 v52, v50;
	v53 =	vld [tilespmem:s17+$0x2210]  }
0xd8: {  	v55 =	vld [tilespmem:s17+$0x2290]  }
0xd9: {  	v10 =	vadd.f32 v7, v10;
	v17 =	vld [tilespmem:s17+$0x2310]  }
0xda: {  	v58 =	vld [tilespmem:s17+$0x2390]  }
0xdb: {  	v44 =	vld [tilespmem:s17+$0x1EE0];
	[tilespmem:s16+$0x1A0] =	vst v10  }
0xdc: {  	v62 =	vld [tilespmem:s17+$0x2030]  }
0xdd: {  	v63 =	vld [tilespmem:s17+$0x20B0]  }
0xde: {  	v20 =	vld [tilespmem:s17+$0x2130]  }
0xdf: {  	v21 =	vld [tilespmem:s17+$0x21B0];
	v60 =	vadd.f32 v55, v53;
	v61 =	vadd.f32 v58, v17  }
0xe0: {  	v45 =	vld [tilespmem:s17+$0x1F60]  }
0xe1: {  	v46 =	vld [tilespmem:s17+$0x1FE0];
	v9 =	vadd.f32 v61, v60  }
0xe2: {  	v8 =	vld [tilespmem:s17+$0x1DF0]  }
0xe3: {  	v5 =	vld [tilespmem:s17+$0x1CF0];
	[tilespmem:s16+$0x210] =	vst v9  }
0xe4: {  	v26 =	vadd.f32 v63, v62;
	v10 =	vadd.f32 v21, v20;
	v22 =	vld [tilespmem:s17+$0x2220]  }
0xe5: {  	v56 =	vadd.f32 v44, v43;
	v23 =	vld [tilespmem:s17+$0x22A0]  }
0xe6: {  	v57 =	vadd.f32 v46, v45;
	v10 =	vadd.f32 v10, v26;
	v24 =	vld [tilespmem:s17+$0x2320]  }
0xe7: {  	v25 =	vld [tilespmem:s17+$0x23A0]  }
0xe8: {  	v4 =	vld [tilespmem:s17+$0x1C70];
	v59 =	vadd.f32 v57, v56;
	[tilespmem:s16+$0x1B0] =	vst v10  }
0xe9: {  	v32 =	vld [tilespmem:s17+$0x2040]  }
0xea: {  	[tilespmem:s16+$0x160] =	vst v59;
	v33 =	vld [tilespmem:s17+$0x20C0]  }
0xeb: {  	v7 =	vld [tilespmem:s17+$0x1E70]  }
0xec: {  	v9 =	vld [tilespmem:s17+$0x1EF0];
	v30 =	vadd.f32 v23, v22;
	v31 =	vadd.f32 v25, v24  }
0xed: {  	v34 =	vld [tilespmem:s17+$0x2140]  }
0xee: {  	v35 =	vld [tilespmem:s17+$0x21C0];
	v10 =	vadd.f32 v31, v30  }
0xef: {  	v42 =	vadd.f32 v33, v32;
	v32 =	vld [tilespmem:s17+$0x2600]  }
0xf0: {  	v36 =	vadd.f32 v28, v27;
	v37 =	vadd.f32 v18, v29;
	v33 =	vld [tilespmem:s17+$0x2680];
	[tilespmem:s16+$0x220] =	vst v10  }
0xf1: {  	v38 =	vld [tilespmem:s17+$0x2230]  }
0xf2: {  	v10 =	vadd.f32 v37, v36;
	v39 =	vld [tilespmem:s17+$0x22B0]  }
0xf3: {  	v40 =	vld [tilespmem:s17+$0x2330]  }
0xf4: {  	v41 =	vld [tilespmem:s17+$0x23B0];
	[tilespmem:s16+$0x280] =	vst v10  }
0xf5: {  	v14 =	vadd.f32 v35, v34;
	v43 =	vld [tilespmem:s17+$0x2410]  }
0xf6: {  	v44 =	vld [tilespmem:s17+$0x2490]  }
0xf7: {  	v14 =	vadd.f32 v14, v42;
	v45 =	vld [tilespmem:s17+$0x2510]  }
0xf8: {  	v19 =	vld [tilespmem:s17+$0x2590]  }
0xf9: {  	v34 =	vld [tilespmem:s17+$0x2700];
	[tilespmem:s16+$0x1C0] =	vst v14;
	v12 =	vadd.f32 v39, v38;
	v11 =	vadd.f32 v41, v40  }
0xfa: {  	v46 =	vld [tilespmem:s17+$0x2050]  }
0xfb: {  	v14 =	vld [tilespmem:s17+$0x20D0];
	v11 =	vadd.f32 v11, v12  }
0xfc: {  	v47 =	vld [tilespmem:s17+$0x2150]  }
0xfd: {  	v48 =	vld [tilespmem:s17+$0x21D0];
	v49 =	vadd.f32 v44, v43;
	v50 =	vadd.f32 v19, v45;
	[tilespmem:s16+$0x230] =	vst v11  }
0xfe: {  	v51 =	vld [tilespmem:s17+$0x2240]  }
0xff: {  	v11 =	vadd.f32 v50, v49;
	v52 =	vld [tilespmem:s17+$0x22C0]  }
0x100: {  	v53 =	vld [tilespmem:s17+$0x2340]  }
0x101: {  	v54 =	vld [tilespmem:s17+$0x23C0];
	[tilespmem:s16+$0x290] =	vst v11  }
0x102: {  	v55 =	vadd.f32 v14, v46;
	v12 =	vadd.f32 v48, v47;
	v56 =	vld [tilespmem:s17+$0x2420]  }
0x103: {  	v57 =	vld [tilespmem:s17+$0x24A0]  }
0x104: {  	v12 =	vadd.f32 v12, v55;
	v58 =	vld [tilespmem:s17+$0x2520]  }
0x105: {  	v20 =	vld [tilespmem:s17+$0x25A0]  }
0x106: {  	v35 =	vld [tilespmem:s17+$0x2780];
	[tilespmem:s16+$0x1D0] =	vst v12;
	v59 =	vadd.f32 v52, v51;
	v15 =	vadd.f32 v54, v53  }
0x107: {  	v60 =	vld [tilespmem:s17+$0x2060]  }
0x108: {  	v61 =	vld [tilespmem:s17+$0x20E0];
	v12 =	vadd.f32 v15, v59  }
0x109: {  	v62 =	vld [tilespmem:s17+$0x2160]  }
0x10a: {  	v63 =	vld [tilespmem:s17+$0x21E0];
	v24 =	vadd.f32 v57, v56;
	v25 =	vadd.f32 v20, v58;
	[tilespmem:s16+$0x240] =	vst v12  }
0x10b: {  	v26 =	vld [tilespmem:s17+$0x2250]  }
0x10c: {  	v12 =	vadd.f32 v25, v24;
	v27 =	vld [tilespmem:s17+$0x22D0]  }
0x10d: {  	v28 =	vld [tilespmem:s17+$0x2350]  }
0x10e: {  	v29 =	vld [tilespmem:s17+$0x23D0];
	[tilespmem:s16+$0x2A0] =	vst v12  }
0x10f: {  	v21 =	vld [tilespmem:s17+$0x2430]  }
0x110: {  	v22 =	vld [tilespmem:s17+$0x24B0]  }
0x111: {  	v30 =	vadd.f32 v61, v60;
	v15 =	vadd.f32 v63, v62;
	v23 =	vld [tilespmem:s17+$0x2530]  }
0x112: {  	v31 =	vld [tilespmem:s17+$0x25B0]  }
0x113: {  	v10 =	vld [tilespmem:s17+$0x1F70];
	v12 =	vadd.f32 v15, v30  }
0x114: {  	v11 =	vld [tilespmem:s17+$0x1FF0];
	v14 =	vadd.f32 v27, v26;
	v13 =	vadd.f32 v29, v28  }
0x115: {  	v59 =	vld [tilespmem:s17+$0x2880]  }
0x116: {  	v60 =	vld [tilespmem:s17+$0x2900];
	[tilespmem:s16+$0x1E0] =	vst v12;
	v13 =	vadd.f32 v13, v14  }
0x117: {  	v12 =	vld [tilespmem:s17+$0x2070];
	v36 =	vadd.f32 v22, v21;
	v16 =	vadd.f32 v31, v23  }
0x118: {  	v15 =	vld [tilespmem:s17+$0x21F0]  }
0x119: {  	v27 =	vld [tilespmem:s17+$0x2800];
	[tilespmem:s16+$0x250] =	vst v13;
	v13 =	vadd.f32 v16, v36  }
0x11a: {  	v28 =	vld [tilespmem:s17+$0x2980]  }
0x11b: {  	v41 =	vadd.f32 v33, v32;
	v14 =	vadd.f32 v35, v34;
	v31 =	vld [tilespmem:s17+$0x2B80];
	[tilespmem:s16+$0x2B0] =	vst v13  }
0x11c: {  	v42 =	vld [tilespmem:s17+$0x2440]  }
0x11d: {  	v13 =	vadd.f32 v14, v41;
	v43 =	vld [tilespmem:s17+$0x24C0]  }
0x11e: {  	v44 =	vld [tilespmem:s17+$0x2540]  }
0x11f: {  	v45 =	vld [tilespmem:s17+$0x25C0];
	[tilespmem:s16+$0x300] =	vst v13  }
0x120: {  	v46 =	vld [tilespmem:s17+$0x2610]  }
0x121: {  	v48 =	vld [tilespmem:s17+$0x2690]  }
0x122: {  	v49 =	vld [tilespmem:s17+$0x2710]  }
0x123: {  	v50 =	vld [tilespmem:s17+$0x2790]  }
0x124: {  	v37 =	vld [tilespmem:s17+$0x2260];
	v20 =	vadd.f32 v59, v27;
	v21 =	vadd.f32 v28, v60  }
0x125: {  	v38 =	vld [tilespmem:s17+$0x22E0];
	v17 =	vadd.f32 v43, v42;
	v18 =	vadd.f32 v45, v44  }
0x126: {  	v39 =	vld [tilespmem:s17+$0x2360]  }
0x127: {  	v40 =	vld [tilespmem:s17+$0x23E0];
	v20 =	vadd.f32 v21, v20;
	v18 =	vadd.f32 v18, v17  }
0x128: {  	v14 =	vld [tilespmem:s17+$0x2170];
	v51 =	vadd.f32 v48, v46;
	v52 =	vadd.f32 v50, v49  }
0x129: {  	v13 =	vld [tilespmem:s17+$0x20F0];
	[tilespmem:s16+$0x380] =	vst v20  }
0x12a: {  	v20 =	vld [tilespmem:s17+$0x2810];
	[tilespmem:s16+$0x2C0] =	vst v18;
	v18 =	vadd.f32 v52, v51  }
0x12b: {  	v36 =	vld [tilespmem:s17+$0x2890]  }
0x12c: {  	v29 =	vld [tilespmem:s17+$0x2910];
	[tilespmem:s16+$0x310] =	vst v18  }
0x12d: {  	v57 =	vld [tilespmem:s17+$0x2620]  }
0x12e: {  	v24 =	vld [tilespmem:s17+$0x26A0]  }
0x12f: {  	v25 =	vld [tilespmem:s17+$0x2720]  }
0x130: {  	v47 =	vadd.f32 v38, v37;
	v16 =	vadd.f32 v40, v39;
	v26 =	vld [tilespmem:s17+$0x27A0]  }
0x131: {  	v30 =	vld [tilespmem:s17+$0x2990]  }
0x132: {  	v37 =	vld [tilespmem:s17+$0x2A00];
	v16 =	vadd.f32 v16, v47  }
0x133: {  	v38 =	vld [tilespmem:s17+$0x2A80]  }
0x134: {  	v39 =	vld [tilespmem:s17+$0x2B00];
	[tilespmem:s16+$0x260] =	vst v16  }
0x135: {  	v16 =	vld [tilespmem:s17+$0x2270];
	v23 =	vadd.f32 v24, v57;
	v61 =	vadd.f32 v26, v25  }
0x136: {  	v53 =	vld [tilespmem:s17+$0x2450]  }
0x137: {  	v54 =	vld [tilespmem:s17+$0x24D0];
	v23 =	vadd.f32 v61, v23  }
0x138: {  	v55 =	vld [tilespmem:s17+$0x2550]  }
0x139: {  	v56 =	vld [tilespmem:s17+$0x25D0];
	[tilespmem:s16+$0x320] =	vst v23  }
0x13a: {  	v23 =	vld [tilespmem:s17+$0x2630]  }
0x13b: {  	v20 =	vadd.f32 v36, v20;
	v40 =	vadd.f32 v30, v29;
	v33 =	vld [tilespmem:s17+$0x26B0]  }
0x13c: {  	v34 =	vld [tilespmem:s17+$0x2730]  }
0x13d: {  	v20 =	vadd.f32 v40, v20;
	v35 =	vld [tilespmem:s17+$0x27B0]  }
0x13e: {  	v17 =	vld [tilespmem:s17+$0x22F0];
	v58 =	vadd.f32 v54, v53;
	v19 =	vadd.f32 v56, v55  }
0x13f: {  	v18 =	vld [tilespmem:s17+$0x2370];
	[tilespmem:s16+$0x390] =	vst v20  }
0x140: {  	v46 =	vld [tilespmem:s17+$0x2820];
	v22 =	vadd.f32 v19, v58  }
0x141: {  	v47 =	vld [tilespmem:s17+$0x28A0]  }
0x142: {  	v48 =	vld [tilespmem:s17+$0x2920];
	[tilespmem:s16+$0x2D0] =	vst v22;
	v23 =	vadd.f32 v33, v23;
	v21 =	vadd.f32 v35, v34  }
0x143: {  	v22 =	vld [tilespmem:s17+$0x2460]  }
0x144: {  	v62 =	vld [tilespmem:s17+$0x24E0];
	v21 =	vadd.f32 v21, v23  }
0x145: {  	v63 =	vld [tilespmem:s17+$0x2560]  }
0x146: {  	v32 =	vld [tilespmem:s17+$0x25E0];
	[tilespmem:s16+$0x330] =	vst v21  }
0x147: {  	v41 =	vld [tilespmem:s17+$0x2640]  }
0x148: {  	v45 =	vadd.f32 v38, v37;
	v23 =	vadd.f32 v31, v39;
	v42 =	vld [tilespmem:s17+$0x26C0]  }
0x149: {  	v43 =	vld [tilespmem:s17+$0x2740]  }
0x14a: {  	v20 =	vadd.f32 v23, v45;
	v44 =	vld [tilespmem:s17+$0x27C0]  }
0x14b: {  	v50 =	vld [tilespmem:s17+$0x29A0]  }
0x14c: {  	v19 =	vld [tilespmem:s17+$0x23F0];
	[tilespmem:s16+$0x400] =	vst v20  }
0x14d: {  	v52 =	vld [tilespmem:s17+$0x2A10]  }
0x14e: {  	v22 =	vadd.f32 v62, v22;
	v49 =	vadd.f32 v32, v63;
	v53 =	vld [tilespmem:s17+$0x2A90]  }
0x14f: {  	v54 =	vld [tilespmem:s17+$0x2B10];
	v51 =	vadd.f32 v42, v41;
	v21 =	vadd.f32 v44, v43  }
0x150: {  	v56 =	vadd.f32 v47, v46;
	v22 =	vadd.f32 v49, v22;
	v55 =	vld [tilespmem:s17+$0x2B90]  }
0x151: {  	v49 =	vld [tilespmem:s17+$0x2C00];
	v23 =	vadd.f32 v50, v48;
	v21 =	vadd.f32 v21, v51  }
0x152: {  	[tilespmem:s16+$0x2E0] =	vst v22;
	v50 =	vld [tilespmem:s17+$0x2C80]  }
0x153: {  	v20 =	vld [tilespmem:s17+$0x2470];
	[tilespmem:s16+$0x340] =	vst v21;
	v21 =	vadd.f32 v23, v56  }
0x154: {  	v51 =	vld [tilespmem:s17+$0x2D00]  }
0x155: {  	v61 =	vadd.f32 v53, v52;
	v22 =	vadd.f32 v55, v54;
	v57 =	vld [tilespmem:s17+$0x2650];
	[tilespmem:s16+$0x3A0] =	vst v21  }
0x156: {  	v62 =	vld [tilespmem:s17+$0x2830]  }
0x157: {  	v21 =	vadd.f32 v22, v61;
	v63 =	vld [tilespmem:s17+$0x28B0]  }
0x158: {  	v33 =	vld [tilespmem:s17+$0x2930]  }
0x159: {  	v34 =	vld [tilespmem:s17+$0x29B0];
	[tilespmem:s16+$0x410] =	vst v21  }
0x15a: {  	v35 =	vld [tilespmem:s17+$0x2A20]  }
0x15b: {  	v37 =	vld [tilespmem:s17+$0x2AA0]  }
0x15c: {  	v38 =	vld [tilespmem:s17+$0x2B20]  }
0x15d: {  	v39 =	vld [tilespmem:s17+$0x2BA0]  }
0x15e: {  	v58 =	vld [tilespmem:s17+$0x26D0];
	v24 =	vadd.f32 v63, v62;
	v40 =	vadd.f32 v34, v33  }
0x15f: {  	v59 =	vld [tilespmem:s17+$0x2750]  }
0x160: {  	v60 =	vld [tilespmem:s17+$0x27D0];
	v24 =	vadd.f32 v40, v24  }
0x161: {  	v22 =	vld [tilespmem:s17+$0x2570]  }
0x162: {  	v21 =	vld [tilespmem:s17+$0x24F0];
	v41 =	vadd.f32 v37, v35;
	v42 =	vadd.f32 v39, v38;
	[tilespmem:s16+$0x3B0] =	vst v24  }
0x163: {  	v43 =	vld [tilespmem:s17+$0x2840]  }
0x164: {  	v24 =	vadd.f32 v42, v41;
	v44 =	vld [tilespmem:s17+$0x28C0]  }
0x165: {  	v45 =	vld [tilespmem:s17+$0x2940]  }
0x166: {  	v46 =	vld [tilespmem:s17+$0x29C0];
	[tilespmem:s16+$0x420] =	vst v24  }
0x167: {  	v36 =	vadd.f32 v58, v57;
	v23 =	vadd.f32 v60, v59;
	v24 =	vld [tilespmem:s17+$0x2A30]  }
0x168: {  	v47 =	vld [tilespmem:s17+$0x2AB0]  }
0x169: {  	v27 =	vadd.f32 v23, v36;
	v48 =	vld [tilespmem:s17+$0x2B30]  }
0x16a: {  	v33 =	vld [tilespmem:s17+$0x2BB0]  }
0x16b: {  	v34 =	vld [tilespmem:s17+$0x2D80];
	[tilespmem:s16+$0x350] =	vst v27;
	v26 =	vadd.f32 v44, v43;
	v25 =	vadd.f32 v46, v45  }
0x16c: {  	v27 =	vld [tilespmem:s17+$0x2660]  }
0x16d: {  	v28 =	vld [tilespmem:s17+$0x26E0];
	v25 =	vadd.f32 v25, v26  }
0x16e: {  	v35 =	vld [tilespmem:s17+$0x2760]  }
0x16f: {  	v36 =	vld [tilespmem:s17+$0x27E0];
	v24 =	vadd.f32 v47, v24;
	v52 =	vadd.f32 v33, v48;
	[tilespmem:s16+$0x3C0] =	vst v25  }
0x170: {  	v53 =	vld [tilespmem:s17+$0x2850]  }
0x171: {  	v24 =	vadd.f32 v52, v24;
	v54 =	vld [tilespmem:s17+$0x28D0]  }
0x172: {  	v55 =	vld [tilespmem:s17+$0x2950]  }
0x173: {  	v57 =	vadd.f32 v50, v49;
	v26 =	vadd.f32 v34, v51;
	v56 =	vld [tilespmem:s17+$0x29D0];
	[tilespmem:s16+$0x430] =	vst v24  }
0x174: {  	v58 =	vld [tilespmem:s17+$0x2A40]  }
0x175: {  	v24 =	vadd.f32 v26, v57;
	v59 =	vld [tilespmem:s17+$0x2AC0]  }
0x176: {  	v60 =	vld [tilespmem:s17+$0x2B40]  }
0x177: {  	v61 =	vld [tilespmem:s17+$0x2BC0];
	[tilespmem:s16+$0x480] =	vst v24  }
0x178: {  	v63 =	vld [tilespmem:s17+$0x2C10]  }
0x179: {  	v27 =	vadd.f32 v28, v27;
	v52 =	vadd.f32 v36, v35;
	v40 =	vld [tilespmem:s17+$0x2C90]  }
0x17a: {  	v41 =	vld [tilespmem:s17+$0x2D10];
	v62 =	vadd.f32 v54, v53;
	v25 =	vadd.f32 v56, v55  }
0x17b: {  	v42 =	vld [tilespmem:s17+$0x2D90]  }
0x17c: {  	v23 =	vld [tilespmem:s17+$0x25F0];
	v55 =	vadd.f32 v52, v27;
	v24 =	vadd.f32 v25, v62  }
0x17d: {  	v38 =	vld [tilespmem:s17+$0x2E80];
	v43 =	vadd.f32 v59, v58;
	v26 =	vadd.f32 v61, v60  }
0x17e: {  	v39 =	vld [tilespmem:s17+$0x2F00];
	[tilespmem:s16+$0x360] =	vst v55  }
0x17f: {  	v28 =	vld [tilespmem:s17+$0x26F0];
	[tilespmem:s16+$0x3D0] =	vst v24;
	v24 =	vadd.f32 v26, v43  }
0x180: {  	v29 =	vld [tilespmem:s17+$0x2770];
	v48 =	vadd.f32 v40, v63;
	v25 =	vadd.f32 v42, v41  }
0x181: {  	v31 =	vld [tilespmem:s17+$0x27F0]  }
0x182: {  	v26 =	vld [tilespmem:s17+$0x2670];
	[tilespmem:s16+$0x440] =	vst v24;
	v24 =	vadd.f32 v25, v48  }
0x183: {  	v40 =	vld [tilespmem:s17+$0x2F80]  }
0x184: {  	v41 =	vld [tilespmem:s17+$0x3180];
	[tilespmem:s16+$0x490] =	vst v24  }
0x185: {  	v54 =	vld [tilespmem:s17+$0x2C20]  }
0x186: {  	v56 =	vld [tilespmem:s17+$0x2CA0]  }
0x187: {  	v37 =	vld [tilespmem:s17+$0x2D20]  }
0x188: {  	v59 =	vld [tilespmem:s17+$0x2DA0]  }
0x189: {  	v44 =	vld [tilespmem:s17+$0x2860]  }
0x18a: {  	v45 =	vld [tilespmem:s17+$0x28E0]  }
0x18b: {  	v46 =	vld [tilespmem:s17+$0x2960]  }
0x18c: {  	v47 =	vld [tilespmem:s17+$0x29E0]  }
0x18d: {  	v48 =	vld [tilespmem:s17+$0x3000];
	v61 =	vadd.f32 v56, v54;
	v30 =	vadd.f32 v59, v37  }
0x18e: {  	v49 =	vld [tilespmem:s17+$0x2A50]  }
0x18f: {  	v50 =	vld [tilespmem:s17+$0x2AD0];
	v62 =	vadd.f32 v30, v61  }
0x190: {  	v51 =	vld [tilespmem:s17+$0x2B50]  }
0x191: {  	v53 =	vld [tilespmem:s17+$0x2BD0];
	[tilespmem:s16+$0x4A0] =	vst v62  }
0x192: {  	v33 =	vld [tilespmem:s17+$0x2C30]  }
0x193: {  	v63 =	vld [tilespmem:s17+$0x2CB0]  }
0x194: {  	v57 =	vadd.f32 v45, v44;
	v58 =	vadd.f32 v47, v46;
	v44 =	vld [tilespmem:s17+$0x2D30]  }
0x195: {  	v45 =	vld [tilespmem:s17+$0x2DB0]  }
0x196: {  	v46 =	vld [tilespmem:s17+$0x2E00];
	v24 =	vadd.f32 v58, v57  }
0x197: {  	v32 =	vadd.f32 v50, v49;
	v60 =	vadd.f32 v53, v51;
	v49 =	vld [tilespmem:s17+$0x3080]  }
0x198: {  	v50 =	vld [tilespmem:s17+$0x3100];
	[tilespmem:s16+$0x3E0] =	vst v24  }
0x199: {  	v32 =	vadd.f32 v60, v32;
	v24 =	vld [tilespmem:s17+$0x2870]  }
0x19a: {  	v25 =	vld [tilespmem:s17+$0x28F0];
	v33 =	vadd.f32 v63, v33;
	v47 =	vadd.f32 v45, v44  }
0x19b: {  	v27 =	vld [tilespmem:s17+$0x2970]  }
0x19c: {  	v30 =	vld [tilespmem:s17+$0x29F0];
	[tilespmem:s16+$0x450] =	vst v32;
	v33 =	vadd.f32 v47, v33  }
0x19d: {  	v32 =	vld [tilespmem:s17+$0x2A60]  }
0x19e: {  	v52 =	vadd.f32 v40, v39;
	v51 =	vadd.f32 v38, v46;
	v42 =	vld [tilespmem:s17+$0x2AE0];
	[tilespmem:s16+$0x4B0] =	vst v33  }
0x19f: {  	v53 =	vld [tilespmem:s17+$0x2C40]  }
0x1a0: {  	v33 =	vadd.f32 v52, v51;
	v54 =	vld [tilespmem:s17+$0x2CC0]  }
0x1a1: {  	v55 =	vld [tilespmem:s17+$0x2D40]  }
0x1a2: {  	v57 =	vadd.f32 v49, v48;
	v34 =	vadd.f32 v41, v50;
	v56 =	vld [tilespmem:s17+$0x2DC0];
	[tilespmem:s16+$0x500] =	vst v33  }
0x1a3: {  	v58 =	vld [tilespmem:s17+$0x2E10]  }
0x1a4: {  	v33 =	vadd.f32 v34, v57;
	v59 =	vld [tilespmem:s17+$0x2E90]  }
0x1a5: {  	v60 =	vld [tilespmem:s17+$0x2F10]  }
0x1a6: {  	v61 =	vld [tilespmem:s17+$0x2F90];
	[tilespmem:s16+$0x580] =	vst v33  }
0x1a7: {  	v63 =	vld [tilespmem:s17+$0x3010];
	v62 =	vadd.f32 v54, v53;
	v37 =	vadd.f32 v56, v55  }
0x1a8: {  	v45 =	vld [tilespmem:s17+$0x3090]  }
0x1a9: {  	v46 =	vld [tilespmem:s17+$0x3110];
	v33 =	vadd.f32 v37, v62  }
0x1aa: {  	v47 =	vld [tilespmem:s17+$0x3190]  }
0x1ab: {  	v43 =	vld [tilespmem:s17+$0x2B60];
	v48 =	vadd.f32 v59, v58;
	v34 =	vadd.f32 v61, v60;
	[tilespmem:s16+$0x4C0] =	vst v33  }
0x1ac: {  	v49 =	vld [tilespmem:s17+$0x2C50]  }
0x1ad: {  	v33 =	vadd.f32 v34, v48;
	v50 =	vld [tilespmem:s17+$0x2CD0]  }
0x1ae: {  	v51 =	vld [tilespmem:s17+$0x2D50]  }
0x1af: {  	v53 =	vadd.f32 v45, v63;
	v37 =	vadd.f32 v47, v46;
	v52 =	vld [tilespmem:s17+$0x2DD0];
	[tilespmem:s16+$0x510] =	vst v33  }
0x1b0: {  	v54 =	vld [tilespmem:s17+$0x2E20]  }
0x1b1: {  	v33 =	vadd.f32 v37, v53;
	v55 =	vld [tilespmem:s17+$0x2EA0]  }
0x1b2: {  	v56 =	vld [tilespmem:s17+$0x2F20]  }
0x1b3: {  	v57 =	vld [tilespmem:s17+$0x2FA0];
	[tilespmem:s16+$0x590] =	vst v33  }
0x1b4: {  	v59 =	vld [tilespmem:s17+$0x3020];
	v58 =	vadd.f32 v50, v49;
	v34 =	vadd.f32 v52, v51  }
0x1b5: {  	v60 =	vld [tilespmem:s17+$0x30A0]  }
0x1b6: {  	v61 =	vld [tilespmem:s17+$0x3120];
	v33 =	vadd.f32 v34, v58  }
0x1b7: {  	v62 =	vld [tilespmem:s17+$0x31A0]  }
0x1b8: {  	v44 =	vld [tilespmem:s17+$0x2BE0];
	v63 =	vadd.f32 v55, v54;
	v37 =	vadd.f32 v57, v56;
	[tilespmem:s16+$0x4D0] =	vst v33  }
0x1b9: {  	v45 =	vld [tilespmem:s17+$0x2C60]  }
0x1ba: {  	v33 =	vadd.f32 v37, v63;
	v46 =	vld [tilespmem:s17+$0x2CE0]  }
0x1bb: {  	v47 =	vld [tilespmem:s17+$0x2D60]  }
0x1bc: {  	v49 =	vadd.f32 v60, v59;
	v34 =	vadd.f32 v62, v61;
	v48 =	vld [tilespmem:s17+$0x2DE0];
	[tilespmem:s16+$0x520] =	vst v33  }
0x1bd: {  	v50 =	vld [tilespmem:s17+$0x2E30]  }
0x1be: {  	v33 =	vadd.f32 v34, v49;
	v51 =	vld [tilespmem:s17+$0x2EB0]  }
0x1bf: {  	v52 =	vld [tilespmem:s17+$0x2F30]  }
0x1c0: {  	v54 =	vld [tilespmem:s17+$0x2FB0];
	[tilespmem:s16+$0x5A0] =	vst v33  }
0x1c1: {  	v32 =	vadd.f32 v42, v32;
	v53 =	vadd.f32 v44, v43;
	v33 =	vld [tilespmem:s17+$0x3030]  }
0x1c2: {  	v55 =	vld [tilespmem:s17+$0x30B0]  }
0x1c3: {  	v32 =	vadd.f32 v53, v32;
	v56 =	vld [tilespmem:s17+$0x3130]  }
0x1c4: {  	v58 =	vld [tilespmem:s17+$0x31B0]  }
0x1c5: {  	v53 =	vld [tilespmem:s17+$0x3300];
	[tilespmem:s16+$0x460] =	vst v32;
	v35 =	vadd.f32 v51, v50;
	v34 =	vadd.f32 v54, v52  }
0x1c6: {  	v39 =	vld [tilespmem:s17+$0x2A70];
	v57 =	vadd.f32 v46, v45;
	v37 =	vadd.f32 v48, v47  }
0x1c7: {  	v36 =	vld [tilespmem:s17+$0x2AF0];
	v34 =	vadd.f32 v34, v35  }
0x1c8: {  	v45 =	vld [tilespmem:s17+$0x3380];
	v32 =	vadd.f32 v37, v57  }
0x1c9: {  	v37 =	vld [tilespmem:s17+$0x2B70];
	v33 =	vadd.f32 v55, v33;
	v59 =	vadd.f32 v58, v56;
	[tilespmem:s16+$0x530] =	vst v34  }
0x1ca: {  	v60 =	vld [tilespmem:s17+$0x2E40]  }
0x1cb: {  	v33 =	vadd.f32 v59, v33;
	v61 =	vld [tilespmem:s17+$0x2EC0]  }
0x1cc: {  	v62 =	vld [tilespmem:s17+$0x2F40]  }
0x1cd: {  	v63 =	vld [tilespmem:s17+$0x2FC0];
	[tilespmem:s16+$0x5B0] =	vst v33  }
0x1ce: {  	v33 =	vld [tilespmem:s17+$0x3040]  }
0x1cf: {  	v48 =	vld [tilespmem:s17+$0x30C0]  }
0x1d0: {  	v49 =	vld [tilespmem:s17+$0x3140]  }
0x1d1: {  	v50 =	vld [tilespmem:s17+$0x31C0]  }
0x1d2: {  	v51 =	vld [tilespmem:s17+$0x3200];
	v38 =	vadd.f32 v61, v60;
	v34 =	vadd.f32 v63, v62  }
0x1d3: {  	v52 =	vld [tilespmem:s17+$0x3280]  }
0x1d4: {  	v35 =	vld [tilespmem:s17+$0x2BF0];
	[tilespmem:s16+$0x4E0] =	vst v32;
	v34 =	vadd.f32 v34, v38  }
0x1d5: {  	v32 =	vld [tilespmem:s17+$0x2C70]  }
0x1d6: {  	v46 =	vld [tilespmem:s17+$0x2CF0];
	v33 =	vadd.f32 v48, v33;
	v54 =	vadd.f32 v50, v49;
	[tilespmem:s16+$0x540] =	vst v34  }
0x1d7: {  	v55 =	vld [tilespmem:s17+$0x2E50]  }
0x1d8: {  	v33 =	vadd.f32 v54, v33;
	v56 =	vld [tilespmem:s17+$0x2ED0]  }
0x1d9: {  	v57 =	vld [tilespmem:s17+$0x2F50]  }
0x1da: {  	v59 =	vadd.f32 v52, v51;
	v38 =	vadd.f32 v45, v53;
	v58 =	vld [tilespmem:s17+$0x2FD0];
	[tilespmem:s16+$0x5C0] =	vst v33  }
0x1db: {  	v60 =	vld [tilespmem:s17+$0x3050]  }
0x1dc: {  	v33 =	vadd.f32 v38, v59;
	v61 =	vld [tilespmem:s17+$0x30D0]  }
0x1dd: {  	v62 =	vld [tilespmem:s17+$0x3150]  }
0x1de: {  	v63 =	vld [tilespmem:s17+$0x31D0];
	[tilespmem:s16+$0x600] =	vst v33  }
0x1df: {  	v49 =	vld [tilespmem:s17+$0x3210];
	v48 =	vadd.f32 v56, v55;
	v34 =	vadd.f32 v58, v57  }
0x1e0: {  	v50 =	vld [tilespmem:s17+$0x3290]  }
0x1e1: {  	v51 =	vld [tilespmem:s17+$0x3310];
	v33 =	vadd.f32 v34, v48  }
0x1e2: {  	v52 =	vld [tilespmem:s17+$0x3390]  }
0x1e3: {  	v47 =	vld [tilespmem:s17+$0x2D70];
	v53 =	vadd.f32 v61, v60;
	v38 =	vadd.f32 v63, v62;
	[tilespmem:s16+$0x550] =	vst v33  }
0x1e4: {  	v54 =	vld [tilespmem:s17+$0x2E60]  }
0x1e5: {  	v33 =	vadd.f32 v38, v53;
	v55 =	vld [tilespmem:s17+$0x2EE0]  }
0x1e6: {  	v56 =	vld [tilespmem:s17+$0x2F60]  }
0x1e7: {  	v58 =	vadd.f32 v50, v49;
	v34 =	vadd.f32 v52, v51;
	v57 =	vld [tilespmem:s17+$0x2FE0];
	[tilespmem:s16+$0x5D0] =	vst v33  }
0x1e8: {  	v59 =	vld [tilespmem:s17+$0x3060]  }
0x1e9: {  	v33 =	vadd.f32 v34, v58;
	v60 =	vld [tilespmem:s17+$0x30E0]  }
0x1ea: {  	v61 =	vld [tilespmem:s17+$0x3160]  }
0x1eb: {  	v0 =	vadd.f32 v1, v0;
	v7 =	vadd.f32 v9, v7;
	v63 =	vld [tilespmem:s17+$0x31E0];
	[tilespmem:s16+$0x610] =	vst v33  }
0x1ec: {  	v45 =	vld [tilespmem:s17+$0x3220];
	v41 =	vadd.f32 v55, v54;
	v44 =	vadd.f32 v57, v56  }
0x1ed: {  	v21 =	vadd.f32 v21, v20;
	v40 =	vadd.f32 v28, v26;
	v49 =	vld [tilespmem:s17+$0x32A0]  }
0x1ee: {  	v62 =	vadd.f32 v3, v2;
	v51 =	vld [tilespmem:s17+$0x3320];
	v3 =	vadd.f32 v44, v41  }
0x1ef: {  	v48 =	vadd.f32 v5, v4;
	v52 =	vadd.f32 v11, v10;
	v53 =	vld [tilespmem:s17+$0x33A0]  }
0x1f0: {  	v10 =	vld [tilespmem:s17+$0x2DF0];
	v54 =	vadd.f32 v60, v59;
	v2 =	vadd.f32 v63, v61;
	[tilespmem:s16+$0x560] =	vst v3  }
0x1f1: {  	v50 =	vadd.f32 v8, v6;
	v55 =	vadd.f32 v52, v7;
	v7 =	vld [tilespmem:s17+$0x2E70]  }
0x1f2: {  	v0 =	vadd.f32 v62, v0;
	v2 =	vadd.f32 v2, v54;
	v11 =	vld [tilespmem:s17+$0x2EF0]  }
0x1f3: {  	v1 =	vadd.f32 v50, v48;
	v58 =	vadd.f32 v17, v16;
	v59 =	vld [tilespmem:s17+$0x2F70]  }
0x1f4: {  	v61 =	vadd.f32 v49, v45;
	v62 =	vadd.f32 v53, v51;
	v60 =	vld [tilespmem:s17+$0x2FF0];
	[tilespmem:s16+$0x5E0] =	vst v2  }
0x1f5: {  	v34 =	vadd.f32 v23, v22;
	v50 =	vadd.f32 v30, v27;
	v33 =	vld [tilespmem:s17+$0x3070]  }
0x1f6: {  	v10 =	vadd.f32 v10, v47;
	v2 =	vadd.f32 v62, v61;
	v38 =	vld [tilespmem:s17+$0x30F0]  }
0x1f7: {  	v56 =	vadd.f32 v13, v12;
	v57 =	vadd.f32 v15, v14;
	v42 =	vld [tilespmem:s17+$0x3170]  }
0x1f8: {  	v52 =	vadd.f32 v36, v39;
	v63 =	vadd.f32 v19, v18;
	v43 =	vld [tilespmem:s17+$0x31F0];
	[tilespmem:s16+$0x620] =	vst v2  }
0x1f9: {  	[tilespmem:s16+$0x70] =	vst v0;
	v41 =	vadd.f32 v31, v29;
	v44 =	vadd.f32 v34, v21;
	v48 =	vld [tilespmem:s17+$0x3230]  }
0x1fa: {  	[tilespmem:s16+$0x170] =	vst v55;
	v55 =	vadd.f32 v46, v32;
	v3 =	vadd.f32 v57, v56;
	v51 =	vld [tilespmem:s17+$0x32B0]  }
0x1fb: {  	[tilespmem:s16+$0xF0] =	vst v1;
	v6 =	vadd.f32 v63, v58;
	v45 =	vadd.f32 v41, v40;
	v54 =	vld [tilespmem:s17+$0x3330]  }
0x1fc: {  	v49 =	vadd.f32 v25, v24;
	v53 =	vadd.f32 v35, v37;
	[tilespmem:s16+$0x2F0] =	vst v44;
	v56 =	vld [tilespmem:s17+$0x33B0]  }
0x1fd: {  	[tilespmem:s16+$0x1F0] =	vst v3;
	v57 =	vadd.f32 v11, v7;
	v58 =	vadd.f32 v60, v59  }
0x1fe: {  	[tilespmem:s16+$0x270] =	vst v6;
	v61 =	vadd.f32 v10, v55;
	v59 =	vadd.f32 v50, v49  }
0x1ff: {  	[tilespmem:s16+$0x370] =	vst v45;
	v60 =	vadd.f32 v53, v52;
	v62 =	vadd.f32 v58, v57  }
0x200: {  	[tilespmem:s16+$0x4F0] =	vst v61;
	v63 =	vadd.f32 v38, v33;
	v9 =	vadd.f32 v43, v42  }
0x201: {  	[tilespmem:s16+$0x3F0] =	vst v59;
	v10 =	vadd.f32 v51, v48;
	v11 =	vadd.f32 v56, v54  }
0x202: {  	[tilespmem:s16+$0x470] =	vst v60;
	v0 =	vadd.f32 v9, v63  }
0x203: {  	[tilespmem:s16+$0x570] =	vst v62;
	v1 =	vadd.f32 v11, v10  }
0x204: {  	[tilespmem:s16+$0x5F0] =	vst v0  }
0x205: {  	[tilespmem:s16+$0x630] =	vst v1  }
0x206: {  	v0 =	vld [tilespmem:s17+$0x3240]  }
0x207: {  	v12 =	vld [tilespmem:s17+$0x3400]  }
0x208: {  	v13 =	vld [tilespmem:s17+$0x3480]  }
0x209: {  	v14 =	vld [tilespmem:s17+$0x3500]  }
0x20a: {  	v15 =	vld [tilespmem:s17+$0x3580]  }
0x20b: {  	v16 =	vld [tilespmem:s17+$0x3600]  }
0x20c: {  	v17 =	vld [tilespmem:s17+$0x3680]  }
0x20d: {  	v18 =	vld [tilespmem:s17+$0x3700]  }
0x20e: {  	v19 =	vld [tilespmem:s17+$0x3780]  }
0x20f: {  	v1 =	vadd.f32 v13, v12;
	v20 =	vadd.f32 v15, v14;
	_ =	sdelay $0x1  }
0x210: {  	v1 =	vadd.f32 v20, v1;
	_ =	sdelay $0x1  }
0x211: {  	v21 =	vadd.f32 v17, v16;
	v22 =	vadd.f32 v19, v18;
	[tilespmem:s16+$0x680] =	vst v1  }
0x212: {  	v23 =	vld [tilespmem:s17+$0x3410]  }
0x213: {  	v1 =	vadd.f32 v22, v21;
	v24 =	vld [tilespmem:s17+$0x3490]  }
0x214: {  	v25 =	vld [tilespmem:s17+$0x3510]  }
0x215: {  	v26 =	vld [tilespmem:s17+$0x3590];
	[tilespmem:s16+$0x700] =	vst v1  }
0x216: {  	v1 =	vld [tilespmem:s17+$0x3610]  }
0x217: {  	v27 =	vld [tilespmem:s17+$0x3690]  }
0x218: {  	v28 =	vld [tilespmem:s17+$0x3710]  }
0x219: {  	v29 =	vld [tilespmem:s17+$0x3790]  }
0x21a: {  	v3 =	vadd.f32 v24, v23;
	v2 =	vadd.f32 v26, v25;
	_ =	sdelay $0x1  }
0x21b: {  	v30 =	vld [tilespmem:s17+$0x32C0];
	v2 =	vadd.f32 v2, v3  }
0x21c: {  	v31 =	vld [tilespmem:s17+$0x3340]  }
0x21d: {  	v32 =	vld [tilespmem:s17+$0x33C0];
	v1 =	vadd.f32 v27, v1;
	v33 =	vadd.f32 v29, v28;
	[tilespmem:s16+$0x690] =	vst v2  }
0x21e: {  	v34 =	vld [tilespmem:s17+$0x3420]  }
0x21f: {  	v1 =	vadd.f32 v33, v1;
	v35 =	vld [tilespmem:s17+$0x34A0]  }
0x220: {  	v36 =	vld [tilespmem:s17+$0x3520]  }
0x221: {  	v37 =	vld [tilespmem:s17+$0x35A0];
	[tilespmem:s16+$0x710] =	vst v1  }
0x222: {  	v39 =	vld [tilespmem:s17+$0x3620]  }
0x223: {  	v0 =	vadd.f32 v30, v0;
	v38 =	vadd.f32 v32, v31;
	v40 =	vld [tilespmem:s17+$0x36A0]  }
0x224: {  	v41 =	vld [tilespmem:s17+$0x3720]  }
0x225: {  	v0 =	vadd.f32 v38, v0;
	v42 =	vld [tilespmem:s17+$0x37A0]  }
0x226: {  	v43 =	vadd.f32 v35, v34;
	v2 =	vadd.f32 v37, v36;
	_ =	sdelay $0x1  }
0x227: {  	[tilespmem:s16+$0x640] =	vst v0;
	v0 =	vadd.f32 v2, v43  }
0x228: {  	v18 =	vld [tilespmem:s17+$0x3800]  }
0x229: {  	v19 =	vld [tilespmem:s17+$0x3880];
	v48 =	vadd.f32 v40, v39;
	v1 =	vadd.f32 v42, v41;
	[tilespmem:s16+$0x6A0] =	vst v0  }
0x22a: {  	v49 =	vld [tilespmem:s17+$0x3430]  }
0x22b: {  	v0 =	vadd.f32 v1, v48;
	v50 =	vld [tilespmem:s17+$0x34B0]  }
0x22c: {  	v51 =	vld [tilespmem:s17+$0x3530]  }
0x22d: {  	v52 =	vld [tilespmem:s17+$0x35B0];
	[tilespmem:s16+$0x720] =	vst v0  }
0x22e: {  	v0 =	vld [tilespmem:s17+$0x3630]  }
0x22f: {  	v53 =	vld [tilespmem:s17+$0x36B0]  }
0x230: {  	v54 =	vld [tilespmem:s17+$0x3730]  }
0x231: {  	v55 =	vld [tilespmem:s17+$0x37B0]  }
0x232: {  	v20 =	vld [tilespmem:s17+$0x3900];
	v3 =	vadd.f32 v50, v49;
	v1 =	vadd.f32 v52, v51  }
0x233: {  	v44 =	vld [tilespmem:s17+$0x3250]  }
0x234: {  	v45 =	vld [tilespmem:s17+$0x32D0];
	v1 =	vadd.f32 v1, v3  }
0x235: {  	v46 =	vld [tilespmem:s17+$0x3350]  }
0x236: {  	v47 =	vld [tilespmem:s17+$0x33D0];
	v0 =	vadd.f32 v53, v0;
	v58 =	vadd.f32 v55, v54;
	[tilespmem:s16+$0x6B0] =	vst v1  }
0x237: {  	v59 =	vld [tilespmem:s17+$0x3440]  }
0x238: {  	v0 =	vadd.f32 v58, v0;
	v60 =	vld [tilespmem:s17+$0x34C0]  }
0x239: {  	v61 =	vld [tilespmem:s17+$0x3540]  }
0x23a: {  	v62 =	vld [tilespmem:s17+$0x35C0];
	[tilespmem:s16+$0x730] =	vst v0  }
0x23b: {  	v6 =	vadd.f32 v45, v44;
	v2 =	vadd.f32 v47, v46;
	v0 =	vld [tilespmem:s17+$0x3640]  }
0x23c: {  	v63 =	vld [tilespmem:s17+$0x36C0]  }
0x23d: {  	v2 =	vadd.f32 v2, v6;
	v16 =	vld [tilespmem:s17+$0x3740]  }
0x23e: {  	v17 =	vld [tilespmem:s17+$0x37C0]  }
0x23f: {  	v21 =	vld [tilespmem:s17+$0x3980];
	[tilespmem:s16+$0x650] =	vst v2;
	v5 =	vadd.f32 v60, v59;
	v1 =	vadd.f32 v62, v61  }
0x240: {  	v2 =	vld [tilespmem:s17+$0x3260]  }
0x241: {  	v56 =	vld [tilespmem:s17+$0x32E0];
	v1 =	vadd.f32 v1, v5  }
0x242: {  	v57 =	vld [tilespmem:s17+$0x3360]  }
0x243: {  	v22 =	vld [tilespmem:s17+$0x33E0];
	v0 =	vadd.f32 v63, v0;
	v23 =	vadd.f32 v17, v16;
	[tilespmem:s16+$0x6C0] =	vst v1  }
0x244: {  	v24 =	vld [tilespmem:s17+$0x3450]  }
0x245: {  	v0 =	vadd.f32 v23, v0;
	v25 =	vld [tilespmem:s17+$0x34D0]  }
0x246: {  	v26 =	vld [tilespmem:s17+$0x3550]  }
0x247: {  	v28 =	vadd.f32 v19, v18;
	v5 =	vadd.f32 v21, v20;
	v27 =	vld [tilespmem:s17+$0x35D0];
	[tilespmem:s16+$0x740] =	vst v0  }
0x248: {  	v29 =	vld [tilespmem:s17+$0x3650]  }
0x249: {  	v0 =	vadd.f32 v5, v28;
	v30 =	vld [tilespmem:s17+$0x36D0]  }
0x24a: {  	v31 =	vld [tilespmem:s17+$0x3750]  }
0x24b: {  	v2 =	vadd.f32 v56, v2;
	v32 =	vadd.f32 v22, v57;
	v33 =	vld [tilespmem:s17+$0x37D0];
	[tilespmem:s16+$0x780] =	vst v0  }
0x24c: {  	v35 =	vld [tilespmem:s17+$0x3810]  }
0x24d: {  	v2 =	vadd.f32 v32, v2;
	v36 =	vld [tilespmem:s17+$0x3890]  }
0x24e: {  	v37 =	vld [tilespmem:s17+$0x3910];
	v34 =	vadd.f32 v25, v24;
	v1 =	vadd.f32 v27, v26  }
0x24f: {  	v38 =	vld [tilespmem:s17+$0x3990]  }
0x250: {  	v22 =	vld [tilespmem:s17+$0x3B80];
	[tilespmem:s16+$0x660] =	vst v2;
	v1 =	vadd.f32 v1, v34  }
0x251: {  	v3 =	vld [tilespmem:s17+$0x3370];
	v39 =	vadd.f32 v30, v29;
	v4 =	vadd.f32 v33, v31  }
0x252: {  	v8 =	vld [tilespmem:s17+$0x33F0]  }
0x253: {  	v62 =	vld [tilespmem:s17+$0x3A00];
	[tilespmem:s16+$0x6D0] =	vst v1;
	v1 =	vadd.f32 v4, v39  }
0x254: {  	v63 =	vld [tilespmem:s17+$0x3A80];
	v44 =	vadd.f32 v36, v35;
	v2 =	vadd.f32 v38, v37  }
0x255: {  	v21 =	vld [tilespmem:s17+$0x3B00]  }
0x256: {  	v0 =	vld [tilespmem:s17+$0x3270];
	[tilespmem:s16+$0x750] =	vst v1;
	v1 =	vadd.f32 v2, v44  }
0x257: {  	v24 =	vld [tilespmem:s17+$0x3C00]  }
0x258: {  	v25 =	vld [tilespmem:s17+$0x3C80];
	[tilespmem:s16+$0x790] =	vst v1  }
0x259: {  	v49 =	vld [tilespmem:s17+$0x3820]  }
0x25a: {  	v50 =	vld [tilespmem:s17+$0x38A0]  }
0x25b: {  	v53 =	vld [tilespmem:s17+$0x3920]  }
0x25c: {  	v54 =	vld [tilespmem:s17+$0x39A0]  }
0x25d: {  	v26 =	vld [tilespmem:s17+$0x3D00]  }
0x25e: {  	v40 =	vld [tilespmem:s17+$0x3460]  }
0x25f: {  	v41 =	vld [tilespmem:s17+$0x34E0]  }
0x260: {  	v42 =	vld [tilespmem:s17+$0x3560]  }
0x261: {  	v43 =	vld [tilespmem:s17+$0x35E0];
	v57 =	vadd.f32 v50, v49;
	v58 =	vadd.f32 v54, v53  }
0x262: {  	v45 =	vld [tilespmem:s17+$0x3660]  }
0x263: {  	v46 =	vld [tilespmem:s17+$0x36E0];
	v10 =	vadd.f32 v58, v57  }
0x264: {  	v47 =	vld [tilespmem:s17+$0x3760]  }
0x265: {  	v48 =	vld [tilespmem:s17+$0x37E0];
	[tilespmem:s16+$0x7A0] =	vst v10  }
0x266: {  	v10 =	vld [tilespmem:s17+$0x3830]  }
0x267: {  	v51 =	vadd.f32 v41, v40;
	v52 =	vadd.f32 v43, v42;
	v59 =	vld [tilespmem:s17+$0x38B0]  }
0x268: {  	v60 =	vld [tilespmem:s17+$0x3930]  }
0x269: {  	v1 =	vadd.f32 v52, v51;
	v61 =	vld [tilespmem:s17+$0x39B0]  }
0x26a: {  	v27 =	vld [tilespmem:s17+$0x3D80]  }
0x26b: {  	v2 =	vld [tilespmem:s17+$0x32F0];
	[tilespmem:s16+$0x6E0] =	vst v1  }
0x26c: {  	v1 =	vld [tilespmem:s17+$0x3470]  }
0x26d: {  	v55 =	vadd.f32 v46, v45;
	v56 =	vadd.f32 v48, v47;
	v4 =	vld [tilespmem:s17+$0x34F0]  }
0x26e: {  	v5 =	vld [tilespmem:s17+$0x3570];
	v10 =	vadd.f32 v59, v10;
	v23 =	vadd.f32 v61, v60  }
0x26f: {  	v7 =	vadd.f32 v56, v55;
	v6 =	vld [tilespmem:s17+$0x35F0]  }
0x270: {  	v57 =	vld [tilespmem:s17+$0x3E00];
	v11 =	vadd.f32 v23, v10  }
0x271: {  	[tilespmem:s16+$0x760] =	vst v7;
	v58 =	vld [tilespmem:s17+$0x3E80]  }
0x272: {  	v28 =	vadd.f32 v63, v62;
	v29 =	vadd.f32 v22, v21;
	v7 =	vld [tilespmem:s17+$0x3670];
	[tilespmem:s16+$0x7B0] =	vst v11  }
0x273: {  	v30 =	vld [tilespmem:s17+$0x3840]  }
0x274: {  	v11 =	vadd.f32 v29, v28;
	v31 =	vld [tilespmem:s17+$0x38C0]  }
0x275: {  	v32 =	vld [tilespmem:s17+$0x3940]  }
0x276: {  	v34 =	vadd.f32 v25, v24;
	v35 =	vadd.f32 v27, v26;
	v33 =	vld [tilespmem:s17+$0x39C0];
	[tilespmem:s16+$0x800] =	vst v11  }
0x277: {  	v36 =	vld [tilespmem:s17+$0x3A10]  }
0x278: {  	v11 =	vadd.f32 v35, v34;
	v37 =	vld [tilespmem:s17+$0x3A90]  }
0x279: {  	v38 =	vld [tilespmem:s17+$0x3B10]  }
0x27a: {  	v39 =	vld [tilespmem:s17+$0x3B90];
	[tilespmem:s16+$0x880] =	vst v11  }
0x27b: {  	v41 =	vld [tilespmem:s17+$0x3C10];
	v40 =	vadd.f32 v31, v30;
	v14 =	vadd.f32 v33, v32  }
0x27c: {  	v42 =	vld [tilespmem:s17+$0x3C90]  }
0x27d: {  	v43 =	vld [tilespmem:s17+$0x3D10];
	v14 =	vadd.f32 v14, v40  }
0x27e: {  	v44 =	vld [tilespmem:s17+$0x3D90]  }
0x27f: {  	v9 =	vld [tilespmem:s17+$0x36F0];
	v13 =	vadd.f32 v37, v36;
	v12 =	vadd.f32 v39, v38;
	[tilespmem:s16+$0x7C0] =	vst v14  }
0x280: {  	v14 =	vld [tilespmem:s17+$0x3850]  }
0x281: {  	v12 =	vadd.f32 v12, v13;
	v45 =	vld [tilespmem:s17+$0x38D0]  }
0x282: {  	v46 =	vld [tilespmem:s17+$0x3950]  }
0x283: {  	v48 =	vadd.f32 v42, v41;
	v49 =	vadd.f32 v44, v43;
	v47 =	vld [tilespmem:s17+$0x39D0];
	[tilespmem:s16+$0x810] =	vst v12  }
0x284: {  	v50 =	vld [tilespmem:s17+$0x3A20]  }
0x285: {  	v12 =	vadd.f32 v49, v48;
	v51 =	vld [tilespmem:s17+$0x3AA0]  }
0x286: {  	v52 =	vld [tilespmem:s17+$0x3B20]  }
0x287: {  	v53 =	vld [tilespmem:s17+$0x3BA0];
	[tilespmem:s16+$0x890] =	vst v12  }
0x288: {  	v12 =	vld [tilespmem:s17+$0x3C20]  }
0x289: {  	v54 =	vld [tilespmem:s17+$0x3CA0];
	v14 =	vadd.f32 v45, v14;
	v13 =	vadd.f32 v47, v46  }
0x28a: {  	v55 =	vld [tilespmem:s17+$0x3D20]  }
0x28b: {  	v56 =	vld [tilespmem:s17+$0x3DA0];
	v13 =	vadd.f32 v13, v14  }
0x28c: {  	v59 =	vld [tilespmem:s17+$0x3F00];
	v16 =	vadd.f32 v51, v50;
	v15 =	vadd.f32 v53, v52  }
0x28d: {  	v60 =	vld [tilespmem:s17+$0x3F80];
	[tilespmem:s16+$0x7D0] =	vst v13  }
0x28e: {  	v15 =	vadd.f32 v15, v16;
	v19 =	vld [tilespmem:s17+$0x3860]  }
0x28f: {  	v22 =	vld [tilespmem:s17+$0x38E0]  }
0x290: {  	v12 =	vadd.f32 v54, v12;
	v61 =	vadd.f32 v56, v55;
	v51 =	vld [tilespmem:s17+$0x3960];
	[tilespmem:s16+$0x820] =	vst v15  }
0x291: {  	v62 =	vld [tilespmem:s17+$0x3A30]  }
0x292: {  	v12 =	vadd.f32 v61, v12;
	v63 =	vld [tilespmem:s17+$0x3AB0]  }
0x293: {  	v24 =	vld [tilespmem:s17+$0x3B30]  }
0x294: {  	v26 =	vadd.f32 v58, v57;
	v13 =	vadd.f32 v60, v59;
	v25 =	vld [tilespmem:s17+$0x3BB0];
	[tilespmem:s16+$0x8A0] =	vst v12  }
0x295: {  	v27 =	vld [tilespmem:s17+$0x3C30]  }
0x296: {  	v12 =	vadd.f32 v13, v26;
	v28 =	vld [tilespmem:s17+$0x3CB0]  }
0x297: {  	v29 =	vld [tilespmem:s17+$0x3D30]  }
0x298: {  	v30 =	vld [tilespmem:s17+$0x3DB0];
	[tilespmem:s16+$0x900] =	vst v12  }
0x299: {  	v32 =	vld [tilespmem:s17+$0x3E10];
	v31 =	vadd.f32 v63, v62;
	v15 =	vadd.f32 v25, v24  }
0x29a: {  	v33 =	vld [tilespmem:s17+$0x3E90]  }
0x29b: {  	v34 =	vld [tilespmem:s17+$0x3F10];
	v12 =	vadd.f32 v15, v31  }
0x29c: {  	v35 =	vld [tilespmem:s17+$0x3F90]  }
0x29d: {  	v36 =	vadd.f32 v28, v27;
	v13 =	vadd.f32 v30, v29;
	v31 =	vld [tilespmem:s17+$0x39E0];
	[tilespmem:s16+$0x830] =	vst v12  }
0x29e: {  	v37 =	vld [tilespmem:s17+$0x3A40]  }
0x29f: {  	v12 =	vadd.f32 v13, v36;
	v38 =	vld [tilespmem:s17+$0x3AC0]  }
0x2a0: {  	v39 =	vld [tilespmem:s17+$0x3B40]  }
0x2a1: {  	v41 =	vadd.f32 v33, v32;
	v15 =	vadd.f32 v35, v34;
	v40 =	vld [tilespmem:s17+$0x3BC0];
	[tilespmem:s16+$0x8B0] =	vst v12  }
0x2a2: {  	v42 =	vld [tilespmem:s17+$0x3C40]  }
0x2a3: {  	v12 =	vadd.f32 v15, v41;
	v43 =	vld [tilespmem:s17+$0x3CC0]  }
0x2a4: {  	v44 =	vld [tilespmem:s17+$0x3D40]  }
0x2a5: {  	v45 =	vld [tilespmem:s17+$0x3DC0];
	[tilespmem:s16+$0x910] =	vst v12  }
0x2a6: {  	v47 =	vld [tilespmem:s17+$0x3E20]  }
0x2a7: {  	v48 =	vld [tilespmem:s17+$0x3EA0];
	v46 =	vadd.f32 v38, v37;
	v13 =	vadd.f32 v40, v39  }
0x2a8: {  	v49 =	vld [tilespmem:s17+$0x3F20]  }
0x2a9: {  	v50 =	vld [tilespmem:s17+$0x3FA0];
	v12 =	vadd.f32 v13, v46  }
0x2aa: {  	v10 =	vld [tilespmem:s17+$0x3770]  }
0x2ab: {  	v11 =	vld [tilespmem:s17+$0x37F0];
	v52 =	vadd.f32 v43, v42;
	v15 =	vadd.f32 v45, v44;
	[tilespmem:s16+$0x840] =	vst v12  }
0x2ac: {  	v41 =	vadd.f32 v22, v19;
	v53 =	vld [tilespmem:s17+$0x3A50]  }
0x2ad: {  	v42 =	vadd.f32 v31, v51;
	v12 =	vadd.f32 v15, v52;
	v54 =	vld [tilespmem:s17+$0x3AD0]  }
0x2ae: {  	v57 =	vadd.f32 v48, v47;
	v13 =	vadd.f32 v50, v49;
	v55 =	vld [tilespmem:s17+$0x3B50]  }
0x2af: {  	v45 =	vadd.f32 v42, v41;
	v56 =	vld [tilespmem:s17+$0x3BD0]  }
0x2b0: {  	[tilespmem:s16+$0x8C0] =	vst v12;
	v12 =	vadd.f32 v13, v57;
	v57 =	vld [tilespmem:s17+$0x4180]  }
0x2b1: {  	[tilespmem:s16+$0x7E0] =	vst v45;
	v45 =	vld [tilespmem:s17+$0x4480]  }
0x2b2: {  	v58 =	vld [tilespmem:s17+$0x3C50]  }
0x2b3: {  	v59 =	vld [tilespmem:s17+$0x3CD0]  }
0x2b4: {  	v60 =	vld [tilespmem:s17+$0x3D50]  }
0x2b5: {  	v61 =	vld [tilespmem:s17+$0x3DD0]  }
0x2b6: {  	v14 =	vld [tilespmem:s17+$0x38F0];
	[tilespmem:s16+$0x920] =	vst v12  }
0x2b7: {  	v63 =	vld [tilespmem:s17+$0x3E30]  }
0x2b8: {  	v28 =	vld [tilespmem:s17+$0x3EB0]  }
0x2b9: {  	v29 =	vld [tilespmem:s17+$0x3F30]  }
0x2ba: {  	v30 =	vld [tilespmem:s17+$0x3FB0]  }
0x2bb: {  	v62 =	vadd.f32 v54, v53;
	v54 =	vld [tilespmem:s17+$0x4000]  }
0x2bc: {  	v15 =	vadd.f32 v56, v55;
	v55 =	vld [tilespmem:s17+$0x4080]  }
0x2bd: {  	v56 =	vld [tilespmem:s17+$0x4100]  }
0x2be: {  	v32 =	vadd.f32 v59, v58;
	v58 =	vld [tilespmem:s17+$0x4200]  }
0x2bf: {  	v12 =	vadd.f32 v15, v62;
	v13 =	vadd.f32 v61, v60;
	v60 =	vld [tilespmem:s17+$0x4280]  }
0x2c0: {  	v61 =	vld [tilespmem:s17+$0x4300]  }
0x2c1: {  	[tilespmem:s16+$0x850] =	vst v12;
	v37 =	vadd.f32 v28, v63;
	v63 =	vld [tilespmem:s17+$0x4380]  }
0x2c2: {  	v33 =	vld [tilespmem:s17+$0x3A60]  }
0x2c3: {  	v34 =	vld [tilespmem:s17+$0x3AE0]  }
0x2c4: {  	v12 =	vadd.f32 v13, v32;
	v15 =	vadd.f32 v30, v29;
	v35 =	vld [tilespmem:s17+$0x3B60]  }
0x2c5: {  	v36 =	vld [tilespmem:s17+$0x3BE0]  }
0x2c6: {  	[tilespmem:s16+$0x8D0] =	vst v12;
	v12 =	vadd.f32 v15, v37;
	v15 =	vld [tilespmem:s17+$0x39F0]  }
0x2c7: {  	v38 =	vld [tilespmem:s17+$0x3C60]  }
0x2c8: {  	v39 =	vld [tilespmem:s17+$0x3CE0]  }
0x2c9: {  	v40 =	vld [tilespmem:s17+$0x3D60]  }
0x2ca: {  	v43 =	vld [tilespmem:s17+$0x3DE0];
	[tilespmem:s16+$0x930] =	vst v12  }
0x2cb: {  	v44 =	vld [tilespmem:s17+$0x3E40]  }
0x2cc: {  	v46 =	vld [tilespmem:s17+$0x3EC0]  }
0x2cd: {  	v47 =	vld [tilespmem:s17+$0x3F40]  }
0x2ce: {  	v49 =	vld [tilespmem:s17+$0x3FC0];
	v48 =	vadd.f32 v34, v33;
	v13 =	vadd.f32 v36, v35  }
0x2cf: {  	v12 =	vld [tilespmem:s17+$0x3870]  }
0x2d0: {  	v17 =	vadd.f32 v13, v48;
	v13 =	vld [tilespmem:s17+$0x3970]  }
0x2d1: {  	v19 =	vadd.f32 v46, v44;
	v44 =	vld [tilespmem:s17+$0x4400]  }
0x2d2: {  	v25 =	vadd.f32 v55, v54;
	v46 =	vld [tilespmem:s17+$0x4500]  }
0x2d3: {  	v35 =	vadd.f32 v57, v56;
	[tilespmem:s16+$0x860] =	vst v17;
	v50 =	vadd.f32 v49, v47;
	v47 =	vld [tilespmem:s17+$0x4580]  }
0x2d4: {  	v18 =	vadd.f32 v39, v38;
	v17 =	vld [tilespmem:s17+$0x3A70]  }
0x2d5: {  	v21 =	vadd.f32 v43, v40;
	v25 =	vadd.f32 v35, v25;
	v20 =	vld [tilespmem:s17+$0x3AF0]  }
0x2d6: {  	v24 =	vadd.f32 v60, v58;
	v16 =	vld [tilespmem:s17+$0x3B70]  }
0x2d7: {  	v36 =	vadd.f32 v63, v61;
	v21 =	vadd.f32 v21, v18;
	[tilespmem:s16+$0x980] =	vst v25;
	v18 =	vld [tilespmem:s17+$0x3BF0]  }
0x2d8: {  	v37 =	vld [tilespmem:s17+$0x4010]  }
0x2d9: {  	v24 =	vadd.f32 v36, v24;
	v38 =	vld [tilespmem:s17+$0x4090]  }
0x2da: {  	v39 =	vld [tilespmem:s17+$0x4110]  }
0x2db: {  	[tilespmem:s16+$0xA00] =	vst v24;
	v40 =	vld [tilespmem:s17+$0x4190]  }
0x2dc: {  	v24 =	vld [tilespmem:s17+$0x4210]  }
0x2dd: {  	v41 =	vld [tilespmem:s17+$0x4290];
	v22 =	vadd.f32 v50, v19  }
0x2de: {  	v42 =	vld [tilespmem:s17+$0x4310]  }
0x2df: {  	v43 =	vld [tilespmem:s17+$0x4390];
	[tilespmem:s16+$0x940] =	vst v22  }
0x2e0: {  	v51 =	vld [tilespmem:s17+$0x3E50]  }
0x2e1: {  	[tilespmem:s16+$0x8E0] =	vst v21;
	v22 =	vld [tilespmem:s17+$0x3ED0]  }
0x2e2: {  	v19 =	vld [tilespmem:s17+$0x3C70];
	v28 =	vadd.f32 v38, v37;
	v25 =	vadd.f32 v40, v39  }
0x2e3: {  	v23 =	vld [tilespmem:s17+$0x3DF0]  }
0x2e4: {  	v52 =	vld [tilespmem:s17+$0x3F50];
	v25 =	vadd.f32 v25, v28  }
0x2e5: {  	v53 =	vld [tilespmem:s17+$0x3FD0];
	v24 =	vadd.f32 v41, v24  }
0x2e6: {  	v48 =	vadd.f32 v43, v42;
	v21 =	vadd.f32 v22, v51;
	v22 =	vld [tilespmem:s17+$0x3D70];
	[tilespmem:s16+$0x990] =	vst v25  }
0x2e7: {  	v49 =	vld [tilespmem:s17+$0x4020]  }
0x2e8: {  	v24 =	vadd.f32 v48, v24;
	v50 =	vld [tilespmem:s17+$0x40A0]  }
0x2e9: {  	v51 =	vld [tilespmem:s17+$0x4120]  }
0x2ea: {  	v59 =	vadd.f32 v53, v52;
	[tilespmem:s16+$0xA10] =	vst v24;
	v52 =	vld [tilespmem:s17+$0x41A0]  }
0x2eb: {  	v54 =	vld [tilespmem:s17+$0x4220]  }
0x2ec: {  	v55 =	vld [tilespmem:s17+$0x42A0]  }
0x2ed: {  	v56 =	vld [tilespmem:s17+$0x4320];
	v62 =	vadd.f32 v59, v21  }
0x2ee: {  	v28 =	vadd.f32 v47, v46;
	v53 =	vadd.f32 v45, v44;
	v57 =	vld [tilespmem:s17+$0x43A0]  }
0x2ef: {  	v21 =	vld [tilespmem:s17+$0x3CF0];
	[tilespmem:s16+$0x950] =	vst v62  }
0x2f0: {  	v24 =	vadd.f32 v28, v53;
	v26 =	vld [tilespmem:s17+$0x3E60]  }
0x2f1: {  	v27 =	vld [tilespmem:s17+$0x3EE0]  }
0x2f2: {  	[tilespmem:s16+$0xA80] =	vst v24;
	v35 =	vld [tilespmem:s17+$0x3F60]  }
0x2f3: {  	v59 =	vld [tilespmem:s17+$0x4410];
	v58 =	vadd.f32 v50, v49;
	v25 =	vadd.f32 v52, v51  }
0x2f4: {  	v60 =	vld [tilespmem:s17+$0x4490]  }
0x2f5: {  	v61 =	vld [tilespmem:s17+$0x4510];
	v24 =	vadd.f32 v25, v58  }
0x2f6: {  	v62 =	vld [tilespmem:s17+$0x4590]  }
0x2f7: {  	v63 =	vld [tilespmem:s17+$0x3FE0];
	v39 =	vadd.f32 v55, v54;
	v28 =	vadd.f32 v57, v56;
	[tilespmem:s16+$0x9A0] =	vst v24  }
0x2f8: {  	v40 =	vld [tilespmem:s17+$0x4030]  }
0x2f9: {  	v24 =	vadd.f32 v28, v39;
	v41 =	vld [tilespmem:s17+$0x40B0]  }
0x2fa: {  	v42 =	vld [tilespmem:s17+$0x4130]  }
0x2fb: {  	v44 =	vadd.f32 v60, v59;
	v25 =	vadd.f32 v62, v61;
	v43 =	vld [tilespmem:s17+$0x41B0];
	[tilespmem:s16+$0xA20] =	vst v24  }
0x2fc: {  	v45 =	vld [tilespmem:s17+$0x4230]  }
0x2fd: {  	v24 =	vadd.f32 v25, v44;
	v46 =	vld [tilespmem:s17+$0x42B0]  }
0x2fe: {  	v26 =	vadd.f32 v27, v26;
	v48 =	vadd.f32 v63, v35;
	v47 =	vld [tilespmem:s17+$0x4330]  }
0x2ff: {  	v49 =	vld [tilespmem:s17+$0x43B0];
	[tilespmem:s16+$0xA90] =	vst v24  }
0x300: {  	v26 =	vadd.f32 v48, v26;
	v51 =	vld [tilespmem:s17+$0x4420]  }
0x301: {  	v52 =	vld [tilespmem:s17+$0x44A0];
	v50 =	vadd.f32 v41, v40;
	v28 =	vadd.f32 v43, v42  }
0x302: {  	v53 =	vld [tilespmem:s17+$0x4520]  }
0x303: {  	[tilespmem:s16+$0x960] =	vst v26;
	v54 =	vld [tilespmem:s17+$0x45A0];
	v28 =	vadd.f32 v28, v50  }
0x304: {  	v24 =	vld [tilespmem:s17+$0x3E70]  }
0x305: {  	v34 =	vld [tilespmem:s17+$0x3FF0];
	v55 =	vadd.f32 v46, v45;
	v25 =	vadd.f32 v49, v47;
	[tilespmem:s16+$0x9B0] =	vst v28  }
0x306: {  	v56 =	vld [tilespmem:s17+$0x4040]  }
0x307: {  	v25 =	vadd.f32 v25, v55;
	v57 =	vld [tilespmem:s17+$0x40C0]  }
0x308: {  	v58 =	vld [tilespmem:s17+$0x4140]  }
0x309: {  	v59 =	vld [tilespmem:s17+$0x41C0];
	[tilespmem:s16+$0xA30] =	vst v25  }
0x30a: {  	v60 =	vadd.f32 v52, v51;
	v26 =	vadd.f32 v54, v53;
	v61 =	vld [tilespmem:s17+$0x4240]  }
0x30b: {  	v62 =	vld [tilespmem:s17+$0x42C0]  }
0x30c: {  	v25 =	vadd.f32 v26, v60;
	v63 =	vld [tilespmem:s17+$0x4340]  }
0x30d: {  	v36 =	vld [tilespmem:s17+$0x43C0]  }
0x30e: {  	[tilespmem:s16+$0xAA0] =	vst v25;
	v25 =	vld [tilespmem:s17+$0x3EF0];
	v37 =	vadd.f32 v57, v56;
	v28 =	vadd.f32 v59, v58  }
0x30f: {  	v38 =	vld [tilespmem:s17+$0x4430]  }
0x310: {  	v39 =	vld [tilespmem:s17+$0x44B0];
	v28 =	vadd.f32 v28, v37  }
0x311: {  	v40 =	vld [tilespmem:s17+$0x4530]  }
0x312: {  	v41 =	vld [tilespmem:s17+$0x45B0];
	v27 =	vadd.f32 v62, v61;
	v26 =	vadd.f32 v36, v63;
	[tilespmem:s16+$0x9C0] =	vst v28  }
0x313: {  	v28 =	vld [tilespmem:s17+$0x4050]  }
0x314: {  	v26 =	vadd.f32 v26, v27;
	v42 =	vld [tilespmem:s17+$0x40D0]  }
0x315: {  	v43 =	vld [tilespmem:s17+$0x4150]  }
0x316: {  	v44 =	vld [tilespmem:s17+$0x41D0];
	[tilespmem:s16+$0xA40] =	vst v26  }
0x317: {  	v45 =	vadd.f32 v39, v38;
	v46 =	vadd.f32 v41, v40;
	v47 =	vld [tilespmem:s17+$0x4250]  }
0x318: {  	v48 =	vld [tilespmem:s17+$0x42D0]  }
0x319: {  	v26 =	vadd.f32 v46, v45;
	v49 =	vld [tilespmem:s17+$0x4350]  }
0x31a: {  	v50 =	vld [tilespmem:s17+$0x43D0]  }
0x31b: {  	[tilespmem:s16+$0xAB0] =	vst v26;
	v26 =	vld [tilespmem:s17+$0x3F70]  }
0x31c: {  	v52 =	vld [tilespmem:s17+$0x4440]  }
0x31d: {  	v53 =	vld [tilespmem:s17+$0x44C0]  }
0x31e: {  	v54 =	vld [tilespmem:s17+$0x4540]  }
0x31f: {  	v55 =	vld [tilespmem:s17+$0x45C0];
	v51 =	vadd.f32 v42, v28;
	v27 =	vadd.f32 v44, v43  }
0x320: {  	v31 =	vadd.f32 v50, v49;
	v50 =	vld [tilespmem:s17+$0x4600]  }
0x321: {  	v27 =	vadd.f32 v27, v51;
	v51 =	vld [tilespmem:s17+$0x4680]  }
0x322: {  	v61 =	vadd.f32 v53, v52;
	v52 =	vld [tilespmem:s17+$0x4700]  }
0x323: {  	v53 =	vld [tilespmem:s17+$0x4780]  }
0x324: {  	v56 =	vadd.f32 v48, v47;
	v62 =	vadd.f32 v55, v54;
	v54 =	vld [tilespmem:s17+$0x4800]  }
0x325: {  	v55 =	vld [tilespmem:s17+$0x4880]  }
0x326: {  	[tilespmem:s16+$0x9D0] =	vst v27;
	v27 =	vadd.f32 v31, v56;
	v56 =	vld [tilespmem:s17+$0x4900]  }
0x327: {  	v57 =	vld [tilespmem:s17+$0x4060]  }
0x328: {  	v58 =	vld [tilespmem:s17+$0x40E0]  }
0x329: {  	v59 =	vld [tilespmem:s17+$0x4160]  }
0x32a: {  	v60 =	vld [tilespmem:s17+$0x41E0]  }
0x32b: {  	[tilespmem:s16+$0xA50] =	vst v27;
	v27 =	vadd.f32 v62, v61;
	v61 =	vld [tilespmem:s17+$0x4B00]  }
0x32c: {  	v62 =	vld [tilespmem:s17+$0x4B80]  }
0x32d: {  	v63 =	vld [tilespmem:s17+$0x4260]  }
0x32e: {  	v40 =	vld [tilespmem:s17+$0x42E0]  }
0x32f: {  	v41 =	vld [tilespmem:s17+$0x4360]  }
0x330: {  	v42 =	vld [tilespmem:s17+$0x43E0];
	[tilespmem:s16+$0xAC0] =	vst v27  }
0x331: {  	v44 =	vld [tilespmem:s17+$0x4450]  }
0x332: {  	v45 =	vld [tilespmem:s17+$0x44D0]  }
0x333: {  	v46 =	vld [tilespmem:s17+$0x4550];
	v43 =	vadd.f32 v58, v57;
	v31 =	vadd.f32 v60, v59  }
0x334: {  	v47 =	vld [tilespmem:s17+$0x45D0]  }
0x335: {  	v57 =	vld [tilespmem:s17+$0x4980];
	v27 =	vadd.f32 v31, v43  }
0x336: {  	v59 =	vld [tilespmem:s17+$0x4A00]  }
0x337: {  	v37 =	vadd.f32 v51, v50;
	v58 =	vadd.f32 v53, v52;
	v60 =	vld [tilespmem:s17+$0x4A80];
	[tilespmem:s16+$0x9E0] =	vst v27  }
0x338: {  	v29 =	vadd.f32 v40, v63;
	v48 =	vadd.f32 v42, v41;
	v27 =	vld [tilespmem:s17+$0x4070]  }
0x339: {  	v37 =	vadd.f32 v58, v37;
	v28 =	vld [tilespmem:s17+$0x40F0]  }
0x33a: {  	v35 =	vadd.f32 v48, v29;
	v29 =	vld [tilespmem:s17+$0x4170]  }
0x33b: {  	[tilespmem:s16+$0xB00] =	vst v37;
	v30 =	vld [tilespmem:s17+$0x41F0]  }
0x33c: {  	v48 =	vld [tilespmem:s17+$0x4610]  }
0x33d: {  	v33 =	vadd.f32 v45, v44;
	v49 =	vadd.f32 v47, v46;
	v50 =	vld [tilespmem:s17+$0x4710]  }
0x33e: {  	v51 =	vld [tilespmem:s17+$0x4790]  }
0x33f: {  	[tilespmem:s16+$0xA60] =	vst v35;
	v36 =	vadd.f32 v49, v33;
	v49 =	vld [tilespmem:s17+$0x4690]  }
0x340: {  	v31 =	vld [tilespmem:s17+$0x4270]  }
0x341: {  	v63 =	vadd.f32 v55, v54;
	v47 =	vadd.f32 v57, v56;
	v32 =	vld [tilespmem:s17+$0x42F0]  }
0x342: {  	v33 =	vld [tilespmem:s17+$0x4370]  }
0x343: {  	v35 =	vld [tilespmem:s17+$0x43F0];
	v37 =	vadd.f32 v47, v63;
	[tilespmem:s16+$0xAD0] =	vst v36  }
0x344: {  	v36 =	vld [tilespmem:s17+$0x4460]  }
0x345: {  	v38 =	vadd.f32 v62, v61;
	v52 =	vadd.f32 v60, v59;
	v46 =	vld [tilespmem:s17+$0x44E0];
	[tilespmem:s16+$0xB80] =	vst v37  }
0x346: {  	v53 =	vld [tilespmem:s17+$0x4810]  }
0x347: {  	v37 =	vadd.f32 v38, v52;
	v54 =	vld [tilespmem:s17+$0x4890]  }
0x348: {  	v55 =	vld [tilespmem:s17+$0x4910]  }
0x349: {  	v56 =	vld [tilespmem:s17+$0x4990];
	[tilespmem:s16+$0xC00] =	vst v37  }
0x34a: {  	v41 =	vadd.f32 v51, v50;
	v57 =	vadd.f32 v49, v48;
	v58 =	vld [tilespmem:s17+$0x4A10]  }
0x34b: {  	v59 =	vld [tilespmem:s17+$0x4A90]  }
0x34c: {  	v60 =	vld [tilespmem:s17+$0x4B10];
	v37 =	vadd.f32 v41, v57  }
0x34d: {  	v61 =	vld [tilespmem:s17+$0x4B90]  }
0x34e: {  	v47 =	vld [tilespmem:s17+$0x4560];
	[tilespmem:s16+$0xB10] =	vst v37;
	v62 =	vadd.f32 v54, v53;
	v38 =	vadd.f32 v56, v55  }
0x34f: {  	v63 =	vld [tilespmem:s17+$0x4620]  }
0x350: {  	v48 =	vld [tilespmem:s17+$0x46A0];
	v37 =	vadd.f32 v38, v62  }
0x351: {  	v49 =	vld [tilespmem:s17+$0x4720]  }
0x352: {  	v50 =	vld [tilespmem:s17+$0x47A0];
	v51 =	vadd.f32 v59, v58;
	v41 =	vadd.f32 v61, v60;
	[tilespmem:s16+$0xB90] =	vst v37  }
0x353: {  	v52 =	vld [tilespmem:s17+$0x4820]  }
0x354: {  	v37 =	vadd.f32 v41, v51;
	v53 =	vld [tilespmem:s17+$0x48A0]  }
0x355: {  	v54 =	vld [tilespmem:s17+$0x4920]  }
0x356: {  	v55 =	vld [tilespmem:s17+$0x49A0];
	[tilespmem:s16+$0xC10] =	vst v37  }
0x357: {  	v56 =	vadd.f32 v48, v63;
	v38 =	vadd.f32 v50, v49;
	v57 =	vld [tilespmem:s17+$0x4A20]  }
0x358: {  	v58 =	vld [tilespmem:s17+$0x4AA0]  }
0x359: {  	v59 =	vld [tilespmem:s17+$0x4B20];
	v37 =	vadd.f32 v38, v56  }
0x35a: {  	v60 =	vld [tilespmem:s17+$0x4BA0]  }
0x35b: {  	v61 =	vld [tilespmem:s17+$0x45E0];
	[tilespmem:s16+$0xB20] =	vst v37;
	v42 =	vadd.f32 v53, v52;
	v41 =	vadd.f32 v55, v54  }
0x35c: {  	v62 =	vld [tilespmem:s17+$0x4630]  }
0x35d: {  	v63 =	vld [tilespmem:s17+$0x46B0];
	v41 =	vadd.f32 v41, v42  }
0x35e: {  	v48 =	vld [tilespmem:s17+$0x4730]  }
0x35f: {  	v49 =	vld [tilespmem:s17+$0x47B0];
	v39 =	vadd.f32 v58, v57;
	v38 =	vadd.f32 v60, v59;
	[tilespmem:s16+$0xBA0] =	vst v41  }
0x360: {  	v50 =	vld [tilespmem:s17+$0x4830]  }
0x361: {  	v38 =	vadd.f32 v38, v39;
	v51 =	vld [tilespmem:s17+$0x48B0]  }
0x362: {  	v52 =	vld [tilespmem:s17+$0x4930]  }
0x363: {  	v36 =	vadd.f32 v46, v36;
	v37 =	vadd.f32 v61, v47;
	v53 =	vld [tilespmem:s17+$0x49B0];
	[tilespmem:s16+$0xC20] =	vst v38  }
0x364: {  	v54 =	vadd.f32 v63, v62;
	v41 =	vadd.f32 v49, v48;
	v55 =	vld [tilespmem:s17+$0x4A30]  }
0x365: {  	v36 =	vadd.f32 v37, v36;
	v56 =	vld [tilespmem:s17+$0x4AB0]  }
0x366: {  	v57 =	vld [tilespmem:s17+$0x4B30];
	v38 =	vadd.f32 v41, v54  }
0x367: {  	[tilespmem:s16+$0xAE0] =	vst v36;
	v58 =	vld [tilespmem:s17+$0x4BB0]  }
0x368: {  	v43 =	vld [tilespmem:s17+$0x4470];
	[tilespmem:s16+$0xB30] =	vst v38;
	v59 =	vadd.f32 v51, v50;
	v39 =	vadd.f32 v53, v52  }
0x369: {  	v60 =	vld [tilespmem:s17+$0x4640]  }
0x36a: {  	v61 =	vld [tilespmem:s17+$0x46C0];
	v38 =	vadd.f32 v39, v59  }
0x36b: {  	v62 =	vld [tilespmem:s17+$0x4740]  }
0x36c: {  	v63 =	vld [tilespmem:s17+$0x47C0];
	v37 =	vadd.f32 v56, v55;
	v36 =	vadd.f32 v58, v57;
	[tilespmem:s16+$0xBB0] =	vst v38  }
0x36d: {  	v38 =	vld [tilespmem:s17+$0x4840]  }
0x36e: {  	v36 =	vadd.f32 v36, v37;
	v48 =	vld [tilespmem:s17+$0x48C0]  }
0x36f: {  	v49 =	vld [tilespmem:s17+$0x4940]  }
0x370: {  	v50 =	vld [tilespmem:s17+$0x49C0];
	[tilespmem:s16+$0xC30] =	vst v36  }
0x371: {  	v51 =	vadd.f32 v61, v60;
	v39 =	vadd.f32 v63, v62;
	v52 =	vld [tilespmem:s17+$0x4A40]  }
0x372: {  	v53 =	vld [tilespmem:s17+$0x4AC0]  }
0x373: {  	v54 =	vld [tilespmem:s17+$0x4B40];
	v36 =	vadd.f32 v39, v51  }
0x374: {  	v55 =	vld [tilespmem:s17+$0x4BC0]  }
0x375: {  	v46 =	vld [tilespmem:s17+$0x44F0];
	[tilespmem:s16+$0xB40] =	vst v36;
	v56 =	vadd.f32 v48, v38;
	v37 =	vadd.f32 v50, v49  }
0x376: {  	v57 =	vld [tilespmem:s17+$0x4650]  }
0x377: {  	v58 =	vld [tilespmem:s17+$0x46D0];
	v36 =	vadd.f32 v37, v56  }
0x378: {  	v59 =	vld [tilespmem:s17+$0x4750]  }
0x379: {  	v60 =	vld [tilespmem:s17+$0x47D0];
	v61 =	vadd.f32 v53, v52;
	v39 =	vadd.f32 v55, v54;
	[tilespmem:s16+$0xBC0] =	vst v36  }
0x37a: {  	v62 =	vld [tilespmem:s17+$0x4850]  }
0x37b: {  	v36 =	vadd.f32 v39, v61;
	v63 =	vld [tilespmem:s17+$0x48D0]  }
0x37c: {  	v48 =	vld [tilespmem:s17+$0x4950]  }
0x37d: {  	v49 =	vld [tilespmem:s17+$0x49D0];
	[tilespmem:s16+$0xC40] =	vst v36  }
0x37e: {  	v50 =	vadd.f32 v58, v57;
	v37 =	vadd.f32 v60, v59;
	v51 =	vld [tilespmem:s17+$0x4A50]  }
0x37f: {  	v52 =	vld [tilespmem:s17+$0x4AD0]  }
0x380: {  	v53 =	vld [tilespmem:s17+$0x4B50];
	v36 =	vadd.f32 v37, v50  }
0x381: {  	v54 =	vld [tilespmem:s17+$0x4BD0]  }
0x382: {  	[tilespmem:s16+$0xB50] =	vst v36;
	v36 =	vld [tilespmem:s17+$0x4570];
	v40 =	vadd.f32 v63, v62;
	v39 =	vadd.f32 v49, v48  }
0x383: {  	v55 =	vld [tilespmem:s17+$0x4660]  }
0x384: {  	v56 =	vld [tilespmem:s17+$0x46E0];
	v39 =	vadd.f32 v39, v40  }
0x385: {  	v57 =	vld [tilespmem:s17+$0x4760]  }
0x386: {  	v58 =	vld [tilespmem:s17+$0x47E0];
	v38 =	vadd.f32 v52, v51;
	v37 =	vadd.f32 v54, v53;
	[tilespmem:s16+$0xBD0] =	vst v39  }
0x387: {  	v59 =	vld [tilespmem:s17+$0x4860]  }
0x388: {  	v37 =	vadd.f32 v37, v38;
	v60 =	vld [tilespmem:s17+$0x48E0]  }
0x389: {  	v61 =	vld [tilespmem:s17+$0x4960]  }
0x38a: {  	v0 =	vadd.f32 v2, v0;
	v1 =	vadd.f32 v4, v1;
	v63 =	vld [tilespmem:s17+$0x49E0];
	[tilespmem:s16+$0xC50] =	vst v37  }
0x38b: {  	v45 =	vadd.f32 v56, v55;
	v47 =	vadd.f32 v58, v57;
	v48 =	vld [tilespmem:s17+$0x4A60]  }
0x38c: {  	v7 =	vadd.f32 v9, v7;
	v42 =	vadd.f32 v34, v26;
	v49 =	vld [tilespmem:s17+$0x4AE0]  }
0x38d: {  	v50 =	vadd.f32 v6, v5;
	v52 =	vld [tilespmem:s17+$0x4B60];
	v51 =	vadd.f32 v47, v45  }
0x38e: {  	v62 =	vadd.f32 v8, v3;
	v53 =	vadd.f32 v11, v10;
	v54 =	vld [tilespmem:s17+$0x4BE0]  }
0x38f: {  	v10 =	vld [tilespmem:s17+$0x45F0];
	[tilespmem:s16+$0xB60] =	vst v51;
	v55 =	vadd.f32 v60, v59;
	v3 =	vadd.f32 v63, v61  }
0x390: {  	v41 =	vadd.f32 v25, v24;
	v56 =	vadd.f32 v53, v7;
	v7 =	vld [tilespmem:s17+$0x4670]  }
0x391: {  	v1 =	vadd.f32 v50, v1;
	v5 =	vld [tilespmem:s17+$0x46F0];
	v3 =	vadd.f32 v3, v55  }
0x392: {  	v50 =	vadd.f32 v28, v27;
	v0 =	vadd.f32 v62, v0;
	v60 =	vld [tilespmem:s17+$0x4770]  }
0x393: {  	v62 =	vld [tilespmem:s17+$0x47F0];
	v2 =	vadd.f32 v49, v48;
	v61 =	vadd.f32 v54, v52;
	[tilespmem:s16+$0xBE0] =	vst v3  }
0x394: {  	v39 =	vadd.f32 v23, v22;
	v57 =	vadd.f32 v14, v12;
	v38 =	vld [tilespmem:s17+$0x4870]  }
0x395: {  	v58 =	vadd.f32 v15, v13;
	v2 =	vadd.f32 v61, v2;
	v40 =	vld [tilespmem:s17+$0x48F0]  }
0x396: {  	v37 =	vadd.f32 v21, v19;
	v53 =	vadd.f32 v32, v31;
	v44 =	vld [tilespmem:s17+$0x4970]  }
0x397: {  	v10 =	vadd.f32 v10, v36;
	v8 =	vadd.f32 v58, v57;
	v45 =	vld [tilespmem:s17+$0x49F0];
	[tilespmem:s16+$0xC60] =	vst v2  }
0x398: {  	[tilespmem:s16+$0x6F0] =	vst v1;
	v59 =	vadd.f32 v20, v17;
	v63 =	vadd.f32 v18, v16;
	v49 =	vld [tilespmem:s17+$0x4A70]  }
0x399: {  	v47 =	vadd.f32 v39, v37;
	[tilespmem:s16+$0x770] =	vst v56;
	v56 =	vadd.f32 v46, v43;
	v52 =	vld [tilespmem:s17+$0x4AF0]  }
0x39a: {  	[tilespmem:s16+$0x670] =	vst v0;
	v51 =	vadd.f32 v30, v29;
	v9 =	vadd.f32 v63, v59;
	v55 =	vld [tilespmem:s17+$0x4B70]  }
0x39b: {  	[tilespmem:s16+$0x7F0] =	vst v8;
	v48 =	vadd.f32 v42, v41;
	v54 =	vadd.f32 v35, v33;
	v57 =	vld [tilespmem:s17+$0x4BF0]  }
0x39c: {  	[tilespmem:s16+$0x8F0] =	vst v47;
	v5 =	vadd.f32 v5, v7;
	v6 =	vadd.f32 v62, v60  }
0x39d: {  	v58 =	vadd.f32 v51, v50;
	[tilespmem:s16+$0x870] =	vst v9;
	v59 =	vadd.f32 v54, v53  }
0x39e: {  	[tilespmem:s16+$0x970] =	vst v48;
	v60 =	vadd.f32 v10, v56;
	v5 =	vadd.f32 v6, v5  }
0x39f: {  	p2 =	sne.s32 s15, $0x7;
	[tilespmem:s16+$0x9F0] =	vst v58;
	v61 =	vadd.f32 v40, v38;
	v2 =	vadd.f32 v45, v44  }
.Ltmp6:
0x3a0: {  	[tilespmem:s16+$0xA70] =	vst v59;
	v62 =	vadd.f32 v52, v49;
	v63 =	vadd.f32 v57, v55;
	(pc) =	sbr.rel @p2 .LBB2_9-.Ltmp6, $4  }
0x3a1: {  	[tilespmem:s16+$0xAF0] =	vst v60;
	v0 =	vadd.f32 v2, v61  }
0x3a2: {  	[tilespmem:s16+$0xB70] =	vst v5;
	v1 =	vadd.f32 v63, v62  }
0x3a3: {  	[tilespmem:s16+$0xBF0] =	vst v0  }
0x3a4: {  	[tilespmem:s16+$0xC70] =	vst v1  }
.Ltmp7:
0x3a5: {  	(pc) =	sbr.rel @!p0 .LBB2_8-.Ltmp7, $1  }
0x3a6: {  	_ =	sdelay $0x3  }
0x3a7: {  	s15 =	simm.s32 $0x0  }
0x3a8: {  	v0 =	vld [tilespmem:s15+$0x1800];
	_ =	sdelay $0x4  }
0x3a9: {  	(v2sf) =	vpush v0, $0x0;
	_ =	sdelay $0xe  }
0x3aa: {  	s17 =	spop (v2sf)  }
0x3ab: {  	s16 =	sshll.u32 s0, $0x7;
	p2 =	sgt.f32 s17, $0.0e+00  }
0x3ac: {  	s15 =	sand.u32 $0x3FFFFF80, s16  }
0x3ad: {  	v1 =	vld @p2 [tilespmem:s15+$0x14A00]  }
0x3ae: {  	s13 =	sadd.s32 $0x8240, s13  }
0x3af: {  	v2 =	vld @p2 [tilespmem:s13+$0xFFFFFFC0]  }
0x3b0: {  	v0 =	vbroadcast @p2 v0, $0x0;
	_ =	sdelay $0x1  }
0x3b1: {  	v1 =	vmul.f32 @p2 v1, v0;
	_ =	sdelay $0x1  }
0x3b2: {  	v1 =	vsub.f32 @p2 v2, v1;
	_ =	sdelay $0x1  }
0x3b3: {  	[tilespmem:s13+$0xFFFFFFC0] =	vst @p2 v1  }
0x3b4: {  	v1 =	vld @p2 [tilespmem:s15+$0x14A10];
	_ =	sdelay $0x1  }
0x3b5: {  	v3 =	vld @p2 [tilespmem:s13+$0xFFFFFFD0];
	_ =	sdelay $0x2  }
0x3b6: {  	v1 =	vmul.f32 @p2 v1, v0;
	_ =	sdelay $0x1  }
0x3b7: {  	v1 =	vsub.f32 @p2 v3, v1;
	_ =	sdelay $0x1  }
0x3b8: {  	[tilespmem:s13+$0xFFFFFFD0] =	vst @p2 v1  }
0x3b9: {  	v1 =	vld @p2 [tilespmem:s15+$0x14A20];
	_ =	sdelay $0x1  }
0x3ba: {  	v3 =	vld @p2 [tilespmem:s13+$0xFFFFFFE0];
	_ =	sdelay $0x2  }
0x3bb: {  	v1 =	vmul.f32 @p2 v1, v0;
	_ =	sdelay $0x1  }
0x3bc: {  	v1 =	vsub.f32 @p2 v3, v1;
	_ =	sdelay $0x1  }
0x3bd: {  	[tilespmem:s13+$0xFFFFFFE0] =	vst @p2 v1  }
0x3be: {  	v1 =	vld @p2 [tilespmem:s15+$0x14A30];
	_ =	sdelay $0x1  }
0x3bf: {  	v2 =	vld @p2 [tilespmem:s13+$0xFFFFFFF0];
	_ =	sdelay $0x2  }
0x3c0: {  	v1 =	vmul.f32 @p2 v1, v0;
	_ =	sdelay $0x1  }
0x3c1: {  	v1 =	vsub.f32 @p2 v2, v1;
	_ =	sdelay $0x1  }
0x3c2: {  	[tilespmem:s13+$0xFFFFFFF0] =	vst @p2 v1  }
0x3c3: {  	v1 =	vld @p2 [tilespmem:s15+$0x14A40];
	_ =	sdelay $0x1  }
0x3c4: {  	v2 =	vld @p2 [tilespmem:s13+$0x0];
	_ =	sdelay $0x2  }
0x3c5: {  	v1 =	vmul.f32 @p2 v1, v0;
	_ =	sdelay $0x1  }
0x3c6: {  	v1 =	vsub.f32 @p2 v2, v1;
	_ =	sdelay $0x1  }
0x3c7: {  	[tilespmem:s13+$0x0] =	vst @p2 v1  }
0x3c8: {  	v1 =	vld @p2 [tilespmem:s15+$0x14A50];
	_ =	sdelay $0x1  }
0x3c9: {  	v3 =	vld @p2 [tilespmem:s13+$0x10];
	_ =	sdelay $0x2  }
0x3ca: {  	v1 =	vmul.f32 @p2 v1, v0;
	_ =	sdelay $0x1  }
0x3cb: {  	v1 =	vsub.f32 @p2 v3, v1;
	_ =	sdelay $0x1  }
0x3cc: {  	[tilespmem:s13+$0x10] =	vst @p2 v1  }
0x3cd: {  	v1 =	vld @p2 [tilespmem:s15+$0x14A60];
	_ =	sdelay $0x1  }
0x3ce: {  	v3 =	vld @p2 [tilespmem:s13+$0x20];
	_ =	sdelay $0x2  }
0x3cf: {  	v1 =	vmul.f32 @p2 v1, v0;
	_ =	sdelay $0x1  }
0x3d0: {  	v1 =	vsub.f32 @p2 v3, v1;
	_ =	sdelay $0x1  }
0x3d1: {  	[tilespmem:s13+$0x20] =	vst @p2 v1  }
0x3d2: {  	v1 =	vld @p2 [tilespmem:s15+$0x14A70];
	_ =	sdelay $0x1  }
0x3d3: {  	v2 =	vld @p2 [tilespmem:s13+$0x30];
	_ =	sdelay $0x2  }
0x3d4: {  	v0 =	vmul.f32 @p2 v1, v0;
	_ =	sdelay $0x1  }
0x3d5: {  	v0 =	vsub.f32 @p2 v2, v0  }
0x3d6: {  	s16 =	simm.s32 $0x4  }
.LBB2_6:
0x3d7: {  	s17 =	sshra.s32 s16, $0x2;
	s16 =	sadd.s32 $0x4, s16;
	[tilespmem:s13+$0x30] =	vst @p2 v0  }
0x3d8: {  	v0 =	vld [tilespmem:s17+$0x1800];
	p3 =	sne.s32 s16, $0x320;
	_ =	sdelay $0x4  }
0x3d9: {  	(v2sf) =	vpush v0, $0x0;
	_ =	sdelay $0xe  }
0x3da: {  	s17 =	spop (v2sf)  }
0x3db: {  	p2 =	sgt.f32 s17, $0.0e+00;
	_ =	sdelay $0x1  }
0x3dc: {  	s13 =	sadd.s32 $0x80, s13;
	v1 =	vld @p2 [tilespmem:s15+$0x14A00]  }
0x3dd: {  	v2 =	vld @p2 [tilespmem:s13+$0xFFFFFFD0]  }
0x3de: {  	v3 =	vld @p2 [tilespmem:s13+$0xFFFFFFC0]  }
0x3df: {  	v0 =	vbroadcast @p2 v0, $0x0;
	v4 =	vld @p2 [tilespmem:s13+$0xFFFFFFF0]  }
0x3e0: {  	v5 =	vld @p2 [tilespmem:s13+$0x10]  }
0x3e1: {  	v1 =	vmul.f32 @p2 v1, v0;
	v6 =	vld @p2 [tilespmem:s13+$0x30];
	_ =	sdelay $0x1  }
0x3e2: {  	v1 =	vsub.f32 @p2 v3, v1;
	_ =	sdelay $0x1  }
0x3e3: {  	[tilespmem:s13+$0xFFFFFFC0] =	vst @p2 v1  }
0x3e4: {  	v1 =	vld @p2 [tilespmem:s15+$0x14A10];
	_ =	sdelay $0x4  }
0x3e5: {  	v1 =	vmul.f32 @p2 v1, v0;
	_ =	sdelay $0x1  }
0x3e6: {  	v1 =	vsub.f32 @p2 v2, v1;
	_ =	sdelay $0x1  }
0x3e7: {  	[tilespmem:s13+$0xFFFFFFD0] =	vst @p2 v1  }
0x3e8: {  	v1 =	vld @p2 [tilespmem:s15+$0x14A20];
	_ =	sdelay $0x1  }
0x3e9: {  	v2 =	vld @p2 [tilespmem:s13+$0xFFFFFFE0];
	_ =	sdelay $0x2  }
0x3ea: {  	v1 =	vmul.f32 @p2 v1, v0;
	_ =	sdelay $0x1  }
0x3eb: {  	v1 =	vsub.f32 @p2 v2, v1;
	_ =	sdelay $0x1  }
0x3ec: {  	[tilespmem:s13+$0xFFFFFFE0] =	vst @p2 v1  }
0x3ed: {  	v1 =	vld @p2 [tilespmem:s15+$0x14A30];
	_ =	sdelay $0x4  }
0x3ee: {  	v1 =	vmul.f32 @p2 v1, v0;
	_ =	sdelay $0x1  }
0x3ef: {  	v1 =	vsub.f32 @p2 v4, v1;
	_ =	sdelay $0x1  }
0x3f0: {  	[tilespmem:s13+$0xFFFFFFF0] =	vst @p2 v1  }
0x3f1: {  	v1 =	vld @p2 [tilespmem:s15+$0x14A40];
	_ =	sdelay $0x1  }
0x3f2: {  	v2 =	vld @p2 [tilespmem:s13+$0x0];
	_ =	sdelay $0x2  }
0x3f3: {  	v1 =	vmul.f32 @p2 v1, v0;
	_ =	sdelay $0x1  }
0x3f4: {  	v1 =	vsub.f32 @p2 v2, v1;
	_ =	sdelay $0x1  }
0x3f5: {  	[tilespmem:s13+$0x0] =	vst @p2 v1  }
0x3f6: {  	v1 =	vld @p2 [tilespmem:s15+$0x14A50];
	_ =	sdelay $0x4  }
0x3f7: {  	v1 =	vmul.f32 @p2 v1, v0;
	_ =	sdelay $0x1  }
0x3f8: {  	v1 =	vsub.f32 @p2 v5, v1;
	_ =	sdelay $0x1  }
0x3f9: {  	[tilespmem:s13+$0x10] =	vst @p2 v1  }
0x3fa: {  	v1 =	vld @p2 [tilespmem:s15+$0x14A60];
	_ =	sdelay $0x1  }
0x3fb: {  	v2 =	vld @p2 [tilespmem:s13+$0x20];
	_ =	sdelay $0x2  }
0x3fc: {  	v1 =	vmul.f32 @p2 v1, v0;
	_ =	sdelay $0x1  }
0x3fd: {  	v1 =	vsub.f32 @p2 v2, v1;
	_ =	sdelay $0x1  }
0x3fe: {  	[tilespmem:s13+$0x20] =	vst @p2 v1  }
0x3ff: {  	v1 =	vld @p2 [tilespmem:s15+$0x14A70];
	_ =	sdelay $0x2  }
.Ltmp8:
0x400: {  	(pc) =	sbr.rel @p3 .LBB2_6-.Ltmp8, $3  }
0x401: {  	_ = 	snop  }
0x402: {  	v0 =	vmul.f32 @p2 v1, v0;
	_ =	sdelay $0x1  }
0x403: {  	v0 =	vsub.f32 @p2 v6, v0  }
.Ltmp9:
0x404: {  	_ = 	snop;
	(pc) =	sbr.rel .LBB2_7-.Ltmp9, $1  }
0x405: {  	_ =	sdelay $0x3  }
.LBB2_12:
0x406: {  	_ =	sfence.sel $0x180000  }
0x407: {  	[bflag:$0x0] =	sbarrier.arrive $0xFFFF  }
0x408: {  	_ =	strace $0x90000047  }
0x409: {  	s0 =	stileid.u32;
	[bflag:$0x2] =	sbarrier.arrive $0xFFFF  }
0x40a: {  	p0 =	sne.s32 s0, $0x0;
	s0 =	rddreg [dreg:$0x2]  }
0x40b: {  	s0 =	sadd.s32 @!p0 $0x100000, s0  }
0x40c: {  	[sflag:s0] =	ssyncadd.tile.s32 @!p0 $0x1;
	_ =	shalt  }
.Lfunc_end2:
_tile_overlayer_lowered:
.L_overlay_start_2:
0x40d: {  	(tag) =	ssettag $0x2  }
0x40e: {  	s0 =	rddreg [dreg:$0x0];
	s2 =	stileid.u32  }
0x40f: {  	s1 =	rddreg [dreg:$0x1];
	p0 =	sne.s32 s2, $0x0  }
0x410: {  	s3 =	rddreg [dreg:$0x2];
	[bflag:$0x3] =	sbarrier.arrive $0xFFFF;
	s2 =	simm.s32 @!p0 $0x1C03  }
0x411: {  	[timem:s3], [sflag:s2] =	dma.local @!p0 [hbm:s0], s1  }
0x412: {  	s0 =	simm.s32 @!p0 $0x3  }
0x413: {  	_ =	swait.ge @!p0 [sflag:s0], s1  }
0x414: {  	s1 =	ssub.s32 @!p0 $0x0, s1;
	[sflag:s0] =	ssyncset.done @!p0 $0x0  }
0x415: {  	[sflag:s0] =	ssyncadd.s32 @!p0 s1  }
0x416: {  	[bflag:$0x3] =	sbarrier.arrive $0xFFFF  }
0x417: {  	_ =	shalt  }

</sc_bundles>
